<compile_context>
chip_gen: v7x
topology: tpu7x:2x2x1
jax: 0.10.2.dev20260603
libtpu: 0.0.44.dev20260713+nightly
codegen_flags: <defaults>
</compile_context>

<pallas_src>
import functools

import jax
import jax.numpy as jnp
from jax import lax
from jax.experimental import pallas as pl
from jax.experimental.pallas import tpu as pltpu
from jax.experimental.pallas import tpu_sc as plsc

N_NODES = 10000
N_FEAT = 128
N_CLASS = 64
N_EDGES = 320000

NPAD = 10240
NW = 32
EPW = N_EDGES // NW
K = 80
NCHUNK = EPW // K
RPT = NPAD // 16

_MESH = plsc.VectorSubcoreMesh(core_axis_name="c", subcore_axis_name="s")



_DNB = 4
_DLEAD = 2


@functools.partial(
    pl.kernel,
    mesh=_MESH,
    out_type=jax.ShapeDtypeStruct((2, NPAD), jnp.float32),
    scratch_types=(
        [pltpu.VMEM((K,), jnp.float32)]
        + [pltpu.VMEM((K,), jnp.int32)] * _DNB
        + [pltpu.VMEM_SHARED((NPAD,), jnp.float32)]
        + [pltpu.SemaphoreType.DMA] * (2 * _DNB)
    ),
)
def _sc_degree(dst_hbm, ones_hbm, zeros_hbm, out_hbm, ones_v, *rest):
    dsts = rest[0:_DNB]
    acc_sh = rest[_DNB]
    sems = rest[_DNB + 1:]
    sd = sems[0:_DNB]
    sc_ = sems[_DNB:2 * _DNB]
    c = lax.axis_index("c")
    s = lax.axis_index("s")
    r0 = s * RPT
    pltpu.sync_copy(zeros_hbm.at[pl.ds(r0, RPT)], acc_sh.at[pl.ds(r0, RPT)])
    pltpu.sync_copy(ones_hbm.at[pl.ds(0, K)], ones_v)
    plsc.subcore_barrier()
    ebase = (s * 2 + c) * EPW

    def dst_sl(i):
        return dst_hbm.at[pl.ds(ebase + i * K, K)]

    for b in range(_DLEAD):
        pltpu.async_copy(dst_sl(b), dsts[b], sd[b])

    def body(jg, carry):
        for b in range(_DNB):
            i = jg * _DNB + b
            b2 = (b + _DLEAD) % _DNB

            @pl.when(i < NCHUNK)
            def _():
                pltpu.make_async_copy(dst_sl(i), dsts[b], sd[b]).wait()
                pltpu.async_copy(ones_v, acc_sh.at[dsts[b]], sc_[b], add=True)

                @pl.when(i >= _DLEAD)
                def _():
                    pltpu.make_async_copy(
                        ones_v, acc_sh.at[dsts[b2]], sc_[b2]).wait()

                @pl.when(i + _DLEAD < NCHUNK)
                def _():
                    pltpu.async_copy(dst_sl(i + _DLEAD), dsts[b2], sd[b2])
        return carry

    lax.fori_loop(0, -(-NCHUNK // _DNB), body, 0)
    for i in range(NCHUNK - _DLEAD, NCHUNK):
        b = i % _DNB
        pltpu.make_async_copy(ones_v, acc_sh.at[dsts[b]], sc_[b]).wait()
    plsc.subcore_barrier()
    pltpu.sync_copy(acc_sh.at[pl.ds(r0, RPT)], out_hbm.at[c, pl.ds(r0, RPT)])


NB = 4
LEAD = 2
NGRP = -(-NCHUNK // NB)


@functools.partial(
    pl.kernel,
    mesh=_MESH,
    out_type=jax.ShapeDtypeStruct((2, NPAD, N_FEAT), jnp.float32),
    scratch_types=(
        [pltpu.VMEM((K,), jnp.int32)] * NB
        + [pltpu.VMEM((K,), jnp.int32)] * NB
        + [pltpu.VMEM((K, N_FEAT), jnp.float32)] * NB
        + [pltpu.VMEM_SHARED((NPAD, N_FEAT), jnp.float32)]
        + [pltpu.SemaphoreType.DMA] * (4 * NB)
    ),
)
def _sc_scatter(g_hbm, src_hbm, dst_hbm, zeros_hbm, out_hbm, *rest):
    srcs = rest[0:NB]
    dsts = rest[NB:2 * NB]
    rows = rest[2 * NB:3 * NB]
    acc_sh = rest[3 * NB]
    sems = rest[3 * NB + 1:]
    ss = sems[0:NB]
    sd = sems[NB:2 * NB]
    sg = sems[2 * NB:3 * NB]
    sc_ = sems[3 * NB:4 * NB]
    c = lax.axis_index("c")
    s = lax.axis_index("s")
    r0 = s * RPT
    pltpu.sync_copy(zeros_hbm.at[pl.ds(r0, RPT)], acc_sh.at[pl.ds(r0, RPT)])
    plsc.subcore_barrier()
    ebase = (s * 2 + c) * EPW

    def src_sl(i):
        return src_hbm.at[pl.ds(ebase + i * K, K)]

    def dst_sl(i):
        return dst_hbm.at[pl.ds(ebase + i * K, K)]

    for b in range(LEAD):
        pltpu.sync_copy(src_sl(b), srcs[b])
        pltpu.async_copy(g_hbm.at[srcs[b]], rows[b], sg[b])
        pltpu.async_copy(dst_sl(b), dsts[b], sd[b])
    for b in range(LEAD, NB):
        pltpu.async_copy(src_sl(b), srcs[b], ss[b])

    def group(jg, carry):
        for b in range(NB):
            i = jg * NB + b
            b2 = (b + LEAD) % NB

            @pl.when(i < NCHUNK)
            def _():
                pltpu.make_async_copy(g_hbm.at[srcs[b]], rows[b], sg[b]).wait()

                @pl.when(i + NB < NCHUNK)
                def _():
                    pltpu.async_copy(src_sl(i + NB), srcs[b], ss[b])

                pltpu.make_async_copy(dst_sl(i), dsts[b], sd[b]).wait()
                pltpu.async_copy(rows[b], acc_sh.at[dsts[b]], sc_[b],
                                 add=True)

                @pl.when(i >= LEAD)
                def _():
                    pltpu.make_async_copy(
                        rows[b2], acc_sh.at[dsts[b2]], sc_[b2]).wait()

                @pl.when(i + LEAD < NCHUNK)
                def _():
                    pltpu.make_async_copy(
                        src_sl(i + LEAD), srcs[b2], ss[b2]).wait()
                    pltpu.async_copy(g_hbm.at[srcs[b2]], rows[b2], sg[b2])
                    pltpu.async_copy(dst_sl(i + LEAD), dsts[b2], sd[b2])
        return carry

    lax.fori_loop(0, NGRP, group, 0)
    for i in range(NCHUNK - LEAD, NCHUNK):
        b = i % NB
        pltpu.make_async_copy(rows[b], acc_sh.at[dsts[b]], sc_[b]).wait()
    plsc.subcore_barrier()
    pltpu.sync_copy(acc_sh.at[pl.ds(r0, RPT)], out_hbm.at[c, pl.ds(r0, RPT)])



_R = 1024
_GRID = NPAD // _R


def _m0_body(x_ref, w_ref, dinv_ref, g_ref):
    g_ref[...] = dinv_ref[...] * jnp.dot(
        x_ref[...], w_ref[...], preferred_element_type=jnp.float32)


def _mid_body(p_ref, g_ref, dinv_ref, b_ref, w_ref, h_ref, gn_ref):
    dinv = dinv_ref[...]
    h = jnp.maximum(dinv * (p_ref[0] + p_ref[1] + g_ref[...]) + b_ref[...], 0.0)
    h_ref[...] = h
    gn_ref[...] = dinv * jnp.dot(h, w_ref[...], preferred_element_type=jnp.float32)


def _fin_body(p_ref, g_ref, dinv_ref, b_ref, h1_ref, h2_ref, q_ref,
              wout_ref, bout_ref, out_ref, alpha_ref):
    dinv = dinv_ref[...]
    h3 = jnp.maximum(dinv * (p_ref[0] + p_ref[1] + g_ref[...]) + b_ref[...], 0.0)
    h1 = h1_ref[...]
    h2 = h2_ref[...]
    q = q_ref[...]
    s1 = jnp.sum(h1 * q, axis=1, keepdims=True)
    s2 = jnp.sum(h2 * q, axis=1, keepdims=True)
    s3 = jnp.sum(h3 * q, axis=1, keepdims=True)
    m = jnp.maximum(jnp.maximum(s1, s2), s3)
    e1 = jnp.exp(s1 - m)
    e2 = jnp.exp(s2 - m)
    e3 = jnp.exp(s3 - m)
    den = e1 + e2 + e3
    a1 = e1 / den
    a2 = e2 / den
    a3 = e3 / den
    hsum = a1 * h1 + a2 * h2 + a3 * h3
    out_ref[...] = jnp.dot(
        hsum, wout_ref[...], preferred_element_type=jnp.float32) + bout_ref[...]
    cols = lax.broadcasted_iota(jnp.int32, alpha_ref.shape, 1)
    alpha_ref[...] = jnp.where(
        cols == 0, a1, jnp.where(cols == 1, a2, jnp.where(cols == 2, a3, 0.0)))


def _row_spec(width):
    return pl.BlockSpec((_R, width), lambda i: (i, 0))


def _full_spec(shape):
    nd = len(shape)
    return pl.BlockSpec(shape, lambda i: (0,) * nd)


_P_SPEC = pl.BlockSpec((2, _R, N_FEAT), lambda i: (0, i, 0))

_m0 = pl.pallas_call(
    _m0_body,
    grid=(_GRID,),
    in_specs=[_row_spec(N_FEAT), _full_spec((N_FEAT, N_FEAT)), _row_spec(1)],
    out_specs=_row_spec(N_FEAT),
    out_shape=jax.ShapeDtypeStruct((NPAD, N_FEAT), jnp.float32),
)

_mid = pl.pallas_call(
    _mid_body,
    grid=(_GRID,),
    in_specs=[_P_SPEC, _row_spec(N_FEAT), _row_spec(1),
              _full_spec((1, N_FEAT)), _full_spec((N_FEAT, N_FEAT))],
    out_specs=[_row_spec(N_FEAT), _row_spec(N_FEAT)],
    out_shape=[jax.ShapeDtypeStruct((NPAD, N_FEAT), jnp.float32),
               jax.ShapeDtypeStruct((NPAD, N_FEAT), jnp.float32)],
)

_fin = pl.pallas_call(
    _fin_body,
    grid=(_GRID,),
    in_specs=[_P_SPEC, _row_spec(N_FEAT), _row_spec(1),
              _full_spec((1, N_FEAT)), _row_spec(N_FEAT), _row_spec(N_FEAT),
              _full_spec((1, N_FEAT)), _full_spec((N_FEAT, N_CLASS)),
              _full_spec((1, N_CLASS))],
    out_specs=[_row_spec(N_CLASS), _row_spec(N_FEAT)],
    out_shape=[jax.ShapeDtypeStruct((NPAD, N_CLASS), jnp.float32),
               jax.ShapeDtypeStruct((NPAD, N_FEAT), jnp.float32)],
)


def kernel(x, edge_index, W0, b0, W1, b1, W2, b2, q, Wout, bout):
    src = edge_index[0]
    dst = edge_index[1]
    xp = jnp.pad(x, ((0, NPAD - N_NODES), (0, 0)))
    zerosF = jnp.zeros((NPAD, N_FEAT), jnp.float32)
    zerosN = jnp.zeros((NPAD,), jnp.float32)
    onesK = jnp.ones((K,), jnp.float32)

    degp = _sc_degree(dst, onesK, zerosN)
    dinv = lax.rsqrt(degp[0] + degp[1] + 1.0).reshape(NPAD, 1)

    g0 = _m0(xp, W0, dinv)
    p0 = _sc_scatter(g0, src, dst, zerosF)
    h1, g1 = _mid(p0, g0, dinv, b0.reshape(1, -1), W1)
    p1 = _sc_scatter(g1, src, dst, zerosF)
    h2, g2 = _mid(p1, g1, dinv, b1.reshape(1, -1), W2)
    p2 = _sc_scatter(g2, src, dst, zerosF)
    out_pad, alpha_pad = _fin(p2, g2, dinv, b2.reshape(1, -1), h1, h2,
                              q.reshape(1, -1), Wout, bout.reshape(1, -1))
    return out_pad[:N_NODES], alpha_pad[:N_NODES, :3]

# --- scband reference (transcript-rebuilt; emitter-appended) ---
"""Pipeline reference for scband-att-gnn-gcnconv-78503412236426 (READ-ONLY COPY).

The authoritative reference and input builder live on the scoring server;
editing this copy changes nothing except your own understanding.
"""

import jax, jax.numpy as jnp
import numpy as np

N_NODES = 10000
N_EDGES = 320000
N_FEAT = 128
N_HID = 128
N_CLASS = 64
N_LAYER = 3
TEMPERATURE = 1.0


def setup_inputs(seed: int = 0) -> dict:
    key = jax.random.key(seed)
    ks = jax.random.split(key, 12)
    x = jax.random.normal(ks[0], (N_NODES, N_FEAT), dtype=jnp.float32)
    edge_index = jax.random.randint(ks[1], (2, N_EDGES), 0, N_NODES, dtype=jnp.int32)
    s0 = 1.0 / np.sqrt(N_FEAT)
    s1 = 1.0 / np.sqrt(N_HID)
    W0 = jax.random.uniform(ks[2], (N_FEAT, N_HID), jnp.float32, -s0, s0)
    b0 = jnp.zeros((N_HID,), jnp.float32)
    W1 = jax.random.uniform(ks[3], (N_HID, N_HID), jnp.float32, -s1, s1)
    b1 = jnp.zeros((N_HID,), jnp.float32)
    W2 = jax.random.uniform(ks[4], (N_HID, N_HID), jnp.float32, -s1, s1)
    b2 = jnp.zeros((N_HID,), jnp.float32)
    q = jax.random.normal(ks[5], (N_HID,), jnp.float32) * s1
    Wout = jax.random.uniform(ks[6], (N_HID, N_CLASS), jnp.float32, -s1, s1)
    bout = jnp.zeros((N_CLASS,), jnp.float32)
    return {"x": x, "edge_index": edge_index, "W0": W0, "b0": b0, "W1": W1, "b1": b1, "W2": W2, "b2": b2, "q": q, "Wout": Wout, "bout": bout}


def _gcn_conv(x, src, dst, norm, W, b):
    h = x @ W
    msg = h[src] * norm[:, None]
    agg = jnp.zeros((N_NODES, h.shape[1]), dtype=h.dtype).at[dst].add(msg)
    return agg + b


def reference(x, edge_index, W0, b0, W1, b1, W2, b2, q, Wout, bout):
    # add self-loops (cfg.self_node=True)
    loop = jnp.arange(N_NODES, dtype=edge_index.dtype)
    src = jnp.concatenate([edge_index[0], loop])
    dst = jnp.concatenate([edge_index[1], loop])
    # symmetric GCN normalization
    deg = jnp.zeros((N_NODES,), jnp.float32).at[dst].add(1.0)
    dinv = jnp.where(deg > 0, deg ** -0.5, 0.0)
    norm = dinv[src] * dinv[dst]
    hs = []
    h = x
    for (W, b) in ((W0, b0), (W1, b1), (W2, b2)):
        h = _gcn_conv(h, src, dst, norm, W, b)
        h = jax.nn.relu(h)  # dropout is identity in eval mode
        hs.append(h)
    # AttentionSummarize over layer outputs
    H = jnp.stack(hs, axis=1)  # [N, L, C]
    scores = jnp.einsum('nlc,c->nl', H, q) / TEMPERATURE
    alpha = jax.nn.softmax(scores, axis=1)
    hsum = jnp.einsum('nl,nlc->nc', alpha, H)
    out = hsum @ Wout + bout
    return (out, alpha)

if __name__ == "__main__":
    import jax
    _d = setup_inputs()
    print(jax.jit(kernel)(*tuple(_d.values())))

</pallas_src>

<mosaic_0001>
#map = affine_map<(d0, d1) -> (0, 0)>
#map1 = affine_map<(d0, d1) -> (0)>
#map2 = affine_map<(d0, d1) -> (0, 0, 0)>
module attributes {stable_mosaic.version = 14 : i64} {
  func.func @_sc_scatter(%arg0: i32, %arg1: i32, %arg2: memref<10240x128xf32, #tpu.memory_space<hbm>>, %arg3: memref<320000xi32, #tpu.memory_space<hbm>>, %arg4: memref<320000xi32, #tpu.memory_space<hbm>>, %arg5: memref<10240x128xf32, #tpu.memory_space<hbm>>, %arg6: memref<2x10240x128xf32, #tpu.memory_space<hbm>>, %arg7: memref<80xi32, #tpu.memory_space<vmem>>, %arg8: memref<80xi32, #tpu.memory_space<vmem>>, %arg9: memref<80xi32, #tpu.memory_space<vmem>>, %arg10: memref<80xi32, #tpu.memory_space<vmem>>, %arg11: memref<80xi32, #tpu.memory_space<vmem>>, %arg12: memref<80xi32, #tpu.memory_space<vmem>>, %arg13: memref<80xi32, #tpu.memory_space<vmem>>, %arg14: memref<80xi32, #tpu.memory_space<vmem>>, %arg15: memref<80x128xf32, #tpu.memory_space<vmem>>, %arg16: memref<80x128xf32, #tpu.memory_space<vmem>>, %arg17: memref<80x128xf32, #tpu.memory_space<vmem>>, %arg18: memref<80x128xf32, #tpu.memory_space<vmem>>, %arg19: memref<10240x128xf32, #tpu.memory_space<vmem_shared>>, %arg20: memref<!tpu.dma_semaphore, #tpu.memory_space<semaphore_mem>>, %arg21: memref<!tpu.dma_semaphore, #tpu.memory_space<semaphore_mem>>, %arg22: memref<!tpu.dma_semaphore, #tpu.memory_space<semaphore_mem>>, %arg23: memref<!tpu.dma_semaphore, #tpu.memory_space<semaphore_mem>>, %arg24: memref<!tpu.dma_semaphore, #tpu.memory_space<semaphore_mem>>, %arg25: memref<!tpu.dma_semaphore, #tpu.memory_space<semaphore_mem>>, %arg26: memref<!tpu.dma_semaphore, #tpu.memory_space<semaphore_mem>>, %arg27: memref<!tpu.dma_semaphore, #tpu.memory_space<semaphore_mem>>, %arg28: memref<!tpu.dma_semaphore, #tpu.memory_space<semaphore_mem>>, %arg29: memref<!tpu.dma_semaphore, #tpu.memory_space<semaphore_mem>>, %arg30: memref<!tpu.dma_semaphore, #tpu.memory_space<semaphore_mem>>, %arg31: memref<!tpu.dma_semaphore, #tpu.memory_space<semaphore_mem>>, %arg32: memref<!tpu.dma_semaphore, #tpu.memory_space<semaphore_mem>>, %arg33: memref<!tpu.dma_semaphore, #tpu.memory_space<semaphore_mem>>, %arg34: memref<!tpu.dma_semaphore, #tpu.memory_space<semaphore_mem>>, %arg35: memref<!tpu.dma_semaphore, #tpu.memory_space<semaphore_mem>>) attributes {dimension_semantics = [#tpu.dimension_semantics<core_parallel>, #tpu.dimension_semantics<subcore_parallel>], iteration_bounds = array<i64: 2, 16>, scalar_prefetch = 0 : i64, scratch_operands = 29 : i64, tpu.core_type = #tpu.core_type<sc_vector_subcore>, window_params = [{transform_indices = #map}, {transform_indices = #map1}, {transform_indices = #map1}, {transform_indices = #map}, {transform_indices = #map2}]} {
    %mul3A = arith.constant 640 : i32
    %mul3A_0 = arith.muli %arg1, %mul3A : i32
    "tpu.region"() ({
      %run_scoped3A = tpu.sem_alloc : memref<!tpu.dma_semaphore, #tpu.memory_space<semaphore_mem>>
      %dma_start3A_41 = arith.constant 0 : i32
      %dma_start3A_42 = tpu.memref_slice %arg19[%mul3A_0, %dma_start3A_41] : memref<10240x128xf32, #tpu.memory_space<vmem_shared>> -> memref<640x128xf32, #tpu.memory_space<vmem_shared>>
      %dma_start3A_43 = arith.constant 0 : i32
      %dma_start3A_44 = tpu.memref_slice %arg5[%mul3A_0, %dma_start3A_43] : memref<10240x128xf32, #tpu.memory_space<hbm>> -> memref<640x128xf32, #tpu.memory_space<hbm>>
      tpu.enqueue_dma source(%dma_start3A_44 : memref<640x128xf32, #tpu.memory_space<hbm>>) target(%dma_start3A_42 : memref<640x128xf32, #tpu.memory_space<vmem_shared>>) target_semaphore(%run_scoped3A : memref<!tpu.dma_semaphore, #tpu.memory_space<semaphore_mem>>)
      %dma_wait3A_45 = arith.constant 0 : i32
      %dma_wait3A_46 = tpu.memref_slice %arg19[%mul3A_0, %dma_wait3A_45] : memref<10240x128xf32, #tpu.memory_space<vmem_shared>> -> memref<640x128xf32, #tpu.memory_space<vmem_shared>>
      %dma_wait3A_47 = arith.constant 0 : i32
      %dma_wait3A_48 = tpu.memref_slice %arg5[%mul3A_0, %dma_wait3A_47] : memref<10240x128xf32, #tpu.memory_space<hbm>> -> memref<640x128xf32, #tpu.memory_space<hbm>>
      tpu.wait_dma2 semaphore(%run_scoped3A : memref<!tpu.dma_semaphore, #tpu.memory_space<semaphore_mem>>) src(%dma_wait3A_48 : memref<640x128xf32, #tpu.memory_space<hbm>>) dst(%dma_wait3A_46 : memref<640x128xf32, #tpu.memory_space<vmem_shared>>)
      tpu.yield
    }) : () -> ()
    %barrier3A = arith.constant 0 : index
    tpu.barrier barrier_id(%barrier3A)
    %mul3A_1 = arith.constant 2 : i32
    %mul3A_2 = arith.muli %arg1, %mul3A_1 : i32
    %add3A = arith.addi %mul3A_2, %arg0 : i32
    %mul3A_3 = arith.constant 10000 : i32
    %mul3A_4 = arith.muli %add3A, %mul3A_3 : i32
    %add3A_5 = arith.constant 0 : i32
    %add3A_6 = arith.addi %mul3A_4, %add3A_5 : i32
    "tpu.region"() ({
      %run_scoped3A = tpu.sem_alloc : memref<!tpu.dma_semaphore, #tpu.memory_space<semaphore_mem>>
      %dma_start3A_41 = tpu.memref_slice %arg3[%add3A_6] : memref<320000xi32, #tpu.memory_space<hbm>> -> memref<80xi32, #tpu.memory_space<hbm>>
      %dma_start3A_42 = tpu.memref_slice %arg3[%add3A_6] : memref<320000xi32, #tpu.memory_space<hbm>> -> memref<80xi32, #tpu.memory_space<hbm>>
      tpu.enqueue_dma source(%dma_start3A_42 : memref<80xi32, #tpu.memory_space<hbm>>) target(%arg7 : memref<80xi32, #tpu.memory_space<vmem>>) target_semaphore(%run_scoped3A : memref<!tpu.dma_semaphore, #tpu.memory_space<semaphore_mem>>)
      %dma_wait3A_43 = tpu.memref_slice %arg3[%add3A_6] : memref<320000xi32, #tpu.memory_space<hbm>> -> memref<80xi32, #tpu.memory_space<hbm>>
      %dma_wait3A_44 = tpu.memref_slice %arg3[%add3A_6] : memref<320000xi32, #tpu.memory_space<hbm>> -> memref<80xi32, #tpu.memory_space<hbm>>
      tpu.wait_dma2 semaphore(%run_scoped3A : memref<!tpu.dma_semaphore, #tpu.memory_space<semaphore_mem>>) src(%dma_wait3A_44 : memref<80xi32, #tpu.memory_space<hbm>>) dst(%arg7 : memref<80xi32, #tpu.memory_space<vmem>>)
      tpu.yield
    }) : () -> ()
    %dma_start3A = arith.constant 0 : i32
    %dma_start3A_7 = arith.constant 0 : i32
    %dma_start3A_8 = tpu.memref_slice %arg2[%dma_start3A, %dma_start3A_7] : memref<10240x128xf32, #tpu.memory_space<hbm>> -> memref<10240x128xf32, #tpu.memory_space<hbm>>
    tpu.enqueue_indirect_dma source(%dma_start3A_8 : memref<10240x128xf32, #tpu.memory_space<hbm>>) target(%arg15 : memref<80x128xf32, #tpu.memory_space<vmem>>) offsets(%arg7 : memref<80xi32, #tpu.memory_space<vmem>>) semaphore(%arg28 : memref<!tpu.dma_semaphore, #tpu.memory_space<semaphore_mem>>)
    %add3A_9 = arith.constant 0 : i32
    %add3A_10 = arith.addi %mul3A_4, %add3A_9 : i32
    %dma_start3A_11 = tpu.memref_slice %arg4[%add3A_10] : memref<320000xi32, #tpu.memory_space<hbm>> -> memref<80xi32, #tpu.memory_space<hbm>>
    %dma_start3A_12 = tpu.memref_slice %arg4[%add3A_10] : memref<320000xi32, #tpu.memory_space<hbm>> -> memref<80xi32, #tpu.memory_space<hbm>>
    tpu.enqueue_dma source(%dma_start3A_12 : memref<80xi32, #tpu.memory_space<hbm>>) target(%arg11 : memref<80xi32, #tpu.memory_space<vmem>>) target_semaphore(%arg24 : memref<!tpu.dma_semaphore, #tpu.memory_space<semaphore_mem>>)
    %add3A_13 = arith.constant 80 : i32
    %add3A_14 = arith.addi %mul3A_4, %add3A_13 : i32
    "tpu.region"() ({
      %run_scoped3A = tpu.sem_alloc : memref<!tpu.dma_semaphore, #tpu.memory_space<semaphore_mem>>
      %dma_start3A_41 = tpu.memref_slice %arg3[%add3A_14] : memref<320000xi32, #tpu.memory_space<hbm>> -> memref<80xi32, #tpu.memory_space<hbm>>
      %dma_start3A_42 = tpu.memref_slice %arg3[%add3A_14] : memref<320000xi32, #tpu.memory_space<hbm>> -> memref<80xi32, #tpu.memory_space<hbm>>
      tpu.enqueue_dma source(%dma_start3A_42 : memref<80xi32, #tpu.memory_space<hbm>>) target(%arg8 : memref<80xi32, #tpu.memory_space<vmem>>) target_semaphore(%run_scoped3A : memref<!tpu.dma_semaphore, #tpu.memory_space<semaphore_mem>>)
      %dma_wait3A_43 = tpu.memref_slice %arg3[%add3A_14] : memref<320000xi32, #tpu.memory_space<hbm>> -> memref<80xi32, #tpu.memory_space<hbm>>
      %dma_wait3A_44 = tpu.memref_slice %arg3[%add3A_14] : memref<320000xi32, #tpu.memory_space<hbm>> -> memref<80xi32, #tpu.memory_space<hbm>>
      tpu.wait_dma2 semaphore(%run_scoped3A : memref<!tpu.dma_semaphore, #tpu.memory_space<semaphore_mem>>) src(%dma_wait3A_44 : memref<80xi32, #tpu.memory_space<hbm>>) dst(%arg8 : memref<80xi32, #tpu.memory_space<vmem>>)
      tpu.yield
    }) : () -> ()
    %dma_start3A_15 = arith.constant 0 : i32
    %dma_start3A_16 = arith.constant 0 : i32
    %dma_start3A_17 = tpu.memref_slice %arg2[%dma_start3A_15, %dma_start3A_16] : memref<10240x128xf32, #tpu.memory_space<hbm>> -> memref<10240x128xf32, #tpu.memory_space<hbm>>
    tpu.enqueue_indirect_dma source(%dma_start3A_17 : memref<10240x128xf32, #tpu.memory_space<hbm>>) target(%arg16 : memref<80x128xf32, #tpu.memory_space<vmem>>) offsets(%arg8 : memref<80xi32, #tpu.memory_space<vmem>>) semaphore(%arg29 : memref<!tpu.dma_semaphore, #tpu.memory_space<semaphore_mem>>)
    %add3A_18 = arith.constant 80 : i32
    %add3A_19 = arith.addi %mul3A_4, %add3A_18 : i32
    %dma_start3A_20 = tpu.memref_slice %arg4[%add3A_19] : memref<320000xi32, #tpu.memory_space<hbm>> -> memref<80xi32, #tpu.memory_space<hbm>>
    %dma_start3A_21 = tpu.memref_slice %arg4[%add3A_19] : memref<320000xi32, #tpu.memory_space<hbm>> -> memref<80xi32, #tpu.memory_space<hbm>>
    tpu.enqueue_dma source(%dma_start3A_21 : memref<80xi32, #tpu.memory_space<hbm>>) target(%arg12 : memref<80xi32, #tpu.memory_space<vmem>>) target_semaphore(%arg25 : memref<!tpu.dma_semaphore, #tpu.memory_space<semaphore_mem>>)
    %add3A_22 = arith.constant 160 : i32
    %add3A_23 = arith.addi %mul3A_4, %add3A_22 : i32
    %dma_start3A_24 = tpu.memref_slice %arg3[%add3A_23] : memref<320000xi32, #tpu.memory_space<hbm>> -> memref<80xi32, #tpu.memory_space<hbm>>
    %dma_start3A_25 = tpu.memref_slice %arg3[%add3A_23] : memref<320000xi32, #tpu.memory_space<hbm>> -> memref<80xi32, #tpu.memory_space<hbm>>
    tpu.enqueue_dma source(%dma_start3A_25 : memref<80xi32, #tpu.memory_space<hbm>>) target(%arg9 : memref<80xi32, #tpu.memory_space<vmem>>) target_semaphore(%arg22 : memref<!tpu.dma_semaphore, #tpu.memory_space<semaphore_mem>>)
    %add3A_26 = arith.constant 240 : i32
    %add3A_27 = arith.addi %mul3A_4, %add3A_26 : i32
    %dma_start3A_28 = tpu.memref_slice %arg3[%add3A_27] : memref<320000xi32, #tpu.memory_space<hbm>> -> memref<80xi32, #tpu.memory_space<hbm>>
    %dma_start3A_29 = tpu.memref_slice %arg3[%add3A_27] : memref<320000xi32, #tpu.memory_space<hbm>> -> memref<80xi32, #tpu.memory_space<hbm>>
    tpu.enqueue_dma source(%dma_start3A_29 : memref<80xi32, #tpu.memory_space<hbm>>) target(%arg10 : memref<80xi32, #tpu.memory_space<vmem>>) target_semaphore(%arg23 : memref<!tpu.dma_semaphore, #tpu.memory_space<semaphore_mem>>)
    %scan3A = arith.constant 0 : i32
    %scan3A_30 = arith.constant 0 : i32
    %scan3A_31 = arith.constant 32 : i32
    %scan3A_32 = arith.addi %scan3A_30, %scan3A_31 : i32
    %scan3A_33 = arith.constant 1 : i32
    scf.for %scan3A_41 = %scan3A_30 to %scan3A_32 step %scan3A_33  : i32 {
      %mul3A_42 = arith.constant 4 : i32
      %mul3A_43 = arith.muli %scan3A_41, %mul3A_42 : i32
      %add3A_44 = arith.constant 0 : i32
      %add3A_45 = arith.addi %mul3A_43, %add3A_44 : i32
      %lt3A = arith.constant 125 : i32
      %lt3A_46 = arith.cmpi slt, %add3A_45, %lt3A : i32
      %convert_element_type3A = arith.extui %lt3A_46 : i1 to i32
      %cond3A = arith.constant 0 : i32
      %cond3A_47 = arith.cmpi ne, %convert_element_type3A, %cond3A : i32
      scf.if %cond3A_47 {
        %dma_wait3A_75 = arith.constant 0 : i32
        %dma_wait3A_76 = arith.constant 0 : i32
        %dma_wait3A_77 = tpu.memref_slice %arg2[%dma_wait3A_75, %dma_wait3A_76] : memref<10240x128xf32, #tpu.memory_space<hbm>> -> memref<10240x128xf32, #tpu.memory_space<hbm>>
        tpu.wait_indirect_dma semaphore(%arg28 : memref<!tpu.dma_semaphore, #tpu.memory_space<semaphore_mem>>) src(%dma_wait3A_77 : memref<10240x128xf32, #tpu.memory_space<hbm>>) dst(%arg15 : memref<80x128xf32, #tpu.memory_space<vmem>>)
        %add3A_78 = arith.constant 4 : i32
        %add3A_79 = arith.addi %add3A_45, %add3A_78 : i32
        %lt3A_80 = arith.constant 125 : i32
        %lt3A_81 = arith.cmpi slt, %add3A_79, %lt3A_80 : i32
        %convert_element_type3A_82 = arith.extui %lt3A_81 : i1 to i32
        %cond3A_83 = arith.constant 0 : i32
        %cond3A_84 = arith.cmpi ne, %convert_element_type3A_82, %cond3A_83 : i32
        scf.if %cond3A_84 {
          %add3A_104 = arith.constant 4 : i32
          %add3A_105 = arith.addi %add3A_45, %add3A_104 : i32
          %mul3A_106 = arith.constant 80 : i32
          %mul3A_107 = arith.muli %add3A_105, %mul3A_106 : i32
          %add3A_108 = arith.addi %mul3A_4, %mul3A_107 : i32
          %dma_start3A_109 = tpu.memref_slice %arg3[%add3A_108] : memref<320000xi32, #tpu.memory_space<hbm>> -> memref<80xi32, #tpu.memory_space<hbm>>
          %dma_start3A_110 = tpu.memref_slice %arg3[%add3A_108] : memref<320000xi32, #tpu.memory_space<hbm>> -> memref<80xi32, #tpu.memory_space<hbm>>
          tpu.enqueue_dma source(%dma_start3A_110 : memref<80xi32, #tpu.memory_space<hbm>>) target(%arg7 : memref<80xi32, #tpu.memory_space<vmem>>) target_semaphore(%arg20 : memref<!tpu.dma_semaphore, #tpu.memory_space<semaphore_mem>>)
        } else {
        }
        %mul3A_85 = arith.constant 80 : i32
        %mul3A_86 = arith.muli %add3A_45, %mul3A_85 : i32
        %add3A_87 = arith.addi %mul3A_4, %mul3A_86 : i32
        %dma_wait3A_88 = tpu.memref_slice %arg4[%add3A_87] : memref<320000xi32, #tpu.memory_space<hbm>> -> memref<80xi32, #tpu.memory_space<hbm>>
        %dma_wait3A_89 = tpu.memref_slice %arg4[%add3A_87] : memref<320000xi32, #tpu.memory_space<hbm>> -> memref<80xi32, #tpu.memory_space<hbm>>
        tpu.wait_dma2 semaphore(%arg24 : memref<!tpu.dma_semaphore, #tpu.memory_space<semaphore_mem>>) src(%dma_wait3A_89 : memref<80xi32, #tpu.memory_space<hbm>>) dst(%arg11 : memref<80xi32, #tpu.memory_space<vmem>>)
        %dma_start3A_90 = arith.constant 0 : i32
        %dma_start3A_91 = arith.constant 0 : i32
        %dma_start3A_92 = tpu.memref_slice %arg19[%dma_start3A_90, %dma_start3A_91] : memref<10240x128xf32, #tpu.memory_space<vmem_shared>> -> memref<10240x128xf32, #tpu.memory_space<vmem_shared>>
        tpu.enqueue_indirect_dma source(%arg15 : memref<80x128xf32, #tpu.memory_space<vmem>>) target(%dma_start3A_92 : memref<10240x128xf32, #tpu.memory_space<vmem_shared>>) offsets(%arg11 : memref<80xi32, #tpu.memory_space<vmem>>) semaphore(%arg32 : memref<!tpu.dma_semaphore, #tpu.memory_space<semaphore_mem>>) {add = true}
        %ge3A = arith.constant 2 : i32
        %ge3A_93 = arith.cmpi sge, %add3A_45, %ge3A : i32
        %convert_element_type3A_94 = arith.extui %ge3A_93 : i1 to i32
        %cond3A_95 = arith.constant 0 : i32
        %cond3A_96 = arith.cmpi ne, %convert_element_type3A_94, %cond3A_95 : i32
        scf.if %cond3A_96 {
          %dma_wait3A_104 = arith.constant 0 : i32
          %dma_wait3A_105 = arith.constant 0 : i32
          %dma_wait3A_106 = tpu.memref_slice %arg19[%dma_wait3A_104, %dma_wait3A_105] : memref<10240x128xf32, #tpu.memory_space<vmem_shared>> -> memref<10240x128xf32, #tpu.memory_space<vmem_shared>>
          tpu.wait_indirect_dma semaphore(%arg34 : memref<!tpu.dma_semaphore, #tpu.memory_space<semaphore_mem>>) src(%arg17 : memref<80x128xf32, #tpu.memory_space<vmem>>) dst(%dma_wait3A_106 : memref<10240x128xf32, #tpu.memory_space<vmem_shared>>)
        } else {
        }
        %add3A_97 = arith.constant 2 : i32
        %add3A_98 = arith.addi %add3A_45, %add3A_97 : i32
        %lt3A_99 = arith.constant 125 : i32
        %lt3A_100 = arith.cmpi slt, %add3A_98, %lt3A_99 : i32
        %convert_element_type3A_101 = arith.extui %lt3A_100 : i1 to i32
        %cond3A_102 = arith.constant 0 : i32
        %cond3A_103 = arith.cmpi ne, %convert_element_type3A_101, %cond3A_102 : i32
        scf.if %cond3A_103 {
          %add3A_104 = arith.constant 2 : i32
          %add3A_105 = arith.addi %add3A_45, %add3A_104 : i32
          %mul3A_106 = arith.constant 80 : i32
          %mul3A_107 = arith.muli %add3A_105, %mul3A_106 : i32
          %add3A_108 = arith.addi %mul3A_4, %mul3A_107 : i32
          %dma_wait3A_109 = tpu.memref_slice %arg3[%add3A_108] : memref<320000xi32, #tpu.memory_space<hbm>> -> memref<80xi32, #tpu.memory_space<hbm>>
          %dma_wait3A_110 = tpu.memref_slice %arg3[%add3A_108] : memref<320000xi32, #tpu.memory_space<hbm>> -> memref<80xi32, #tpu.memory_space<hbm>>
          tpu.wait_dma2 semaphore(%arg22 : memref<!tpu.dma_semaphore, #tpu.memory_space<semaphore_mem>>) src(%dma_wait3A_110 : memref<80xi32, #tpu.memory_space<hbm>>) dst(%arg9 : memref<80xi32, #tpu.memory_space<vmem>>)
          %dma_start3A_111 = arith.constant 0 : i32
          %dma_start3A_112 = arith.constant 0 : i32
          %dma_start3A_113 = tpu.memref_slice %arg2[%dma_start3A_111, %dma_start3A_112] : memref<10240x128xf32, #tpu.memory_space<hbm>> -> memref<10240x128xf32, #tpu.memory_space<hbm>>
          tpu.enqueue_indirect_dma source(%dma_start3A_113 : memref<10240x128xf32, #tpu.memory_space<hbm>>) target(%arg17 : memref<80x128xf32, #tpu.memory_space<vmem>>) offsets(%arg9 : memref<80xi32, #tpu.memory_space<vmem>>) semaphore(%arg30 : memref<!tpu.dma_semaphore, #tpu.memory_space<semaphore_mem>>)
          %add3A_114 = arith.constant 2 : i32
          %add3A_115 = arith.addi %add3A_45, %add3A_114 : i32
          %mul3A_116 = arith.constant 80 : i32
          %mul3A_117 = arith.muli %add3A_115, %mul3A_116 : i32
          %add3A_118 = arith.addi %mul3A_4, %mul3A_117 : i32
          %dma_start3A_119 = tpu.memref_slice %arg4[%add3A_118] : memref<320000xi32, #tpu.memory_space<hbm>> -> memref<80xi32, #tpu.memory_space<hbm>>
          %dma_start3A_120 = tpu.memref_slice %arg4[%add3A_118] : memref<320000xi32, #tpu.memory_space<hbm>> -> memref<80xi32, #tpu.memory_space<hbm>>
          tpu.enqueue_dma source(%dma_start3A_120 : memref<80xi32, #tpu.memory_space<hbm>>) target(%arg13 : memref<80xi32, #tpu.memory_space<vmem>>) target_semaphore(%arg26 : memref<!tpu.dma_semaphore, #tpu.memory_space<semaphore_mem>>)
        } else {
        }
      } else {
      }
      %mul3A_48 = arith.constant 4 : i32
      %mul3A_49 = arith.muli %scan3A_41, %mul3A_48 : i32
      %add3A_50 = arith.constant 1 : i32
      %add3A_51 = arith.addi %mul3A_49, %add3A_50 : i32
      %lt3A_52 = arith.constant 125 : i32
      %lt3A_53 = arith.cmpi slt, %add3A_51, %lt3A_52 : i32
      %convert_element_type3A_54 = arith.extui %lt3A_53 : i1 to i32
      %cond3A_55 = arith.constant 0 : i32
      %cond3A_56 = arith.cmpi ne, %convert_element_type3A_54, %cond3A_55 : i32
      scf.if %cond3A_56 {
        %dma_wait3A_75 = arith.constant 0 : i32
        %dma_wait3A_76 = arith.constant 0 : i32
        %dma_wait3A_77 = tpu.memref_slice %arg2[%dma_wait3A_75, %dma_wait3A_76] : memref<10240x128xf32, #tpu.memory_space<hbm>> -> memref<10240x128xf32, #tpu.memory_space<hbm>>
        tpu.wait_indirect_dma semaphore(%arg29 : memref<!tpu.dma_semaphore, #tpu.memory_space<semaphore_mem>>) src(%dma_wait3A_77 : memref<10240x128xf32, #tpu.memory_space<hbm>>) dst(%arg16 : memref<80x128xf32, #tpu.memory_space<vmem>>)
        %add3A_78 = arith.constant 4 : i32
        %add3A_79 = arith.addi %add3A_51, %add3A_78 : i32
        %lt3A_80 = arith.constant 125 : i32
        %lt3A_81 = arith.cmpi slt, %add3A_79, %lt3A_80 : i32
        %convert_element_type3A_82 = arith.extui %lt3A_81 : i1 to i32
        %cond3A_83 = arith.constant 0 : i32
        %cond3A_84 = arith.cmpi ne, %convert_element_type3A_82, %cond3A_83 : i32
        scf.if %cond3A_84 {
          %add3A_104 = arith.constant 4 : i32
          %add3A_105 = arith.addi %add3A_51, %add3A_104 : i32
          %mul3A_106 = arith.constant 80 : i32
          %mul3A_107 = arith.muli %add3A_105, %mul3A_106 : i32
          %add3A_108 = arith.addi %mul3A_4, %mul3A_107 : i32
          %dma_start3A_109 = tpu.memref_slice %arg3[%add3A_108] : memref<320000xi32, #tpu.memory_space<hbm>> -> memref<80xi32, #tpu.memory_space<hbm>>
          %dma_start3A_110 = tpu.memref_slice %arg3[%add3A_108] : memref<320000xi32, #tpu.memory_space<hbm>> -> memref<80xi32, #tpu.memory_space<hbm>>
          tpu.enqueue_dma source(%dma_start3A_110 : memref<80xi32, #tpu.memory_space<hbm>>) target(%arg8 : memref<80xi32, #tpu.memory_space<vmem>>) target_semaphore(%arg21 : memref<!tpu.dma_semaphore, #tpu.memory_space<semaphore_mem>>)
        } else {
        }
        %mul3A_85 = arith.constant 80 : i32
        %mul3A_86 = arith.muli %add3A_51, %mul3A_85 : i32
        %add3A_87 = arith.addi %mul3A_4, %mul3A_86 : i32
        %dma_wait3A_88 = tpu.memref_slice %arg4[%add3A_87] : memref<320000xi32, #tpu.memory_space<hbm>> -> memref<80xi32, #tpu.memory_space<hbm>>
        %dma_wait3A_89 = tpu.memref_slice %arg4[%add3A_87] : memref<320000xi32, #tpu.memory_space<hbm>> -> memref<80xi32, #tpu.memory_space<hbm>>
        tpu.wait_dma2 semaphore(%arg25 : memref<!tpu.dma_semaphore, #tpu.memory_space<semaphore_mem>>) src(%dma_wait3A_89 : memref<80xi32, #tpu.memory_space<hbm>>) dst(%arg12 : memref<80xi32, #tpu.memory_space<vmem>>)
        %dma_start3A_90 = arith.constant 0 : i32
        %dma_start3A_91 = arith.constant 0 : i32
        %dma_start3A_92 = tpu.memref_slice %arg19[%dma_start3A_90, %dma_start3A_91] : memref<10240x128xf32, #tpu.memory_space<vmem_shared>> -> memref<10240x128xf32, #tpu.memory_space<vmem_shared>>
        tpu.enqueue_indirect_dma source(%arg16 : memref<80x128xf32, #tpu.memory_space<vmem>>) target(%dma_start3A_92 : memref<10240x128xf32, #tpu.memory_space<vmem_shared>>) offsets(%arg12 : memref<80xi32, #tpu.memory_space<vmem>>) semaphore(%arg33 : memref<!tpu.dma_semaphore, #tpu.memory_space<semaphore_mem>>) {add = true}
        %ge3A = arith.constant 2 : i32
        %ge3A_93 = arith.cmpi sge, %add3A_51, %ge3A : i32
        %convert_element_type3A_94 = arith.extui %ge3A_93 : i1 to i32
        %cond3A_95 = arith.constant 0 : i32
        %cond3A_96 = arith.cmpi ne, %convert_element_type3A_94, %cond3A_95 : i32
        scf.if %cond3A_96 {
          %dma_wait3A_104 = arith.constant 0 : i32
          %dma_wait3A_105 = arith.constant 0 : i32
          %dma_wait3A_106 = tpu.memref_slice %arg19[%dma_wait3A_104, %dma_wait3A_105] : memref<10240x128xf32, #tpu.memory_space<vmem_shared>> -> memref<10240x128xf32, #tpu.memory_space<vmem_shared>>
          tpu.wait_indirect_dma semaphore(%arg35 : memref<!tpu.dma_semaphore, #tpu.memory_space<semaphore_mem>>) src(%arg18 : memref<80x128xf32, #tpu.memory_space<vmem>>) dst(%dma_wait3A_106 : memref<10240x128xf32, #tpu.memory_space<vmem_shared>>)
        } else {
        }
        %add3A_97 = arith.constant 2 : i32
        %add3A_98 = arith.addi %add3A_51, %add3A_97 : i32
        %lt3A_99 = arith.constant 125 : i32
        %lt3A_100 = arith.cmpi slt, %add3A_98, %lt3A_99 : i32
        %convert_element_type3A_101 = arith.extui %lt3A_100 : i1 to i32
        %cond3A_102 = arith.constant 0 : i32
        %cond3A_103 = arith.cmpi ne, %convert_element_type3A_101, %cond3A_102 : i32
        scf.if %cond3A_103 {
          %add3A_104 = arith.constant 2 : i32
          %add3A_105 = arith.addi %add3A_51, %add3A_104 : i32
          %mul3A_106 = arith.constant 80 : i32
          %mul3A_107 = arith.muli %add3A_105, %mul3A_106 : i32
          %add3A_108 = arith.addi %mul3A_4, %mul3A_107 : i32
          %dma_wait3A_109 = tpu.memref_slice %arg3[%add3A_108] : memref<320000xi32, #tpu.memory_space<hbm>> -> memref<80xi32, #tpu.memory_space<hbm>>
          %dma_wait3A_110 = tpu.memref_slice %arg3[%add3A_108] : memref<320000xi32, #tpu.memory_space<hbm>> -> memref<80xi32, #tpu.memory_space<hbm>>
          tpu.wait_dma2 semaphore(%arg23 : memref<!tpu.dma_semaphore, #tpu.memory_space<semaphore_mem>>) src(%dma_wait3A_110 : memref<80xi32, #tpu.memory_space<hbm>>) dst(%arg10 : memref<80xi32, #tpu.memory_space<vmem>>)
          %dma_start3A_111 = arith.constant 0 : i32
          %dma_start3A_112 = arith.constant 0 : i32
          %dma_start3A_113 = tpu.memref_slice %arg2[%dma_start3A_111, %dma_start3A_112] : memref<10240x128xf32, #tpu.memory_space<hbm>> -> memref<10240x128xf32, #tpu.memory_space<hbm>>
          tpu.enqueue_indirect_dma source(%dma_start3A_113 : memref<10240x128xf32, #tpu.memory_space<hbm>>) target(%arg18 : memref<80x128xf32, #tpu.memory_space<vmem>>) offsets(%arg10 : memref<80xi32, #tpu.memory_space<vmem>>) semaphore(%arg31 : memref<!tpu.dma_semaphore, #tpu.memory_space<semaphore_mem>>)
          %add3A_114 = arith.constant 2 : i32
          %add3A_115 = arith.addi %add3A_51, %add3A_114 : i32
          %mul3A_116 = arith.constant 80 : i32
          %mul3A_117 = arith.muli %add3A_115, %mul3A_116 : i32
          %add3A_118 = arith.addi %mul3A_4, %mul3A_117 : i32
          %dma_start3A_119 = tpu.memref_slice %arg4[%add3A_118] : memref<320000xi32, #tpu.memory_space<hbm>> -> memref<80xi32, #tpu.memory_space<hbm>>
          %dma_start3A_120 = tpu.memref_slice %arg4[%add3A_118] : memref<320000xi32, #tpu.memory_space<hbm>> -> memref<80xi32, #tpu.memory_space<hbm>>
          tpu.enqueue_dma source(%dma_start3A_120 : memref<80xi32, #tpu.memory_space<hbm>>) target(%arg14 : memref<80xi32, #tpu.memory_space<vmem>>) target_semaphore(%arg27 : memref<!tpu.dma_semaphore, #tpu.memory_space<semaphore_mem>>)
        } else {
        }
      } else {
      }
      %mul3A_57 = arith.constant 4 : i32
      %mul3A_58 = arith.muli %scan3A_41, %mul3A_57 : i32
      %add3A_59 = arith.constant 2 : i32
      %add3A_60 = arith.addi %mul3A_58, %add3A_59 : i32
      %lt3A_61 = arith.constant 125 : i32
      %lt3A_62 = arith.cmpi slt, %add3A_60, %lt3A_61 : i32
      %convert_element_type3A_63 = arith.extui %lt3A_62 : i1 to i32
      %cond3A_64 = arith.constant 0 : i32
      %cond3A_65 = arith.cmpi ne, %convert_element_type3A_63, %cond3A_64 : i32
      scf.if %cond3A_65 {
        %dma_wait3A_75 = arith.constant 0 : i32
        %dma_wait3A_76 = arith.constant 0 : i32
        %dma_wait3A_77 = tpu.memref_slice %arg2[%dma_wait3A_75, %dma_wait3A_76] : memref<10240x128xf32, #tpu.memory_space<hbm>> -> memref<10240x128xf32, #tpu.memory_space<hbm>>
        tpu.wait_indirect_dma semaphore(%arg30 : memref<!tpu.dma_semaphore, #tpu.memory_space<semaphore_mem>>) src(%dma_wait3A_77 : memref<10240x128xf32, #tpu.memory_space<hbm>>) dst(%arg17 : memref<80x128xf32, #tpu.memory_space<vmem>>)
        %add3A_78 = arith.constant 4 : i32
        %add3A_79 = arith.addi %add3A_60, %add3A_78 : i32
        %lt3A_80 = arith.constant 125 : i32
        %lt3A_81 = arith.cmpi slt, %add3A_79, %lt3A_80 : i32
        %convert_element_type3A_82 = arith.extui %lt3A_81 : i1 to i32
        %cond3A_83 = arith.constant 0 : i32
        %cond3A_84 = arith.cmpi ne, %convert_element_type3A_82, %cond3A_83 : i32
        scf.if %cond3A_84 {
          %add3A_104 = arith.constant 4 : i32
          %add3A_105 = arith.addi %add3A_60, %add3A_104 : i32
          %mul3A_106 = arith.constant 80 : i32
          %mul3A_107 = arith.muli %add3A_105, %mul3A_106 : i32
          %add3A_108 = arith.addi %mul3A_4, %mul3A_107 : i32
          %dma_start3A_109 = tpu.memref_slice %arg3[%add3A_108] : memref<320000xi32, #tpu.memory_space<hbm>> -> memref<80xi32, #tpu.memory_space<hbm>>
          %dma_start3A_110 = tpu.memref_slice %arg3[%add3A_108] : memref<320000xi32, #tpu.memory_space<hbm>> -> memref<80xi32, #tpu.memory_space<hbm>>
          tpu.enqueue_dma source(%dma_start3A_110 : memref<80xi32, #tpu.memory_space<hbm>>) target(%arg9 : memref<80xi32, #tpu.memory_space<vmem>>) target_semaphore(%arg22 : memref<!tpu.dma_semaphore, #tpu.memory_space<semaphore_mem>>)
        } else {
        }
        %mul3A_85 = arith.constant 80 : i32
        %mul3A_86 = arith.muli %add3A_60, %mul3A_85 : i32
        %add3A_87 = arith.addi %mul3A_4, %mul3A_86 : i32
        %dma_wait3A_88 = tpu.memref_slice %arg4[%add3A_87] : memref<320000xi32, #tpu.memory_space<hbm>> -> memref<80xi32, #tpu.memory_space<hbm>>
        %dma_wait3A_89 = tpu.memref_slice %arg4[%add3A_87] : memref<320000xi32, #tpu.memory_space<hbm>> -> memref<80xi32, #tpu.memory_space<hbm>>
        tpu.wait_dma2 semaphore(%arg26 : memref<!tpu.dma_semaphore, #tpu.memory_space<semaphore_mem>>) src(%dma_wait3A_89 : memref<80xi32, #tpu.memory_space<hbm>>) dst(%arg13 : memref<80xi32, #tpu.memory_space<vmem>>)
        %dma_start3A_90 = arith.constant 0 : i32
        %dma_start3A_91 = arith.constant 0 : i32
        %dma_start3A_92 = tpu.memref_slice %arg19[%dma_start3A_90, %dma_start3A_91] : memref<10240x128xf32, #tpu.memory_space<vmem_shared>> -> memref<10240x128xf32, #tpu.memory_space<vmem_shared>>
        tpu.enqueue_indirect_dma source(%arg17 : memref<80x128xf32, #tpu.memory_space<vmem>>) target(%dma_start3A_92 : memref<10240x128xf32, #tpu.memory_space<vmem_shared>>) offsets(%arg13 : memref<80xi32, #tpu.memory_space<vmem>>) semaphore(%arg34 : memref<!tpu.dma_semaphore, #tpu.memory_space<semaphore_mem>>) {add = true}
        %ge3A = arith.constant 2 : i32
        %ge3A_93 = arith.cmpi sge, %add3A_60, %ge3A : i32
        %convert_element_type3A_94 = arith.extui %ge3A_93 : i1 to i32
        %cond3A_95 = arith.constant 0 : i32
        %cond3A_96 = arith.cmpi ne, %convert_element_type3A_94, %cond3A_95 : i32
        scf.if %cond3A_96 {
          %dma_wait3A_104 = arith.constant 0 : i32
          %dma_wait3A_105 = arith.constant 0 : i32
          %dma_wait3A_106 = tpu.memref_slice %arg19[%dma_wait3A_104, %dma_wait3A_105] : memref<10240x128xf32, #tpu.memory_space<vmem_shared>> -> memref<10240x128xf32, #tpu.memory_space<vmem_shared>>
          tpu.wait_indirect_dma semaphore(%arg32 : memref<!tpu.dma_semaphore, #tpu.memory_space<semaphore_mem>>) src(%arg15 : memref<80x128xf32, #tpu.memory_space<vmem>>) dst(%dma_wait3A_106 : memref<10240x128xf32, #tpu.memory_space<vmem_shared>>)
        } else {
        }
        %add3A_97 = arith.constant 2 : i32
        %add3A_98 = arith.addi %add3A_60, %add3A_97 : i32
        %lt3A_99 = arith.constant 125 : i32
        %lt3A_100 = arith.cmpi slt, %add3A_98, %lt3A_99 : i32
        %convert_element_type3A_101 = arith.extui %lt3A_100 : i1 to i32
        %cond3A_102 = arith.constant 0 : i32
        %cond3A_103 = arith.cmpi ne, %convert_element_type3A_101, %cond3A_102 : i32
        scf.if %cond3A_103 {
          %add3A_104 = arith.constant 2 : i32
          %add3A_105 = arith.addi %add3A_60, %add3A_104 : i32
          %mul3A_106 = arith.constant 80 : i32
          %mul3A_107 = arith.muli %add3A_105, %mul3A_106 : i32
          %add3A_108 = arith.addi %mul3A_4, %mul3A_107 : i32
          %dma_wait3A_109 = tpu.memref_slice %arg3[%add3A_108] : memref<320000xi32, #tpu.memory_space<hbm>> -> memref<80xi32, #tpu.memory_space<hbm>>
          %dma_wait3A_110 = tpu.memref_slice %arg3[%add3A_108] : memref<320000xi32, #tpu.memory_space<hbm>> -> memref<80xi32, #tpu.memory_space<hbm>>
          tpu.wait_dma2 semaphore(%arg20 : memref<!tpu.dma_semaphore, #tpu.memory_space<semaphore_mem>>) src(%dma_wait3A_110 : memref<80xi32, #tpu.memory_space<hbm>>) dst(%arg7 : memref<80xi32, #tpu.memory_space<vmem>>)
          %dma_start3A_111 = arith.constant 0 : i32
          %dma_start3A_112 = arith.constant 0 : i32
          %dma_start3A_113 = tpu.memref_slice %arg2[%dma_start3A_111, %dma_start3A_112] : memref<10240x128xf32, #tpu.memory_space<hbm>> -> memref<10240x128xf32, #tpu.memory_space<hbm>>
          tpu.enqueue_indirect_dma source(%dma_start3A_113 : memref<10240x128xf32, #tpu.memory_space<hbm>>) target(%arg15 : memref<80x128xf32, #tpu.memory_space<vmem>>) offsets(%arg7 : memref<80xi32, #tpu.memory_space<vmem>>) semaphore(%arg28 : memref<!tpu.dma_semaphore, #tpu.memory_space<semaphore_mem>>)
          %add3A_114 = arith.constant 2 : i32
          %add3A_115 = arith.addi %add3A_60, %add3A_114 : i32
          %mul3A_116 = arith.constant 80 : i32
          %mul3A_117 = arith.muli %add3A_115, %mul3A_116 : i32
          %add3A_118 = arith.addi %mul3A_4, %mul3A_117 : i32
          %dma_start3A_119 = tpu.memref_slice %arg4[%add3A_118] : memref<320000xi32, #tpu.memory_space<hbm>> -> memref<80xi32, #tpu.memory_space<hbm>>
          %dma_start3A_120 = tpu.memref_slice %arg4[%add3A_118] : memref<320000xi32, #tpu.memory_space<hbm>> -> memref<80xi32, #tpu.memory_space<hbm>>
          tpu.enqueue_dma source(%dma_start3A_120 : memref<80xi32, #tpu.memory_space<hbm>>) target(%arg11 : memref<80xi32, #tpu.memory_space<vmem>>) target_semaphore(%arg24 : memref<!tpu.dma_semaphore, #tpu.memory_space<semaphore_mem>>)
        } else {
        }
      } else {
      }
      %mul3A_66 = arith.constant 4 : i32
      %mul3A_67 = arith.muli %scan3A_41, %mul3A_66 : i32
      %add3A_68 = arith.constant 3 : i32
      %add3A_69 = arith.addi %mul3A_67, %add3A_68 : i32
      %lt3A_70 = arith.constant 125 : i32
      %lt3A_71 = arith.cmpi slt, %add3A_69, %lt3A_70 : i32
      %convert_element_type3A_72 = arith.extui %lt3A_71 : i1 to i32
      %cond3A_73 = arith.constant 0 : i32
      %cond3A_74 = arith.cmpi ne, %convert_element_type3A_72, %cond3A_73 : i32
      scf.if %cond3A_74 {
        %dma_wait3A_75 = arith.constant 0 : i32
        %dma_wait3A_76 = arith.constant 0 : i32
        %dma_wait3A_77 = tpu.memref_slice %arg2[%dma_wait3A_75, %dma_wait3A_76] : memref<10240x128xf32, #tpu.memory_space<hbm>> -> memref<10240x128xf32, #tpu.memory_space<hbm>>
        tpu.wait_indirect_dma semaphore(%arg31 : memref<!tpu.dma_semaphore, #tpu.memory_space<semaphore_mem>>) src(%dma_wait3A_77 : memref<10240x128xf32, #tpu.memory_space<hbm>>) dst(%arg18 : memref<80x128xf32, #tpu.memory_space<vmem>>)
        %add3A_78 = arith.constant 4 : i32
        %add3A_79 = arith.addi %add3A_69, %add3A_78 : i32
        %lt3A_80 = arith.constant 125 : i32
        %lt3A_81 = arith.cmpi slt, %add3A_79, %lt3A_80 : i32
        %convert_element_type3A_82 = arith.extui %lt3A_81 : i1 to i32
        %cond3A_83 = arith.constant 0 : i32
        %cond3A_84 = arith.cmpi ne, %convert_element_type3A_82, %cond3A_83 : i32
        scf.if %cond3A_84 {
          %add3A_104 = arith.constant 4 : i32
          %add3A_105 = arith.addi %add3A_69, %add3A_104 : i32
          %mul3A_106 = arith.constant 80 : i32
          %mul3A_107 = arith.muli %add3A_105, %mul3A_106 : i32
          %add3A_108 = arith.addi %mul3A_4, %mul3A_107 : i32
          %dma_start3A_109 = tpu.memref_slice %arg3[%add3A_108] : memref<320000xi32, #tpu.memory_space<hbm>> -> memref<80xi32, #tpu.memory_space<hbm>>
          %dma_start3A_110 = tpu.memref_slice %arg3[%add3A_108] : memref<320000xi32, #tpu.memory_space<hbm>> -> memref<80xi32, #tpu.memory_space<hbm>>
          tpu.enqueue_dma source(%dma_start3A_110 : memref<80xi32, #tpu.memory_space<hbm>>) target(%arg10 : memref<80xi32, #tpu.memory_space<vmem>>) target_semaphore(%arg23 : memref<!tpu.dma_semaphore, #tpu.memory_space<semaphore_mem>>)
        } else {
        }
        %mul3A_85 = arith.constant 80 : i32
        %mul3A_86 = arith.muli %add3A_69, %mul3A_85 : i32
        %add3A_87 = arith.addi %mul3A_4, %mul3A_86 : i32
        %dma_wait3A_88 = tpu.memref_slice %arg4[%add3A_87] : memref<320000xi32, #tpu.memory_space<hbm>> -> memref<80xi32, #tpu.memory_space<hbm>>
        %dma_wait3A_89 = tpu.memref_slice %arg4[%add3A_87] : memref<320000xi32, #tpu.memory_space<hbm>> -> memref<80xi32, #tpu.memory_space<hbm>>
        tpu.wait_dma2 semaphore(%arg27 : memref<!tpu.dma_semaphore, #tpu.memory_space<semaphore_mem>>) src(%dma_wait3A_89 : memref<80xi32, #tpu.memory_space<hbm>>) dst(%arg14 : memref<80xi32, #tpu.memory_space<vmem>>)
        %dma_start3A_90 = arith.constant 0 : i32
        %dma_start3A_91 = arith.constant 0 : i32
        %dma_start3A_92 = tpu.memref_slice %arg19[%dma_start3A_90, %dma_start3A_91] : memref<10240x128xf32, #tpu.memory_space<vmem_shared>> -> memref<10240x128xf32, #tpu.memory_space<vmem_shared>>
        tpu.enqueue_indirect_dma source(%arg18 : memref<80x128xf32, #tpu.memory_space<vmem>>) target(%dma_start3A_92 : memref<10240x128xf32, #tpu.memory_space<vmem_shared>>) offsets(%arg14 : memref<80xi32, #tpu.memory_space<vmem>>) semaphore(%arg35 : memref<!tpu.dma_semaphore, #tpu.memory_space<semaphore_mem>>) {add = true}
        %ge3A = arith.constant 2 : i32
        %ge3A_93 = arith.cmpi sge, %add3A_69, %ge3A : i32
        %convert_element_type3A_94 = arith.extui %ge3A_93 : i1 to i32
        %cond3A_95 = arith.constant 0 : i32
        %cond3A_96 = arith.cmpi ne, %convert_element_type3A_94, %cond3A_95 : i32
        scf.if %cond3A_96 {
          %dma_wait3A_104 = arith.constant 0 : i32
          %dma_wait3A_105 = arith.constant 0 : i32
          %dma_wait3A_106 = tpu.memref_slice %arg19[%dma_wait3A_104, %dma_wait3A_105] : memref<10240x128xf32, #tpu.memory_space<vmem_shared>> -> memref<10240x128xf32, #tpu.memory_space<vmem_shared>>
          tpu.wait_indirect_dma semaphore(%arg33 : memref<!tpu.dma_semaphore, #tpu.memory_space<semaphore_mem>>) src(%arg16 : memref<80x128xf32, #tpu.memory_space<vmem>>) dst(%dma_wait3A_106 : memref<10240x128xf32, #tpu.memory_space<vmem_shared>>)
        } else {
        }
        %add3A_97 = arith.constant 2 : i32
        %add3A_98 = arith.addi %add3A_69, %add3A_97 : i32
        %lt3A_99 = arith.constant 125 : i32
        %lt3A_100 = arith.cmpi slt, %add3A_98, %lt3A_99 : i32
        %convert_element_type3A_101 = arith.extui %lt3A_100 : i1 to i32
        %cond3A_102 = arith.constant 0 : i32
        %cond3A_103 = arith.cmpi ne, %convert_element_type3A_101, %cond3A_102 : i32
        scf.if %cond3A_103 {
          %add3A_104 = arith.constant 2 : i32
          %add3A_105 = arith.addi %add3A_69, %add3A_104 : i32
          %mul3A_106 = arith.constant 80 : i32
          %mul3A_107 = arith.muli %add3A_105, %mul3A_106 : i32
          %add3A_108 = arith.addi %mul3A_4, %mul3A_107 : i32
          %dma_wait3A_109 = tpu.memref_slice %arg3[%add3A_108] : memref<320000xi32, #tpu.memory_space<hbm>> -> memref<80xi32, #tpu.memory_space<hbm>>
          %dma_wait3A_110 = tpu.memref_slice %arg3[%add3A_108] : memref<320000xi32, #tpu.memory_space<hbm>> -> memref<80xi32, #tpu.memory_space<hbm>>
          tpu.wait_dma2 semaphore(%arg21 : memref<!tpu.dma_semaphore, #tpu.memory_space<semaphore_mem>>) src(%dma_wait3A_110 : memref<80xi32, #tpu.memory_space<hbm>>) dst(%arg8 : memref<80xi32, #tpu.memory_space<vmem>>)
          %dma_start3A_111 = arith.constant 0 : i32
          %dma_start3A_112 = arith.constant 0 : i32
          %dma_start3A_113 = tpu.memref_slice %arg2[%dma_start3A_111, %dma_start3A_112] : memref<10240x128xf32, #tpu.memory_space<hbm>> -> memref<10240x128xf32, #tpu.memory_space<hbm>>
          tpu.enqueue_indirect_dma source(%dma_start3A_113 : memref<10240x128xf32, #tpu.memory_space<hbm>>) target(%arg16 : memref<80x128xf32, #tpu.memory_space<vmem>>) offsets(%arg8 : memref<80xi32, #tpu.memory_space<vmem>>) semaphore(%arg29 : memref<!tpu.dma_semaphore, #tpu.memory_space<semaphore_mem>>)
          %add3A_114 = arith.constant 2 : i32
          %add3A_115 = arith.addi %add3A_69, %add3A_114 : i32
          %mul3A_116 = arith.constant 80 : i32
          %mul3A_117 = arith.muli %add3A_115, %mul3A_116 : i32
          %add3A_118 = arith.addi %mul3A_4, %mul3A_117 : i32
          %dma_start3A_119 = tpu.memref_slice %arg4[%add3A_118] : memref<320000xi32, #tpu.memory_space<hbm>> -> memref<80xi32, #tpu.memory_space<hbm>>
          %dma_start3A_120 = tpu.memref_slice %arg4[%add3A_118] : memref<320000xi32, #tpu.memory_space<hbm>> -> memref<80xi32, #tpu.memory_space<hbm>>
          tpu.enqueue_dma source(%dma_start3A_120 : memref<80xi32, #tpu.memory_space<hbm>>) target(%arg12 : memref<80xi32, #tpu.memory_space<vmem>>) target_semaphore(%arg25 : memref<!tpu.dma_semaphore, #tpu.memory_space<semaphore_mem>>)
        } else {
        }
      } else {
      }
    }
    %scan3A_34 = arith.constant 32 : i32
    %dma_wait3A = arith.constant 0 : i32
    %dma_wait3A_35 = arith.constant 0 : i32
    %dma_wait3A_36 = tpu.memref_slice %arg19[%dma_wait3A, %dma_wait3A_35] : memref<10240x128xf32, #tpu.memory_space<vmem_shared>> -> memref<10240x128xf32, #tpu.memory_space<vmem_shared>>
    tpu.wait_indirect_dma semaphore(%arg35 : memref<!tpu.dma_semaphore, #tpu.memory_space<semaphore_mem>>) src(%arg18 : memref<80x128xf32, #tpu.memory_space<vmem>>) dst(%dma_wait3A_36 : memref<10240x128xf32, #tpu.memory_space<vmem_shared>>)
    %dma_wait3A_37 = arith.constant 0 : i32
    %dma_wait3A_38 = arith.constant 0 : i32
    %dma_wait3A_39 = tpu.memref_slice %arg19[%dma_wait3A_37, %dma_wait3A_38] : memref<10240x128xf32, #tpu.memory_space<vmem_shared>> -> memref<10240x128xf32, #tpu.memory_space<vmem_shared>>
    tpu.wait_indirect_dma semaphore(%arg32 : memref<!tpu.dma_semaphore, #tpu.memory_space<semaphore_mem>>) src(%arg15 : memref<80x128xf32, #tpu.memory_space<vmem>>) dst(%dma_wait3A_39 : memref<10240x128xf32, #tpu.memory_space<vmem_shared>>)
    %barrier3A_40 = arith.constant 0 : index
    tpu.barrier barrier_id(%barrier3A_40)
    "tpu.region"() ({
      %run_scoped3A = tpu.sem_alloc : memref<!tpu.dma_semaphore, #tpu.memory_space<semaphore_mem>>
      %dma_start3A_41 = arith.constant 0 : i32
      %dma_start3A_42 = tpu.memref_slice %arg6[%arg0, %mul3A_0, %dma_start3A_41] : memref<2x10240x128xf32, #tpu.memory_space<hbm>> -> memref<1x640x128xf32, #tpu.memory_space<hbm>>
      %dma_start3A_43 = tpu.memref_squeeze %dma_start3A_42 : memref<1x640x128xf32, #tpu.memory_space<hbm>> -> memref<640x128xf32, #tpu.memory_space<hbm>>
      %dma_start3A_44 = arith.constant 0 : i32
      %dma_start3A_45 = tpu.memref_slice %arg19[%mul3A_0, %dma_start3A_44] : memref<10240x128xf32, #tpu.memory_space<vmem_shared>> -> memref<640x128xf32, #tpu.memory_space<vmem_shared>>
      tpu.enqueue_dma source(%dma_start3A_45 : memref<640x128xf32, #tpu.memory_space<vmem_shared>>) target(%dma_start3A_43 : memref<640x128xf32, #tpu.memory_space<hbm>>) target_semaphore(%run_scoped3A : memref<!tpu.dma_semaphore, #tpu.memory_space<semaphore_mem>>)
      %dma_wait3A_46 = arith.constant 0 : i32
      %dma_wait3A_47 = tpu.memref_slice %arg6[%arg0, %mul3A_0, %dma_wait3A_46] : memref<2x10240x128xf32, #tpu.memory_space<hbm>> -> memref<1x640x128xf32, #tpu.memory_space<hbm>>
      %dma_wait3A_48 = tpu.memref_squeeze %dma_wait3A_47 : memref<1x640x128xf32, #tpu.memory_space<hbm>> -> memref<640x128xf32, #tpu.memory_space<hbm>>
      %dma_wait3A_49 = arith.constant 0 : i32
      %dma_wait3A_50 = tpu.memref_slice %arg19[%mul3A_0, %dma_wait3A_49] : memref<10240x128xf32, #tpu.memory_space<vmem_shared>> -> memref<640x128xf32, #tpu.memory_space<vmem_shared>>
      tpu.wait_dma2 semaphore(%run_scoped3A : memref<!tpu.dma_semaphore, #tpu.memory_space<semaphore_mem>>) src(%dma_wait3A_50 : memref<640x128xf32, #tpu.memory_space<vmem_shared>>) dst(%dma_wait3A_48 : memref<640x128xf32, #tpu.memory_space<hbm>>)
      tpu.yield
    }) : () -> ()
    return
  }
}

#map = affine_map<(d0, d1) -> (0)>
#map1 = affine_map<(d0, d1) -> (0, 0)>
module attributes {stable_mosaic.version = 14 : i64} {
  func.func @_sc_degree(%arg0: i32, %arg1: i32, %arg2: memref<320000xi32, #tpu.memory_space<hbm>>, %arg3: memref<80xf32, #tpu.memory_space<hbm>>, %arg4: memref<10240xf32, #tpu.memory_space<hbm>>, %arg5: memref<2x10240xf32, #tpu.memory_space<hbm>>, %arg6: memref<80xf32, #tpu.memory_space<vmem>>, %arg7: memref<80xi32, #tpu.memory_space<vmem>>, %arg8: memref<80xi32, #tpu.memory_space<vmem>>, %arg9: memref<80xi32, #tpu.memory_space<vmem>>, %arg10: memref<80xi32, #tpu.memory_space<vmem>>, %arg11: memref<10240xf32, #tpu.memory_space<vmem_shared>>, %arg12: memref<!tpu.dma_semaphore, #tpu.memory_space<semaphore_mem>>, %arg13: memref<!tpu.dma_semaphore, #tpu.memory_space<semaphore_mem>>, %arg14: memref<!tpu.dma_semaphore, #tpu.memory_space<semaphore_mem>>, %arg15: memref<!tpu.dma_semaphore, #tpu.memory_space<semaphore_mem>>, %arg16: memref<!tpu.dma_semaphore, #tpu.memory_space<semaphore_mem>>, %arg17: memref<!tpu.dma_semaphore, #tpu.memory_space<semaphore_mem>>, %arg18: memref<!tpu.dma_semaphore, #tpu.memory_space<semaphore_mem>>, %arg19: memref<!tpu.dma_semaphore, #tpu.memory_space<semaphore_mem>>) attributes {dimension_semantics = [#tpu.dimension_semantics<core_parallel>, #tpu.dimension_semantics<subcore_parallel>], iteration_bounds = array<i64: 2, 16>, scalar_prefetch = 0 : i64, scratch_operands = 14 : i64, tpu.core_type = #tpu.core_type<sc_vector_subcore>, window_params = [{transform_indices = #map}, {transform_indices = #map}, {transform_indices = #map}, {transform_indices = #map1}]} {
    %mul3A = arith.constant 640 : i32
    %mul3A_0 = arith.muli %arg1, %mul3A : i32
    "tpu.region"() ({
      %run_scoped3A = tpu.sem_alloc : memref<!tpu.dma_semaphore, #tpu.memory_space<semaphore_mem>>
      %dma_start3A_21 = tpu.memref_slice %arg11[%mul3A_0] : memref<10240xf32, #tpu.memory_space<vmem_shared>> -> memref<640xf32, #tpu.memory_space<vmem_shared>>
      %dma_start3A_22 = tpu.memref_slice %arg4[%mul3A_0] : memref<10240xf32, #tpu.memory_space<hbm>> -> memref<640xf32, #tpu.memory_space<hbm>>
      tpu.enqueue_dma source(%dma_start3A_22 : memref<640xf32, #tpu.memory_space<hbm>>) target(%dma_start3A_21 : memref<640xf32, #tpu.memory_space<vmem_shared>>) target_semaphore(%run_scoped3A : memref<!tpu.dma_semaphore, #tpu.memory_space<semaphore_mem>>)
      %dma_wait3A_23 = tpu.memref_slice %arg11[%mul3A_0] : memref<10240xf32, #tpu.memory_space<vmem_shared>> -> memref<640xf32, #tpu.memory_space<vmem_shared>>
      %dma_wait3A_24 = tpu.memref_slice %arg4[%mul3A_0] : memref<10240xf32, #tpu.memory_space<hbm>> -> memref<640xf32, #tpu.memory_space<hbm>>
      tpu.wait_dma2 semaphore(%run_scoped3A : memref<!tpu.dma_semaphore, #tpu.memory_space<semaphore_mem>>) src(%dma_wait3A_24 : memref<640xf32, #tpu.memory_space<hbm>>) dst(%dma_wait3A_23 : memref<640xf32, #tpu.memory_space<vmem_shared>>)
      tpu.yield
    }) : () -> ()
    "tpu.region"() ({
      %run_scoped3A = tpu.sem_alloc : memref<!tpu.dma_semaphore, #tpu.memory_space<semaphore_mem>>
      %dma_start3A_21 = arith.constant 0 : i32
      %dma_start3A_22 = tpu.memref_slice %arg3[%dma_start3A_21] : memref<80xf32, #tpu.memory_space<hbm>> -> memref<80xf32, #tpu.memory_space<hbm>>
      %dma_start3A_23 = arith.constant 0 : i32
      %dma_start3A_24 = tpu.memref_slice %arg3[%dma_start3A_23] : memref<80xf32, #tpu.memory_space<hbm>> -> memref<80xf32, #tpu.memory_space<hbm>>
      tpu.enqueue_dma source(%dma_start3A_24 : memref<80xf32, #tpu.memory_space<hbm>>) target(%arg6 : memref<80xf32, #tpu.memory_space<vmem>>) target_semaphore(%run_scoped3A : memref<!tpu.dma_semaphore, #tpu.memory_space<semaphore_mem>>)
      %dma_wait3A_25 = arith.constant 0 : i32
      %dma_wait3A_26 = tpu.memref_slice %arg3[%dma_wait3A_25] : memref<80xf32, #tpu.memory_space<hbm>> -> memref<80xf32, #tpu.memory_space<hbm>>
      %dma_wait3A_27 = arith.constant 0 : i32
      %dma_wait3A_28 = tpu.memref_slice %arg3[%dma_wait3A_27] : memref<80xf32, #tpu.memory_space<hbm>> -> memref<80xf32, #tpu.memory_space<hbm>>
      tpu.wait_dma2 semaphore(%run_scoped3A : memref<!tpu.dma_semaphore, #tpu.memory_space<semaphore_mem>>) src(%dma_wait3A_28 : memref<80xf32, #tpu.memory_space<hbm>>) dst(%arg6 : memref<80xf32, #tpu.memory_space<vmem>>)
      tpu.yield
    }) : () -> ()
    %barrier3A = arith.constant 0 : index
    tpu.barrier barrier_id(%barrier3A)
    %mul3A_1 = arith.constant 2 : i32
    %mul3A_2 = arith.muli %arg1, %mul3A_1 : i32
    %add3A = arith.addi %mul3A_2, %arg0 : i32
    %mul3A_3 = arith.constant 10000 : i32
    %mul3A_4 = arith.muli %add3A, %mul3A_3 : i32
    %add3A_5 = arith.constant 0 : i32
    %add3A_6 = arith.addi %mul3A_4, %add3A_5 : i32
    %dma_start3A = tpu.memref_slice %arg2[%add3A_6] : memref<320000xi32, #tpu.memory_space<hbm>> -> memref<80xi32, #tpu.memory_space<hbm>>
    %dma_start3A_7 = tpu.memref_slice %arg2[%add3A_6] : memref<320000xi32, #tpu.memory_space<hbm>> -> memref<80xi32, #tpu.memory_space<hbm>>
    tpu.enqueue_dma source(%dma_start3A_7 : memref<80xi32, #tpu.memory_space<hbm>>) target(%arg7 : memref<80xi32, #tpu.memory_space<vmem>>) target_semaphore(%arg12 : memref<!tpu.dma_semaphore, #tpu.memory_space<semaphore_mem>>)
    %add3A_8 = arith.constant 80 : i32
    %add3A_9 = arith.addi %mul3A_4, %add3A_8 : i32
    %dma_start3A_10 = tpu.memref_slice %arg2[%add3A_9] : memref<320000xi32, #tpu.memory_space<hbm>> -> memref<80xi32, #tpu.memory_space<hbm>>
    %dma_start3A_11 = tpu.memref_slice %arg2[%add3A_9] : memref<320000xi32, #tpu.memory_space<hbm>> -> memref<80xi32, #tpu.memory_space<hbm>>
    tpu.enqueue_dma source(%dma_start3A_11 : memref<80xi32, #tpu.memory_space<hbm>>) target(%arg8 : memref<80xi32, #tpu.memory_space<vmem>>) target_semaphore(%arg13 : memref<!tpu.dma_semaphore, #tpu.memory_space<semaphore_mem>>)
    %scan3A = arith.constant 0 : i32
    %scan3A_12 = arith.constant 0 : i32
    %scan3A_13 = arith.constant 32 : i32
    %scan3A_14 = arith.addi %scan3A_12, %scan3A_13 : i32
    %scan3A_15 = arith.constant 1 : i32
    scf.for %scan3A_21 = %scan3A_12 to %scan3A_14 step %scan3A_15  : i32 {
      %mul3A_22 = arith.constant 4 : i32
      %mul3A_23 = arith.muli %scan3A_21, %mul3A_22 : i32
      %add3A_24 = arith.constant 0 : i32
      %add3A_25 = arith.addi %mul3A_23, %add3A_24 : i32
      %lt3A = arith.constant 125 : i32
      %lt3A_26 = arith.cmpi slt, %add3A_25, %lt3A : i32
      %convert_element_type3A = arith.extui %lt3A_26 : i1 to i32
      %cond3A = arith.constant 0 : i32
      %cond3A_27 = arith.cmpi ne, %convert_element_type3A, %cond3A : i32
      scf.if %cond3A_27 {
        %mul3A_55 = arith.constant 80 : i32
        %mul3A_56 = arith.muli %add3A_25, %mul3A_55 : i32
        %add3A_57 = arith.addi %mul3A_4, %mul3A_56 : i32
        %dma_wait3A_58 = tpu.memref_slice %arg2[%add3A_57] : memref<320000xi32, #tpu.memory_space<hbm>> -> memref<80xi32, #tpu.memory_space<hbm>>
        %dma_wait3A_59 = tpu.memref_slice %arg2[%add3A_57] : memref<320000xi32, #tpu.memory_space<hbm>> -> memref<80xi32, #tpu.memory_space<hbm>>
        tpu.wait_dma2 semaphore(%arg12 : memref<!tpu.dma_semaphore, #tpu.memory_space<semaphore_mem>>) src(%dma_wait3A_59 : memref<80xi32, #tpu.memory_space<hbm>>) dst(%arg7 : memref<80xi32, #tpu.memory_space<vmem>>)
        %dma_start3A_60 = arith.constant 0 : i32
        %dma_start3A_61 = tpu.memref_slice %arg11[%dma_start3A_60] : memref<10240xf32, #tpu.memory_space<vmem_shared>> -> memref<10240xf32, #tpu.memory_space<vmem_shared>>
        tpu.enqueue_indirect_dma source(%arg6 : memref<80xf32, #tpu.memory_space<vmem>>) target(%dma_start3A_61 : memref<10240xf32, #tpu.memory_space<vmem_shared>>) offsets(%arg7 : memref<80xi32, #tpu.memory_space<vmem>>) semaphore(%arg16 : memref<!tpu.dma_semaphore, #tpu.memory_space<semaphore_mem>>) {add = true}
        %ge3A = arith.constant 2 : i32
        %ge3A_62 = arith.cmpi sge, %add3A_25, %ge3A : i32
        %convert_element_type3A_63 = arith.extui %ge3A_62 : i1 to i32
        %cond3A_64 = arith.constant 0 : i32
        %cond3A_65 = arith.cmpi ne, %convert_element_type3A_63, %cond3A_64 : i32
        scf.if %cond3A_65 {
          %dma_wait3A_73 = arith.constant 0 : i32
          %dma_wait3A_74 = tpu.memref_slice %arg11[%dma_wait3A_73] : memref<10240xf32, #tpu.memory_space<vmem_shared>> -> memref<10240xf32, #tpu.memory_space<vmem_shared>>
          tpu.wait_indirect_dma semaphore(%arg18 : memref<!tpu.dma_semaphore, #tpu.memory_space<semaphore_mem>>) src(%arg6 : memref<80xf32, #tpu.memory_space<vmem>>) dst(%dma_wait3A_74 : memref<10240xf32, #tpu.memory_space<vmem_shared>>)
        } else {
        }
        %add3A_66 = arith.constant 2 : i32
        %add3A_67 = arith.addi %add3A_25, %add3A_66 : i32
        %lt3A_68 = arith.constant 125 : i32
        %lt3A_69 = arith.cmpi slt, %add3A_67, %lt3A_68 : i32
        %convert_element_type3A_70 = arith.extui %lt3A_69 : i1 to i32
        %cond3A_71 = arith.constant 0 : i32
        %cond3A_72 = arith.cmpi ne, %convert_element_type3A_70, %cond3A_71 : i32
        scf.if %cond3A_72 {
          %add3A_73 = arith.constant 2 : i32
          %add3A_74 = arith.addi %add3A_25, %add3A_73 : i32
          %mul3A_75 = arith.constant 80 : i32
          %mul3A_76 = arith.muli %add3A_74, %mul3A_75 : i32
          %add3A_77 = arith.addi %mul3A_4, %mul3A_76 : i32
          %dma_start3A_78 = tpu.memref_slice %arg2[%add3A_77] : memref<320000xi32, #tpu.memory_space<hbm>> -> memref<80xi32, #tpu.memory_space<hbm>>
          %dma_start3A_79 = tpu.memref_slice %arg2[%add3A_77] : memref<320000xi32, #tpu.memory_space<hbm>> -> memref<80xi32, #tpu.memory_space<hbm>>
          tpu.enqueue_dma source(%dma_start3A_79 : memref<80xi32, #tpu.memory_space<hbm>>) target(%arg9 : memref<80xi32, #tpu.memory_space<vmem>>) target_semaphore(%arg14 : memref<!tpu.dma_semaphore, #tpu.memory_space<semaphore_mem>>)
        } else {
        }
      } else {
      }
      %mul3A_28 = arith.constant 4 : i32
      %mul3A_29 = arith.muli %scan3A_21, %mul3A_28 : i32
      %add3A_30 = arith.constant 1 : i32
      %add3A_31 = arith.addi %mul3A_29, %add3A_30 : i32
      %lt3A_32 = arith.constant 125 : i32
      %lt3A_33 = arith.cmpi slt, %add3A_31, %lt3A_32 : i32
      %convert_element_type3A_34 = arith.extui %lt3A_33 : i1 to i32
      %cond3A_35 = arith.constant 0 : i32
      %cond3A_36 = arith.cmpi ne, %convert_element_type3A_34, %cond3A_35 : i32
      scf.if %cond3A_36 {
        %mul3A_55 = arith.constant 80 : i32
        %mul3A_56 = arith.muli %add3A_31, %mul3A_55 : i32
        %add3A_57 = arith.addi %mul3A_4, %mul3A_56 : i32
        %dma_wait3A_58 = tpu.memref_slice %arg2[%add3A_57] : memref<320000xi32, #tpu.memory_space<hbm>> -> memref<80xi32, #tpu.memory_space<hbm>>
        %dma_wait3A_59 = tpu.memref_slice %arg2[%add3A_57] : memref<320000xi32, #tpu.memory_space<hbm>> -> memref<80xi32, #tpu.memory_space<hbm>>
        tpu.wait_dma2 semaphore(%arg13 : memref<!tpu.dma_semaphore, #tpu.memory_space<semaphore_mem>>) src(%dma_wait3A_59 : memref<80xi32, #tpu.memory_space<hbm>>) dst(%arg8 : memref<80xi32, #tpu.memory_space<vmem>>)
        %dma_start3A_60 = arith.constant 0 : i32
        %dma_start3A_61 = tpu.memref_slice %arg11[%dma_start3A_60] : memref<10240xf32, #tpu.memory_space<vmem_shared>> -> memref<10240xf32, #tpu.memory_space<vmem_shared>>
        tpu.enqueue_indirect_dma source(%arg6 : memref<80xf32, #tpu.memory_space<vmem>>) target(%dma_start3A_61 : memref<10240xf32, #tpu.memory_space<vmem_shared>>) offsets(%arg8 : memref<80xi32, #tpu.memory_space<vmem>>) semaphore(%arg17 : memref<!tpu.dma_semaphore, #tpu.memory_space<semaphore_mem>>) {add = true}
        %ge3A = arith.constant 2 : i32
        %ge3A_62 = arith.cmpi sge, %add3A_31, %ge3A : i32
        %convert_element_type3A_63 = arith.extui %ge3A_62 : i1 to i32
        %cond3A_64 = arith.constant 0 : i32
        %cond3A_65 = arith.cmpi ne, %convert_element_type3A_63, %cond3A_64 : i32
        scf.if %cond3A_65 {
          %dma_wait3A_73 = arith.constant 0 : i32
          %dma_wait3A_74 = tpu.memref_slice %arg11[%dma_wait3A_73] : memref<10240xf32, #tpu.memory_space<vmem_shared>> -> memref<10240xf32, #tpu.memory_space<vmem_shared>>
          tpu.wait_indirect_dma semaphore(%arg19 : memref<!tpu.dma_semaphore, #tpu.memory_space<semaphore_mem>>) src(%arg6 : memref<80xf32, #tpu.memory_space<vmem>>) dst(%dma_wait3A_74 : memref<10240xf32, #tpu.memory_space<vmem_shared>>)
        } else {
        }
        %add3A_66 = arith.constant 2 : i32
        %add3A_67 = arith.addi %add3A_31, %add3A_66 : i32
        %lt3A_68 = arith.constant 125 : i32
        %lt3A_69 = arith.cmpi slt, %add3A_67, %lt3A_68 : i32
        %convert_element_type3A_70 = arith.extui %lt3A_69 : i1 to i32
        %cond3A_71 = arith.constant 0 : i32
        %cond3A_72 = arith.cmpi ne, %convert_element_type3A_70, %cond3A_71 : i32
        scf.if %cond3A_72 {
          %add3A_73 = arith.constant 2 : i32
          %add3A_74 = arith.addi %add3A_31, %add3A_73 : i32
          %mul3A_75 = arith.constant 80 : i32
          %mul3A_76 = arith.muli %add3A_74, %mul3A_75 : i32
          %add3A_77 = arith.addi %mul3A_4, %mul3A_76 : i32
          %dma_start3A_78 = tpu.memref_slice %arg2[%add3A_77] : memref<320000xi32, #tpu.memory_space<hbm>> -> memref<80xi32, #tpu.memory_space<hbm>>
          %dma_start3A_79 = tpu.memref_slice %arg2[%add3A_77] : memref<320000xi32, #tpu.memory_space<hbm>> -> memref<80xi32, #tpu.memory_space<hbm>>
          tpu.enqueue_dma source(%dma_start3A_79 : memref<80xi32, #tpu.memory_space<hbm>>) target(%arg10 : memref<80xi32, #tpu.memory_space<vmem>>) target_semaphore(%arg15 : memref<!tpu.dma_semaphore, #tpu.memory_space<semaphore_mem>>)
        } else {
        }
      } else {
      }
      %mul3A_37 = arith.constant 4 : i32
      %mul3A_38 = arith.muli %scan3A_21, %mul3A_37 : i32
      %add3A_39 = arith.constant 2 : i32
      %add3A_40 = arith.addi %mul3A_38, %add3A_39 : i32
      %lt3A_41 = arith.constant 125 : i32
      %lt3A_42 = arith.cmpi slt, %add3A_40, %lt3A_41 : i32
      %convert_element_type3A_43 = arith.extui %lt3A_42 : i1 to i32
      %cond3A_44 = arith.constant 0 : i32
      %cond3A_45 = arith.cmpi ne, %convert_element_type3A_43, %cond3A_44 : i32
      scf.if %cond3A_45 {
        %mul3A_55 = arith.constant 80 : i32
        %mul3A_56 = arith.muli %add3A_40, %mul3A_55 : i32
        %add3A_57 = arith.addi %mul3A_4, %mul3A_56 : i32
        %dma_wait3A_58 = tpu.memref_slice %arg2[%add3A_57] : memref<320000xi32, #tpu.memory_space<hbm>> -> memref<80xi32, #tpu.memory_space<hbm>>
        %dma_wait3A_59 = tpu.memref_slice %arg2[%add3A_57] : memref<320000xi32, #tpu.memory_space<hbm>> -> memref<80xi32, #tpu.memory_space<hbm>>
        tpu.wait_dma2 semaphore(%arg14 : memref<!tpu.dma_semaphore, #tpu.memory_space<semaphore_mem>>) src(%dma_wait3A_59 : memref<80xi32, #tpu.memory_space<hbm>>) dst(%arg9 : memref<80xi32, #tpu.memory_space<vmem>>)
        %dma_start3A_60 = arith.constant 0 : i32
        %dma_start3A_61 = tpu.memref_slice %arg11[%dma_start3A_60] : memref<10240xf32, #tpu.memory_space<vmem_shared>> -> memref<10240xf32, #tpu.memory_space<vmem_shared>>
        tpu.enqueue_indirect_dma source(%arg6 : memref<80xf32, #tpu.memory_space<vmem>>) target(%dma_start3A_61 : memref<10240xf32, #tpu.memory_space<vmem_shared>>) offsets(%arg9 : memref<80xi32, #tpu.memory_space<vmem>>) semaphore(%arg18 : memref<!tpu.dma_semaphore, #tpu.memory_space<semaphore_mem>>) {add = true}
        %ge3A = arith.constant 2 : i32
        %ge3A_62 = arith.cmpi sge, %add3A_40, %ge3A : i32
        %convert_element_type3A_63 = arith.extui %ge3A_62 : i1 to i32
        %cond3A_64 = arith.constant 0 : i32
        %cond3A_65 = arith.cmpi ne, %convert_element_type3A_63, %cond3A_64 : i32
        scf.if %cond3A_65 {
          %dma_wait3A_73 = arith.constant 0 : i32
          %dma_wait3A_74 = tpu.memref_slice %arg11[%dma_wait3A_73] : memref<10240xf32, #tpu.memory_space<vmem_shared>> -> memref<10240xf32, #tpu.memory_space<vmem_shared>>
          tpu.wait_indirect_dma semaphore(%arg16 : memref<!tpu.dma_semaphore, #tpu.memory_space<semaphore_mem>>) src(%arg6 : memref<80xf32, #tpu.memory_space<vmem>>) dst(%dma_wait3A_74 : memref<10240xf32, #tpu.memory_space<vmem_shared>>)
        } else {
        }
        %add3A_66 = arith.constant 2 : i32
        %add3A_67 = arith.addi %add3A_40, %add3A_66 : i32
        %lt3A_68 = arith.constant 125 : i32
        %lt3A_69 = arith.cmpi slt, %add3A_67, %lt3A_68 : i32
        %convert_element_type3A_70 = arith.extui %lt3A_69 : i1 to i32
        %cond3A_71 = arith.constant 0 : i32
        %cond3A_72 = arith.cmpi ne, %convert_element_type3A_70, %cond3A_71 : i32
        scf.if %cond3A_72 {
          %add3A_73 = arith.constant 2 : i32
          %add3A_74 = arith.addi %add3A_40, %add3A_73 : i32
          %mul3A_75 = arith.constant 80 : i32
          %mul3A_76 = arith.muli %add3A_74, %mul3A_75 : i32
          %add3A_77 = arith.addi %mul3A_4, %mul3A_76 : i32
          %dma_start3A_78 = tpu.memref_slice %arg2[%add3A_77] : memref<320000xi32, #tpu.memory_space<hbm>> -> memref<80xi32, #tpu.memory_space<hbm>>
          %dma_start3A_79 = tpu.memref_slice %arg2[%add3A_77] : memref<320000xi32, #tpu.memory_space<hbm>> -> memref<80xi32, #tpu.memory_space<hbm>>
          tpu.enqueue_dma source(%dma_start3A_79 : memref<80xi32, #tpu.memory_space<hbm>>) target(%arg7 : memref<80xi32, #tpu.memory_space<vmem>>) target_semaphore(%arg12 : memref<!tpu.dma_semaphore, #tpu.memory_space<semaphore_mem>>)
        } else {
        }
      } else {
      }
      %mul3A_46 = arith.constant 4 : i32
      %mul3A_47 = arith.muli %scan3A_21, %mul3A_46 : i32
      %add3A_48 = arith.constant 3 : i32
      %add3A_49 = arith.addi %mul3A_47, %add3A_48 : i32
      %lt3A_50 = arith.constant 125 : i32
      %lt3A_51 = arith.cmpi slt, %add3A_49, %lt3A_50 : i32
      %convert_element_type3A_52 = arith.extui %lt3A_51 : i1 to i32
      %cond3A_53 = arith.constant 0 : i32
      %cond3A_54 = arith.cmpi ne, %convert_element_type3A_52, %cond3A_53 : i32
      scf.if %cond3A_54 {
        %mul3A_55 = arith.constant 80 : i32
        %mul3A_56 = arith.muli %add3A_49, %mul3A_55 : i32
        %add3A_57 = arith.addi %mul3A_4, %mul3A_56 : i32
        %dma_wait3A_58 = tpu.memref_slice %arg2[%add3A_57] : memref<320000xi32, #tpu.memory_space<hbm>> -> memref<80xi32, #tpu.memory_space<hbm>>
        %dma_wait3A_59 = tpu.memref_slice %arg2[%add3A_57] : memref<320000xi32, #tpu.memory_space<hbm>> -> memref<80xi32, #tpu.memory_space<hbm>>
        tpu.wait_dma2 semaphore(%arg15 : memref<!tpu.dma_semaphore, #tpu.memory_space<semaphore_mem>>) src(%dma_wait3A_59 : memref<80xi32, #tpu.memory_space<hbm>>) dst(%arg10 : memref<80xi32, #tpu.memory_space<vmem>>)
        %dma_start3A_60 = arith.constant 0 : i32
        %dma_start3A_61 = tpu.memref_slice %arg11[%dma_start3A_60] : memref<10240xf32, #tpu.memory_space<vmem_shared>> -> memref<10240xf32, #tpu.memory_space<vmem_shared>>
        tpu.enqueue_indirect_dma source(%arg6 : memref<80xf32, #tpu.memory_space<vmem>>) target(%dma_start3A_61 : memref<10240xf32, #tpu.memory_space<vmem_shared>>) offsets(%arg10 : memref<80xi32, #tpu.memory_space<vmem>>) semaphore(%arg19 : memref<!tpu.dma_semaphore, #tpu.memory_space<semaphore_mem>>) {add = true}
        %ge3A = arith.constant 2 : i32
        %ge3A_62 = arith.cmpi sge, %add3A_49, %ge3A : i32
        %convert_element_type3A_63 = arith.extui %ge3A_62 : i1 to i32
        %cond3A_64 = arith.constant 0 : i32
        %cond3A_65 = arith.cmpi ne, %convert_element_type3A_63, %cond3A_64 : i32
        scf.if %cond3A_65 {
          %dma_wait3A_73 = arith.constant 0 : i32
          %dma_wait3A_74 = tpu.memref_slice %arg11[%dma_wait3A_73] : memref<10240xf32, #tpu.memory_space<vmem_shared>> -> memref<10240xf32, #tpu.memory_space<vmem_shared>>
          tpu.wait_indirect_dma semaphore(%arg17 : memref<!tpu.dma_semaphore, #tpu.memory_space<semaphore_mem>>) src(%arg6 : memref<80xf32, #tpu.memory_space<vmem>>) dst(%dma_wait3A_74 : memref<10240xf32, #tpu.memory_space<vmem_shared>>)
        } else {
        }
        %add3A_66 = arith.constant 2 : i32
        %add3A_67 = arith.addi %add3A_49, %add3A_66 : i32
        %lt3A_68 = arith.constant 125 : i32
        %lt3A_69 = arith.cmpi slt, %add3A_67, %lt3A_68 : i32
        %convert_element_type3A_70 = arith.extui %lt3A_69 : i1 to i32
        %cond3A_71 = arith.constant 0 : i32
        %cond3A_72 = arith.cmpi ne, %convert_element_type3A_70, %cond3A_71 : i32
        scf.if %cond3A_72 {
          %add3A_73 = arith.constant 2 : i32
          %add3A_74 = arith.addi %add3A_49, %add3A_73 : i32
          %mul3A_75 = arith.constant 80 : i32
          %mul3A_76 = arith.muli %add3A_74, %mul3A_75 : i32
          %add3A_77 = arith.addi %mul3A_4, %mul3A_76 : i32
          %dma_start3A_78 = tpu.memref_slice %arg2[%add3A_77] : memref<320000xi32, #tpu.memory_space<hbm>> -> memref<80xi32, #tpu.memory_space<hbm>>
          %dma_start3A_79 = tpu.memref_slice %arg2[%add3A_77] : memref<320000xi32, #tpu.memory_space<hbm>> -> memref<80xi32, #tpu.memory_space<hbm>>
          tpu.enqueue_dma source(%dma_start3A_79 : memref<80xi32, #tpu.memory_space<hbm>>) target(%arg8 : memref<80xi32, #tpu.memory_space<vmem>>) target_semaphore(%arg13 : memref<!tpu.dma_semaphore, #tpu.memory_space<semaphore_mem>>)
        } else {
        }
      } else {
      }
    }
    %scan3A_16 = arith.constant 32 : i32
    %dma_wait3A = arith.constant 0 : i32
    %dma_wait3A_17 = tpu.memref_slice %arg11[%dma_wait3A] : memref<10240xf32, #tpu.memory_space<vmem_shared>> -> memref<10240xf32, #tpu.memory_space<vmem_shared>>
    tpu.wait_indirect_dma semaphore(%arg19 : memref<!tpu.dma_semaphore, #tpu.memory_space<semaphore_mem>>) src(%arg6 : memref<80xf32, #tpu.memory_space<vmem>>) dst(%dma_wait3A_17 : memref<10240xf32, #tpu.memory_space<vmem_shared>>)
    %dma_wait3A_18 = arith.constant 0 : i32
    %dma_wait3A_19 = tpu.memref_slice %arg11[%dma_wait3A_18] : memref<10240xf32, #tpu.memory_space<vmem_shared>> -> memref<10240xf32, #tpu.memory_space<vmem_shared>>
    tpu.wait_indirect_dma semaphore(%arg16 : memref<!tpu.dma_semaphore, #tpu.memory_space<semaphore_mem>>) src(%arg6 : memref<80xf32, #tpu.memory_space<vmem>>) dst(%dma_wait3A_19 : memref<10240xf32, #tpu.memory_space<vmem_shared>>)
    %barrier3A_20 = arith.constant 0 : index
    tpu.barrier barrier_id(%barrier3A_20)
    "tpu.region"() ({
      %run_scoped3A = tpu.sem_alloc : memref<!tpu.dma_semaphore, #tpu.memory_space<semaphore_mem>>
      %dma_start3A_21 = tpu.memref_slice %arg5[%arg0, %mul3A_0] : memref<2x10240xf32, #tpu.memory_space<hbm>> -> memref<1x640xf32, #tpu.memory_space<hbm>>
      %dma_start3A_22 = tpu.memref_squeeze %dma_start3A_21 : memref<1x640xf32, #tpu.memory_space<hbm>> -> memref<640xf32, #tpu.memory_space<hbm>>
      %dma_start3A_23 = tpu.memref_slice %arg11[%mul3A_0] : memref<10240xf32, #tpu.memory_space<vmem_shared>> -> memref<640xf32, #tpu.memory_space<vmem_shared>>
      tpu.enqueue_dma source(%dma_start3A_23 : memref<640xf32, #tpu.memory_space<vmem_shared>>) target(%dma_start3A_22 : memref<640xf32, #tpu.memory_space<hbm>>) target_semaphore(%run_scoped3A : memref<!tpu.dma_semaphore, #tpu.memory_space<semaphore_mem>>)
      %dma_wait3A_24 = tpu.memref_slice %arg5[%arg0, %mul3A_0] : memref<2x10240xf32, #tpu.memory_space<hbm>> -> memref<1x640xf32, #tpu.memory_space<hbm>>
      %dma_wait3A_25 = tpu.memref_squeeze %dma_wait3A_24 : memref<1x640xf32, #tpu.memory_space<hbm>> -> memref<640xf32, #tpu.memory_space<hbm>>
      %dma_wait3A_26 = tpu.memref_slice %arg11[%mul3A_0] : memref<10240xf32, #tpu.memory_space<vmem_shared>> -> memref<640xf32, #tpu.memory_space<vmem_shared>>
      tpu.wait_dma2 semaphore(%run_scoped3A : memref<!tpu.dma_semaphore, #tpu.memory_space<semaphore_mem>>) src(%dma_wait3A_26 : memref<640xf32, #tpu.memory_space<vmem_shared>>) dst(%dma_wait3A_25 : memref<640xf32, #tpu.memory_space<hbm>>)
      tpu.yield
    }) : () -> ()
    return
  }
}

#map = affine_map<(d0, d1) -> (0, 0)>
#map1 = affine_map<(d0, d1) -> (0)>
#map2 = affine_map<(d0, d1) -> (0, 0, 0)>
module attributes {stable_mosaic.version = 14 : i64} {
  func.func @_sc_scatter(%arg0: i32, %arg1: i32, %arg2: memref<10240x128xf32, #tpu.memory_space<hbm>>, %arg3: memref<320000xi32, #tpu.memory_space<hbm>>, %arg4: memref<320000xi32, #tpu.memory_space<hbm>>, %arg5: memref<10240x128xf32, #tpu.memory_space<hbm>>, %arg6: memref<2x10240x128xf32, #tpu.memory_space<hbm>>, %arg7: memref<80xi32, #tpu.memory_space<vmem>>, %arg8: memref<80xi32, #tpu.memory_space<vmem>>, %arg9: memref<80xi32, #tpu.memory_space<vmem>>, %arg10: memref<80xi32, #tpu.memory_space<vmem>>, %arg11: memref<80xi32, #tpu.memory_space<vmem>>, %arg12: memref<80xi32, #tpu.memory_space<vmem>>, %arg13: memref<80xi32, #tpu.memory_space<vmem>>, %arg14: memref<80xi32, #tpu.memory_space<vmem>>, %arg15: memref<80x128xf32, #tpu.memory_space<vmem>>, %arg16: memref<80x128xf32, #tpu.memory_space<vmem>>, %arg17: memref<80x128xf32, #tpu.memory_space<vmem>>, %arg18: memref<80x128xf32, #tpu.memory_space<vmem>>, %arg19: memref<10240x128xf32, #tpu.memory_space<vmem_shared>>, %arg20: memref<!tpu.dma_semaphore, #tpu.memory_space<semaphore_mem>>, %arg21: memref<!tpu.dma_semaphore, #tpu.memory_space<semaphore_mem>>, %arg22: memref<!tpu.dma_semaphore, #tpu.memory_space<semaphore_mem>>, %arg23: memref<!tpu.dma_semaphore, #tpu.memory_space<semaphore_mem>>, %arg24: memref<!tpu.dma_semaphore, #tpu.memory_space<semaphore_mem>>, %arg25: memref<!tpu.dma_semaphore, #tpu.memory_space<semaphore_mem>>, %arg26: memref<!tpu.dma_semaphore, #tpu.memory_space<semaphore_mem>>, %arg27: memref<!tpu.dma_semaphore, #tpu.memory_space<semaphore_mem>>, %arg28: memref<!tpu.dma_semaphore, #tpu.memory_space<semaphore_mem>>, %arg29: memref<!tpu.dma_semaphore, #tpu.memory_space<semaphore_mem>>, %arg30: memref<!tpu.dma_semaphore, #tpu.memory_space<semaphore_mem>>, %arg31: memref<!tpu.dma_semaphore, #tpu.memory_space<semaphore_mem>>, %arg32: memref<!tpu.dma_semaphore, #tpu.memory_space<semaphore_mem>>, %arg33: memref<!tpu.dma_semaphore, #tpu.memory_space<semaphore_mem>>, %arg34: memref<!tpu.dma_semaphore, #tpu.memory_space<semaphore_mem>>, %arg35: memref<!tpu.dma_semaphore, #tpu.memory_space<semaphore_mem>>) attributes {dimension_semantics = [#tpu.dimension_semantics<core_parallel>, #tpu.dimension_semantics<subcore_parallel>], iteration_bounds = array<i64: 2, 16>, scalar_prefetch = 0 : i64, scratch_operands = 29 : i64, tpu.core_type = #tpu.core_type<sc_vector_subcore>, window_params = [{transform_indices = #map}, {transform_indices = #map1}, {transform_indices = #map1}, {transform_indices = #map}, {transform_indices = #map2}]} {
    %mul3A = arith.constant 640 : i32
    %mul3A_0 = arith.muli %arg1, %mul3A : i32
    "tpu.region"() ({
      %run_scoped3A = tpu.sem_alloc : memref<!tpu.dma_semaphore, #tpu.memory_space<semaphore_mem>>
      %dma_start3A_41 = arith.constant 0 : i32
      %dma_start3A_42 = tpu.memref_slice %arg19[%mul3A_0, %dma_start3A_41] : memref<10240x128xf32, #tpu.memory_space<vmem_shared>> -> memref<640x128xf32, #tpu.memory_space<vmem_shared>>
      %dma_start3A_43 = arith.constant 0 : i32
      %dma_start3A_44 = tpu.memref_slice %arg5[%mul3A_0, %dma_start3A_43] : memref<10240x128xf32, #tpu.memory_space<hbm>> -> memref<640x128xf32, #tpu.memory_space<hbm>>
      tpu.enqueue_dma source(%dma_start3A_44 : memref<640x128xf32, #tpu.memory_space<hbm>>) target(%dma_start3A_42 : memref<640x128xf32, #tpu.memory_space<vmem_shared>>) target_semaphore(%run_scoped3A : memref<!tpu.dma_semaphore, #tpu.memory_space<semaphore_mem>>)
      %dma_wait3A_45 = arith.constant 0 : i32
      %dma_wait3A_46 = tpu.memref_slice %arg19[%mul3A_0, %dma_wait3A_45] : memref<10240x128xf32, #tpu.memory_space<vmem_shared>> -> memref<640x128xf32, #tpu.memory_space<vmem_shared>>
      %dma_wait3A_47 = arith.constant 0 : i32
      %dma_wait3A_48 = tpu.memref_slice %arg5[%mul3A_0, %dma_wait3A_47] : memref<10240x128xf32, #tpu.memory_space<hbm>> -> memref<640x128xf32, #tpu.memory_space<hbm>>
      tpu.wait_dma2 semaphore(%run_scoped3A : memref<!tpu.dma_semaphore, #tpu.memory_space<semaphore_mem>>) src(%dma_wait3A_48 : memref<640x128xf32, #tpu.memory_space<hbm>>) dst(%dma_wait3A_46 : memref<640x128xf32, #tpu.memory_space<vmem_shared>>)
      tpu.yield
    }) : () -> ()
    %barrier3A = arith.constant 0 : index
    tpu.barrier barrier_id(%barrier3A)
    %mul3A_1 = arith.constant 2 : i32
    %mul3A_2 = arith.muli %arg1, %mul3A_1 : i32
    %add3A = arith.addi %mul3A_2, %arg0 : i32
    %mul3A_3 = arith.constant 10000 : i32
    %mul3A_4 = arith.muli %add3A, %mul3A_3 : i32
    %add3A_5 = arith.constant 0 : i32
    %add3A_6 = arith.addi %mul3A_4, %add3A_5 : i32
    "tpu.region"() ({
      %run_scoped3A = tpu.sem_alloc : memref<!tpu.dma_semaphore, #tpu.memory_space<semaphore_mem>>
      %dma_start3A_41 = tpu.memref_slice %arg3[%add3A_6] : memref<320000xi32, #tpu.memory_space<hbm>> -> memref<80xi32, #tpu.memory_space<hbm>>
      %dma_start3A_42 = tpu.memref_slice %arg3[%add3A_6] : memref<320000xi32, #tpu.memory_space<hbm>> -> memref<80xi32, #tpu.memory_space<hbm>>
      tpu.enqueue_dma source(%dma_start3A_42 : memref<80xi32, #tpu.memory_space<hbm>>) target(%arg7 : memref<80xi32, #tpu.memory_space<vmem>>) target_semaphore(%run_scoped3A : memref<!tpu.dma_semaphore, #tpu.memory_space<semaphore_mem>>)
      %dma_wait3A_43 = tpu.memref_slice %arg3[%add3A_6] : memref<320000xi32, #tpu.memory_space<hbm>> -> memref<80xi32, #tpu.memory_space<hbm>>
      %dma_wait3A_44 = tpu.memref_slice %arg3[%add3A_6] : memref<320000xi32, #tpu.memory_space<hbm>> -> memref<80xi32, #tpu.memory_space<hbm>>
      tpu.wait_dma2 semaphore(%run_scoped3A : memref<!tpu.dma_semaphore, #tpu.memory_space<semaphore_mem>>) src(%dma_wait3A_44 : memref<80xi32, #tpu.memory_space<hbm>>) dst(%arg7 : memref<80xi32, #tpu.memory_space<vmem>>)
      tpu.yield
    }) : () -> ()
    %dma_start3A = arith.constant 0 : i32
    %dma_start3A_7 = arith.constant 0 : i32
    %dma_start3A_8 = tpu.memref_slice %arg2[%dma_start3A, %dma_start3A_7] : memref<10240x128xf32, #tpu.memory_space<hbm>> -> memref<10240x128xf32, #tpu.memory_space<hbm>>
    tpu.enqueue_indirect_dma source(%dma_start3A_8 : memref<10240x128xf32, #tpu.memory_space<hbm>>) target(%arg15 : memref<80x128xf32, #tpu.memory_space<vmem>>) offsets(%arg7 : memref<80xi32, #tpu.memory_space<vmem>>) semaphore(%arg28 : memref<!tpu.dma_semaphore, #tpu.memory_space<semaphore_mem>>)
    %add3A_9 = arith.constant 0 : i32
    %add3A_10 = arith.addi %mul3A_4, %add3A_9 : i32
    %dma_start3A_11 = tpu.memref_slice %arg4[%add3A_10] : memref<320000xi32, #tpu.memory_space<hbm>> -> memref<80xi32, #tpu.memory_space<hbm>>
    %dma_start3A_12 = tpu.memref_slice %arg4[%add3A_10] : memref<320000xi32, #tpu.memory_space<hbm>> -> memref<80xi32, #tpu.memory_space<hbm>>
    tpu.enqueue_dma source(%dma_start3A_12 : memref<80xi32, #tpu.memory_space<hbm>>) target(%arg11 : memref<80xi32, #tpu.memory_space<vmem>>) target_semaphore(%arg24 : memref<!tpu.dma_semaphore, #tpu.memory_space<semaphore_mem>>)
    %add3A_13 = arith.constant 80 : i32
    %add3A_14 = arith.addi %mul3A_4, %add3A_13 : i32
    "tpu.region"() ({
      %run_scoped3A = tpu.sem_alloc : memref<!tpu.dma_semaphore, #tpu.memory_space<semaphore_mem>>
      %dma_start3A_41 = tpu.memref_slice %arg3[%add3A_14] : memref<320000xi32, #tpu.memory_space<hbm>> -> memref<80xi32, #tpu.memory_space<hbm>>
      %dma_start3A_42 = tpu.memref_slice %arg3[%add3A_14] : memref<320000xi32, #tpu.memory_space<hbm>> -> memref<80xi32, #tpu.memory_space<hbm>>
      tpu.enqueue_dma source(%dma_start3A_42 : memref<80xi32, #tpu.memory_space<hbm>>) target(%arg8 : memref<80xi32, #tpu.memory_space<vmem>>) target_semaphore(%run_scoped3A : memref<!tpu.dma_semaphore, #tpu.memory_space<semaphore_mem>>)
      %dma_wait3A_43 = tpu.memref_slice %arg3[%add3A_14] : memref<320000xi32, #tpu.memory_space<hbm>> -> memref<80xi32, #tpu.memory_space<hbm>>
      %dma_wait3A_44 = tpu.memref_slice %arg3[%add3A_14] : memref<320000xi32, #tpu.memory_space<hbm>> -> memref<80xi32, #tpu.memory_space<hbm>>
      tpu.wait_dma2 semaphore(%run_scoped3A : memref<!tpu.dma_semaphore, #tpu.memory_space<semaphore_mem>>) src(%dma_wait3A_44 : memref<80xi32, #tpu.memory_space<hbm>>) dst(%arg8 : memref<80xi32, #tpu.memory_space<vmem>>)
      tpu.yield
    }) : () -> ()
    %dma_start3A_15 = arith.constant 0 : i32
    %dma_start3A_16 = arith.constant 0 : i32
    %dma_start3A_17 = tpu.memref_slice %arg2[%dma_start3A_15, %dma_start3A_16] : memref<10240x128xf32, #tpu.memory_space<hbm>> -> memref<10240x128xf32, #tpu.memory_space<hbm>>
    tpu.enqueue_indirect_dma source(%dma_start3A_17 : memref<10240x128xf32, #tpu.memory_space<hbm>>) target(%arg16 : memref<80x128xf32, #tpu.memory_space<vmem>>) offsets(%arg8 : memref<80xi32, #tpu.memory_space<vmem>>) semaphore(%arg29 : memref<!tpu.dma_semaphore, #tpu.memory_space<semaphore_mem>>)
    %add3A_18 = arith.constant 80 : i32
    %add3A_19 = arith.addi %mul3A_4, %add3A_18 : i32
    %dma_start3A_20 = tpu.memref_slice %arg4[%add3A_19] : memref<320000xi32, #tpu.memory_space<hbm>> -> memref<80xi32, #tpu.memory_space<hbm>>
    %dma_start3A_21 = tpu.memref_slice %arg4[%add3A_19] : memref<320000xi32, #tpu.memory_space<hbm>> -> memref<80xi32, #tpu.memory_space<hbm>>
    tpu.enqueue_dma source(%dma_start3A_21 : memref<80xi32, #tpu.memory_space<hbm>>) target(%arg12 : memref<80xi32, #tpu.memory_space<vmem>>) target_semaphore(%arg25 : memref<!tpu.dma_semaphore, #tpu.memory_space<semaphore_mem>>)
    %add3A_22 = arith.constant 160 : i32
    %add3A_23 = arith.addi %mul3A_4, %add3A_22 : i32
    %dma_start3A_24 = tpu.memref_slice %arg3[%add3A_23] : memref<320000xi32, #tpu.memory_space<hbm>> -> memref<80xi32, #tpu.memory_space<hbm>>
    %dma_start3A_25 = tpu.memref_slice %arg3[%add3A_23] : memref<320000xi32, #tpu.memory_space<hbm>> -> memref<80xi32, #tpu.memory_space<hbm>>
    tpu.enqueue_dma source(%dma_start3A_25 : memref<80xi32, #tpu.memory_space<hbm>>) target(%arg9 : memref<80xi32, #tpu.memory_space<vmem>>) target_semaphore(%arg22 : memref<!tpu.dma_semaphore, #tpu.memory_space<semaphore_mem>>)
    %add3A_26 = arith.constant 240 : i32
    %add3A_27 = arith.addi %mul3A_4, %add3A_26 : i32
    %dma_start3A_28 = tpu.memref_slice %arg3[%add3A_27] : memref<320000xi32, #tpu.memory_space<hbm>> -> memref<80xi32, #tpu.memory_space<hbm>>
    %dma_start3A_29 = tpu.memref_slice %arg3[%add3A_27] : memref<320000xi32, #tpu.memory_space<hbm>> -> memref<80xi32, #tpu.memory_space<hbm>>
    tpu.enqueue_dma source(%dma_start3A_29 : memref<80xi32, #tpu.memory_space<hbm>>) target(%arg10 : memref<80xi32, #tpu.memory_space<vmem>>) target_semaphore(%arg23 : memref<!tpu.dma_semaphore, #tpu.memory_space<semaphore_mem>>)
    %scan3A = arith.constant 0 : i32
    %scan3A_30 = arith.constant 0 : i32
    %scan3A_31 = arith.constant 32 : i32
    %scan3A_32 = arith.addi %scan3A_30, %scan3A_31 : i32
    %scan3A_33 = arith.constant 1 : i32
    scf.for %scan3A_41 = %scan3A_30 to %scan3A_32 step %scan3A_33  : i32 {
      %mul3A_42 = arith.constant 4 : i32
      %mul3A_43 = arith.muli %scan3A_41, %mul3A_42 : i32
      %add3A_44 = arith.constant 0 : i32
      %add3A_45 = arith.addi %mul3A_43, %add3A_44 : i32
      %lt3A = arith.constant 125 : i32
      %lt3A_46 = arith.cmpi slt, %add3A_45, %lt3A : i32
      %convert_element_type3A = arith.extui %lt3A_46 : i1 to i32
      %cond3A = arith.constant 0 : i32
      %cond3A_47 = arith.cmpi ne, %convert_element_type3A, %cond3A : i32
      scf.if %cond3A_47 {
        %dma_wait3A_75 = arith.constant 0 : i32
        %dma_wait3A_76 = arith.constant 0 : i32
        %dma_wait3A_77 = tpu.memref_slice %arg2[%dma_wait3A_75, %dma_wait3A_76] : memref<10240x128xf32, #tpu.memory_space<hbm>> -> memref<10240x128xf32, #tpu.memory_space<hbm>>
        tpu.wait_indirect_dma semaphore(%arg28 : memref<!tpu.dma_semaphore, #tpu.memory_space<semaphore_mem>>) src(%dma_wait3A_77 : memref<10240x128xf32, #tpu.memory_space<hbm>>) dst(%arg15 : memref<80x128xf32, #tpu.memory_space<vmem>>)
        %add3A_78 = arith.constant 4 : i32
        %add3A_79 = arith.addi %add3A_45, %add3A_78 : i32
        %lt3A_80 = arith.constant 125 : i32
        %lt3A_81 = arith.cmpi slt, %add3A_79, %lt3A_80 : i32
        %convert_element_type3A_82 = arith.extui %lt3A_81 : i1 to i32
        %cond3A_83 = arith.constant 0 : i32
        %cond3A_84 = arith.cmpi ne, %convert_element_type3A_82, %cond3A_83 : i32
        scf.if %cond3A_84 {
          %add3A_104 = arith.constant 4 : i32
          %add3A_105 = arith.addi %add3A_45, %add3A_104 : i32
          %mul3A_106 = arith.constant 80 : i32
          %mul3A_107 = arith.muli %add3A_105, %mul3A_106 : i32
          %add3A_108 = arith.addi %mul3A_4, %mul3A_107 : i32
          %dma_start3A_109 = tpu.memref_slice %arg3[%add3A_108] : memref<320000xi32, #tpu.memory_space<hbm>> -> memref<80xi32, #tpu.memory_space<hbm>>
          %dma_start3A_110 = tpu.memref_slice %arg3[%add3A_108] : memref<320000xi32, #tpu.memory_space<hbm>> -> memref<80xi32, #tpu.memory_space<hbm>>
          tpu.enqueue_dma source(%dma_start3A_110 : memref<80xi32, #tpu.memory_space<hbm>>) target(%arg7 : memref<80xi32, #tpu.memory_space<vmem>>) target_semaphore(%arg20 : memref<!tpu.dma_semaphore, #tpu.memory_space<semaphore_mem>>)
        } else {
        }
        %mul3A_85 = arith.constant 80 : i32
        %mul3A_86 = arith.muli %add3A_45, %mul3A_85 : i32
        %add3A_87 = arith.addi %mul3A_4, %mul3A_86 : i32
        %dma_wait3A_88 = tpu.memref_slice %arg4[%add3A_87] : memref<320000xi32, #tpu.memory_space<hbm>> -> memref<80xi32, #tpu.memory_space<hbm>>
        %dma_wait3A_89 = tpu.memref_slice %arg4[%add3A_87] : memref<320000xi32, #tpu.memory_space<hbm>> -> memref<80xi32, #tpu.memory_space<hbm>>
        tpu.wait_dma2 semaphore(%arg24 : memref<!tpu.dma_semaphore, #tpu.memory_space<semaphore_mem>>) src(%dma_wait3A_89 : memref<80xi32, #tpu.memory_space<hbm>>) dst(%arg11 : memref<80xi32, #tpu.memory_space<vmem>>)
        %dma_start3A_90 = arith.constant 0 : i32
        %dma_start3A_91 = arith.constant 0 : i32
        %dma_start3A_92 = tpu.memref_slice %arg19[%dma_start3A_90, %dma_start3A_91] : memref<10240x128xf32, #tpu.memory_space<vmem_shared>> -> memref<10240x128xf32, #tpu.memory_space<vmem_shared>>
        tpu.enqueue_indirect_dma source(%arg15 : memref<80x128xf32, #tpu.memory_space<vmem>>) target(%dma_start3A_92 : memref<10240x128xf32, #tpu.memory_space<vmem_shared>>) offsets(%arg11 : memref<80xi32, #tpu.memory_space<vmem>>) semaphore(%arg32 : memref<!tpu.dma_semaphore, #tpu.memory_space<semaphore_mem>>) {add = true}
        %ge3A = arith.constant 2 : i32
        %ge3A_93 = arith.cmpi sge, %add3A_45, %ge3A : i32
        %convert_element_type3A_94 = arith.extui %ge3A_93 : i1 to i32
        %cond3A_95 = arith.constant 0 : i32
        %cond3A_96 = arith.cmpi ne, %convert_element_type3A_94, %cond3A_95 : i32
        scf.if %cond3A_96 {
          %dma_wait3A_104 = arith.constant 0 : i32
          %dma_wait3A_105 = arith.constant 0 : i32
          %dma_wait3A_106 = tpu.memref_slice %arg19[%dma_wait3A_104, %dma_wait3A_105] : memref<10240x128xf32, #tpu.memory_space<vmem_shared>> -> memref<10240x128xf32, #tpu.memory_space<vmem_shared>>
          tpu.wait_indirect_dma semaphore(%arg34 : memref<!tpu.dma_semaphore, #tpu.memory_space<semaphore_mem>>) src(%arg17 : memref<80x128xf32, #tpu.memory_space<vmem>>) dst(%dma_wait3A_106 : memref<10240x128xf32, #tpu.memory_space<vmem_shared>>)
        } else {
        }
        %add3A_97 = arith.constant 2 : i32
        %add3A_98 = arith.addi %add3A_45, %add3A_97 : i32
        %lt3A_99 = arith.constant 125 : i32
        %lt3A_100 = arith.cmpi slt, %add3A_98, %lt3A_99 : i32
        %convert_element_type3A_101 = arith.extui %lt3A_100 : i1 to i32
        %cond3A_102 = arith.constant 0 : i32
        %cond3A_103 = arith.cmpi ne, %convert_element_type3A_101, %cond3A_102 : i32
        scf.if %cond3A_103 {
          %add3A_104 = arith.constant 2 : i32
          %add3A_105 = arith.addi %add3A_45, %add3A_104 : i32
          %mul3A_106 = arith.constant 80 : i32
          %mul3A_107 = arith.muli %add3A_105, %mul3A_106 : i32
          %add3A_108 = arith.addi %mul3A_4, %mul3A_107 : i32
          %dma_wait3A_109 = tpu.memref_slice %arg3[%add3A_108] : memref<320000xi32, #tpu.memory_space<hbm>> -> memref<80xi32, #tpu.memory_space<hbm>>
          %dma_wait3A_110 = tpu.memref_slice %arg3[%add3A_108] : memref<320000xi32, #tpu.memory_space<hbm>> -> memref<80xi32, #tpu.memory_space<hbm>>
          tpu.wait_dma2 semaphore(%arg22 : memref<!tpu.dma_semaphore, #tpu.memory_space<semaphore_mem>>) src(%dma_wait3A_110 : memref<80xi32, #tpu.memory_space<hbm>>) dst(%arg9 : memref<80xi32, #tpu.memory_space<vmem>>)
          %dma_start3A_111 = arith.constant 0 : i32
          %dma_start3A_112 = arith.constant 0 : i32
          %dma_start3A_113 = tpu.memref_slice %arg2[%dma_start3A_111, %dma_start3A_112] : memref<10240x128xf32, #tpu.memory_space<hbm>> -> memref<10240x128xf32, #tpu.memory_space<hbm>>
          tpu.enqueue_indirect_dma source(%dma_start3A_113 : memref<10240x128xf32, #tpu.memory_space<hbm>>) target(%arg17 : memref<80x128xf32, #tpu.memory_space<vmem>>) offsets(%arg9 : memref<80xi32, #tpu.memory_space<vmem>>) semaphore(%arg30 : memref<!tpu.dma_semaphore, #tpu.memory_space<semaphore_mem>>)
          %add3A_114 = arith.constant 2 : i32
          %add3A_115 = arith.addi %add3A_45, %add3A_114 : i32
          %mul3A_116 = arith.constant 80 : i32
          %mul3A_117 = arith.muli %add3A_115, %mul3A_116 : i32
          %add3A_118 = arith.addi %mul3A_4, %mul3A_117 : i32
          %dma_start3A_119 = tpu.memref_slice %arg4[%add3A_118] : memref<320000xi32, #tpu.memory_space<hbm>> -> memref<80xi32, #tpu.memory_space<hbm>>
          %dma_start3A_120 = tpu.memref_slice %arg4[%add3A_118] : memref<320000xi32, #tpu.memory_space<hbm>> -> memref<80xi32, #tpu.memory_space<hbm>>
          tpu.enqueue_dma source(%dma_start3A_120 : memref<80xi32, #tpu.memory_space<hbm>>) target(%arg13 : memref<80xi32, #tpu.memory_space<vmem>>) target_semaphore(%arg26 : memref<!tpu.dma_semaphore, #tpu.memory_space<semaphore_mem>>)
        } else {
        }
      } else {
      }
      %mul3A_48 = arith.constant 4 : i32
      %mul3A_49 = arith.muli %scan3A_41, %mul3A_48 : i32
      %add3A_50 = arith.constant 1 : i32
      %add3A_51 = arith.addi %mul3A_49, %add3A_50 : i32
      %lt3A_52 = arith.constant 125 : i32
      %lt3A_53 = arith.cmpi slt, %add3A_51, %lt3A_52 : i32
      %convert_element_type3A_54 = arith.extui %lt3A_53 : i1 to i32
      %cond3A_55 = arith.constant 0 : i32
      %cond3A_56 = arith.cmpi ne, %convert_element_type3A_54, %cond3A_55 : i32
      scf.if %cond3A_56 {
        %dma_wait3A_75 = arith.constant 0 : i32
        %dma_wait3A_76 = arith.constant 0 : i32
        %dma_wait3A_77 = tpu.memref_slice %arg2[%dma_wait3A_75, %dma_wait3A_76] : memref<10240x128xf32, #tpu.memory_space<hbm>> -> memref<10240x128xf32, #tpu.memory_space<hbm>>
        tpu.wait_indirect_dma semaphore(%arg29 : memref<!tpu.dma_semaphore, #tpu.memory_space<semaphore_mem>>) src(%dma_wait3A_77 : memref<10240x128xf32, #tpu.memory_space<hbm>>) dst(%arg16 : memref<80x128xf32, #tpu.memory_space<vmem>>)
        %add3A_78 = arith.constant 4 : i32
        %add3A_79 = arith.addi %add3A_51, %add3A_78 : i32
        %lt3A_80 = arith.constant 125 : i32
        %lt3A_81 = arith.cmpi slt, %add3A_79, %lt3A_80 : i32
        %convert_element_type3A_82 = arith.extui %lt3A_81 : i1 to i32
        %cond3A_83 = arith.constant 0 : i32
        %cond3A_84 = arith.cmpi ne, %convert_element_type3A_82, %cond3A_83 : i32
        scf.if %cond3A_84 {
          %add3A_104 = arith.constant 4 : i32
          %add3A_105 = arith.addi %add3A_51, %add3A_104 : i32
          %mul3A_106 = arith.constant 80 : i32
          %mul3A_107 = arith.muli %add3A_105, %mul3A_106 : i32
          %add3A_108 = arith.addi %mul3A_4, %mul3A_107 : i32
          %dma_start3A_109 = tpu.memref_slice %arg3[%add3A_108] : memref<320000xi32, #tpu.memory_space<hbm>> -> memref<80xi32, #tpu.memory_space<hbm>>
          %dma_start3A_110 = tpu.memref_slice %arg3[%add3A_108] : memref<320000xi32, #tpu.memory_space<hbm>> -> memref<80xi32, #tpu.memory_space<hbm>>
          tpu.enqueue_dma source(%dma_start3A_110 : memref<80xi32, #tpu.memory_space<hbm>>) target(%arg8 : memref<80xi32, #tpu.memory_space<vmem>>) target_semaphore(%arg21 : memref<!tpu.dma_semaphore, #tpu.memory_space<semaphore_mem>>)
        } else {
        }
        %mul3A_85 = arith.constant 80 : i32
        %mul3A_86 = arith.muli %add3A_51, %mul3A_85 : i32
        %add3A_87 = arith.addi %mul3A_4, %mul3A_86 : i32
        %dma_wait3A_88 = tpu.memref_slice %arg4[%add3A_87] : memref<320000xi32, #tpu.memory_space<hbm>> -> memref<80xi32, #tpu.memory_space<hbm>>
        %dma_wait3A_89 = tpu.memref_slice %arg4[%add3A_87] : memref<320000xi32, #tpu.memory_space<hbm>> -> memref<80xi32, #tpu.memory_space<hbm>>
        tpu.wait_dma2 semaphore(%arg25 : memref<!tpu.dma_semaphore, #tpu.memory_space<semaphore_mem>>) src(%dma_wait3A_89 : memref<80xi32, #tpu.memory_space<hbm>>) dst(%arg12 : memref<80xi32, #tpu.memory_space<vmem>>)
        %dma_start3A_90 = arith.constant 0 : i32
        %dma_start3A_91 = arith.constant 0 : i32
        %dma_start3A_92 = tpu.memref_slice %arg19[%dma_start3A_90, %dma_start3A_91] : memref<10240x128xf32, #tpu.memory_space<vmem_shared>> -> memref<10240x128xf32, #tpu.memory_space<vmem_shared>>
        tpu.enqueue_indirect_dma source(%arg16 : memref<80x128xf32, #tpu.memory_space<vmem>>) target(%dma_start3A_92 : memref<10240x128xf32, #tpu.memory_space<vmem_shared>>) offsets(%arg12 : memref<80xi32, #tpu.memory_space<vmem>>) semaphore(%arg33 : memref<!tpu.dma_semaphore, #tpu.memory_space<semaphore_mem>>) {add = true}
        %ge3A = arith.constant 2 : i32
        %ge3A_93 = arith.cmpi sge, %add3A_51, %ge3A : i32
        %convert_element_type3A_94 = arith.extui %ge3A_93 : i1 to i32
        %cond3A_95 = arith.constant 0 : i32
        %cond3A_96 = arith.cmpi ne, %convert_element_type3A_94, %cond3A_95 : i32
        scf.if %cond3A_96 {
          %dma_wait3A_104 = arith.constant 0 : i32
          %dma_wait3A_105 = arith.constant 0 : i32
          %dma_wait3A_106 = tpu.memref_slice %arg19[%dma_wait3A_104, %dma_wait3A_105] : memref<10240x128xf32, #tpu.memory_space<vmem_shared>> -> memref<10240x128xf32, #tpu.memory_space<vmem_shared>>
          tpu.wait_indirect_dma semaphore(%arg35 : memref<!tpu.dma_semaphore, #tpu.memory_space<semaphore_mem>>) src(%arg18 : memref<80x128xf32, #tpu.memory_space<vmem>>) dst(%dma_wait3A_106 : memref<10240x128xf32, #tpu.memory_space<vmem_shared>>)
        } else {
        }
        %add3A_97 = arith.constant 2 : i32
        %add3A_98 = arith.addi %add3A_51, %add3A_97 : i32
        %lt3A_99 = arith.constant 125 : i32
        %lt3A_100 = arith.cmpi slt, %add3A_98, %lt3A_99 : i32
        %convert_element_type3A_101 = arith.extui %lt3A_100 : i1 to i32
        %cond3A_102 = arith.constant 0 : i32
        %cond3A_103 = arith.cmpi ne, %convert_element_type3A_101, %cond3A_102 : i32
        scf.if %cond3A_103 {
          %add3A_104 = arith.constant 2 : i32
          %add3A_105 = arith.addi %add3A_51, %add3A_104 : i32
          %mul3A_106 = arith.constant 80 : i32
          %mul3A_107 = arith.muli %add3A_105, %mul3A_106 : i32
          %add3A_108 = arith.addi %mul3A_4, %mul3A_107 : i32
          %dma_wait3A_109 = tpu.memref_slice %arg3[%add3A_108] : memref<320000xi32, #tpu.memory_space<hbm>> -> memref<80xi32, #tpu.memory_space<hbm>>
          %dma_wait3A_110 = tpu.memref_slice %arg3[%add3A_108] : memref<320000xi32, #tpu.memory_space<hbm>> -> memref<80xi32, #tpu.memory_space<hbm>>
          tpu.wait_dma2 semaphore(%arg23 : memref<!tpu.dma_semaphore, #tpu.memory_space<semaphore_mem>>) src(%dma_wait3A_110 : memref<80xi32, #tpu.memory_space<hbm>>) dst(%arg10 : memref<80xi32, #tpu.memory_space<vmem>>)
          %dma_start3A_111 = arith.constant 0 : i32
          %dma_start3A_112 = arith.constant 0 : i32
          %dma_start3A_113 = tpu.memref_slice %arg2[%dma_start3A_111, %dma_start3A_112] : memref<10240x128xf32, #tpu.memory_space<hbm>> -> memref<10240x128xf32, #tpu.memory_space<hbm>>
          tpu.enqueue_indirect_dma source(%dma_start3A_113 : memref<10240x128xf32, #tpu.memory_space<hbm>>) target(%arg18 : memref<80x128xf32, #tpu.memory_space<vmem>>) offsets(%arg10 : memref<80xi32, #tpu.memory_space<vmem>>) semaphore(%arg31 : memref<!tpu.dma_semaphore, #tpu.memory_space<semaphore_mem>>)
          %add3A_114 = arith.constant 2 : i32
          %add3A_115 = arith.addi %add3A_51, %add3A_114 : i32
          %mul3A_116 = arith.constant 80 : i32
          %mul3A_117 = arith.muli %add3A_115, %mul3A_116 : i32
          %add3A_118 = arith.addi %mul3A_4, %mul3A_117 : i32
          %dma_start3A_119 = tpu.memref_slice %arg4[%add3A_118] : memref<320000xi32, #tpu.memory_space<hbm>> -> memref<80xi32, #tpu.memory_space<hbm>>
          %dma_start3A_120 = tpu.memref_slice %arg4[%add3A_118] : memref<320000xi32, #tpu.memory_space<hbm>> -> memref<80xi32, #tpu.memory_space<hbm>>
          tpu.enqueue_dma source(%dma_start3A_120 : memref<80xi32, #tpu.memory_space<hbm>>) target(%arg14 : memref<80xi32, #tpu.memory_space<vmem>>) target_semaphore(%arg27 : memref<!tpu.dma_semaphore, #tpu.memory_space<semaphore_mem>>)
        } else {
        }
      } else {
      }
      %mul3A_57 = arith.constant 4 : i32
      %mul3A_58 = arith.muli %scan3A_41, %mul3A_57 : i32
      %add3A_59 = arith.constant 2 : i32
      %add3A_60 = arith.addi %mul3A_58, %add3A_59 : i32
      %lt3A_61 = arith.constant 125 : i32
      %lt3A_62 = arith.cmpi slt, %add3A_60, %lt3A_61 : i32
      %convert_element_type3A_63 = arith.extui %lt3A_62 : i1 to i32
      %cond3A_64 = arith.constant 0 : i32
      %cond3A_65 = arith.cmpi ne, %convert_element_type3A_63, %cond3A_64 : i32
      scf.if %cond3A_65 {
        %dma_wait3A_75 = arith.constant 0 : i32
        %dma_wait3A_76 = arith.constant 0 : i32
        %dma_wait3A_77 = tpu.memref_slice %arg2[%dma_wait3A_75, %dma_wait3A_76] : memref<10240x128xf32, #tpu.memory_space<hbm>> -> memref<10240x128xf32, #tpu.memory_space<hbm>>
        tpu.wait_indirect_dma semaphore(%arg30 : memref<!tpu.dma_semaphore, #tpu.memory_space<semaphore_mem>>) src(%dma_wait3A_77 : memref<10240x128xf32, #tpu.memory_space<hbm>>) dst(%arg17 : memref<80x128xf32, #tpu.memory_space<vmem>>)
        %add3A_78 = arith.constant 4 : i32
        %add3A_79 = arith.addi %add3A_60, %add3A_78 : i32
        %lt3A_80 = arith.constant 125 : i32
        %lt3A_81 = arith.cmpi slt, %add3A_79, %lt3A_80 : i32
        %convert_element_type3A_82 = arith.extui %lt3A_81 : i1 to i32
        %cond3A_83 = arith.constant 0 : i32
        %cond3A_84 = arith.cmpi ne, %convert_element_type3A_82, %cond3A_83 : i32
        scf.if %cond3A_84 {
          %add3A_104 = arith.constant 4 : i32
          %add3A_105 = arith.addi %add3A_60, %add3A_104 : i32
          %mul3A_106 = arith.constant 80 : i32
          %mul3A_107 = arith.muli %add3A_105, %mul3A_106 : i32
          %add3A_108 = arith.addi %mul3A_4, %mul3A_107 : i32
          %dma_start3A_109 = tpu.memref_slice %arg3[%add3A_108] : memref<320000xi32, #tpu.memory_space<hbm>> -> memref<80xi32, #tpu.memory_space<hbm>>
          %dma_start3A_110 = tpu.memref_slice %arg3[%add3A_108] : memref<320000xi32, #tpu.memory_space<hbm>> -> memref<80xi32, #tpu.memory_space<hbm>>
          tpu.enqueue_dma source(%dma_start3A_110 : memref<80xi32, #tpu.memory_space<hbm>>) target(%arg9 : memref<80xi32, #tpu.memory_space<vmem>>) target_semaphore(%arg22 : memref<!tpu.dma_semaphore, #tpu.memory_space<semaphore_mem>>)
        } else {
        }
        %mul3A_85 = arith.constant 80 : i32
        %mul3A_86 = arith.muli %add3A_60, %mul3A_85 : i32
        %add3A_87 = arith.addi %mul3A_4, %mul3A_86 : i32
        %dma_wait3A_88 = tpu.memref_slice %arg4[%add3A_87] : memref<320000xi32, #tpu.memory_space<hbm>> -> memref<80xi32, #tpu.memory_space<hbm>>
        %dma_wait3A_89 = tpu.memref_slice %arg4[%add3A_87] : memref<320000xi32, #tpu.memory_space<hbm>> -> memref<80xi32, #tpu.memory_space<hbm>>
        tpu.wait_dma2 semaphore(%arg26 : memref<!tpu.dma_semaphore, #tpu.memory_space<semaphore_mem>>) src(%dma_wait3A_89 : memref<80xi32, #tpu.memory_space<hbm>>) dst(%arg13 : memref<80xi32, #tpu.memory_space<vmem>>)
        %dma_start3A_90 = arith.constant 0 : i32
        %dma_start3A_91 = arith.constant 0 : i32
        %dma_start3A_92 = tpu.memref_slice %arg19[%dma_start3A_90, %dma_start3A_91] : memref<10240x128xf32, #tpu.memory_space<vmem_shared>> -> memref<10240x128xf32, #tpu.memory_space<vmem_shared>>
        tpu.enqueue_indirect_dma source(%arg17 : memref<80x128xf32, #tpu.memory_space<vmem>>) target(%dma_start3A_92 : memref<10240x128xf32, #tpu.memory_space<vmem_shared>>) offsets(%arg13 : memref<80xi32, #tpu.memory_space<vmem>>) semaphore(%arg34 : memref<!tpu.dma_semaphore, #tpu.memory_space<semaphore_mem>>) {add = true}
        %ge3A = arith.constant 2 : i32
        %ge3A_93 = arith.cmpi sge, %add3A_60, %ge3A : i32
        %convert_element_type3A_94 = arith.extui %ge3A_93 : i1 to i32
        %cond3A_95 = arith.constant 0 : i32
        %cond3A_96 = arith.cmpi ne, %convert_element_type3A_94, %cond3A_95 : i32
        scf.if %cond3A_96 {
          %dma_wait3A_104 = arith.constant 0 : i32
          %dma_wait3A_105 = arith.constant 0 : i32
          %dma_wait3A_106 = tpu.memref_slice %arg19[%dma_wait3A_104, %dma_wait3A_105] : memref<10240x128xf32, #tpu.memory_space<vmem_shared>> -> memref<10240x128xf32, #tpu.memory_space<vmem_shared>>
          tpu.wait_indirect_dma semaphore(%arg32 : memref<!tpu.dma_semaphore, #tpu.memory_space<semaphore_mem>>) src(%arg15 : memref<80x128xf32, #tpu.memory_space<vmem>>) dst(%dma_wait3A_106 : memref<10240x128xf32, #tpu.memory_space<vmem_shared>>)
        } else {
        }
        %add3A_97 = arith.constant 2 : i32
        %add3A_98 = arith.addi %add3A_60, %add3A_97 : i32
        %lt3A_99 = arith.constant 125 : i32
        %lt3A_100 = arith.cmpi slt, %add3A_98, %lt3A_99 : i32
        %convert_element_type3A_101 = arith.extui %lt3A_100 : i1 to i32
        %cond3A_102 = arith.constant 0 : i32
        %cond3A_103 = arith.cmpi ne, %convert_element_type3A_101, %cond3A_102 : i32
        scf.if %cond3A_103 {
          %add3A_104 = arith.constant 2 : i32
          %add3A_105 = arith.addi %add3A_60, %add3A_104 : i32
          %mul3A_106 = arith.constant 80 : i32
          %mul3A_107 = arith.muli %add3A_105, %mul3A_106 : i32
          %add3A_108 = arith.addi %mul3A_4, %mul3A_107 : i32
          %dma_wait3A_109 = tpu.memref_slice %arg3[%add3A_108] : memref<320000xi32, #tpu.memory_space<hbm>> -> memref<80xi32, #tpu.memory_space<hbm>>
          %dma_wait3A_110 = tpu.memref_slice %arg3[%add3A_108] : memref<320000xi32, #tpu.memory_space<hbm>> -> memref<80xi32, #tpu.memory_space<hbm>>
          tpu.wait_dma2 semaphore(%arg20 : memref<!tpu.dma_semaphore, #tpu.memory_space<semaphore_mem>>) src(%dma_wait3A_110 : memref<80xi32, #tpu.memory_space<hbm>>) dst(%arg7 : memref<80xi32, #tpu.memory_space<vmem>>)
          %dma_start3A_111 = arith.constant 0 : i32
          %dma_start3A_112 = arith.constant 0 : i32
          %dma_start3A_113 = tpu.memref_slice %arg2[%dma_start3A_111, %dma_start3A_112] : memref<10240x128xf32, #tpu.memory_space<hbm>> -> memref<10240x128xf32, #tpu.memory_space<hbm>>
          tpu.enqueue_indirect_dma source(%dma_start3A_113 : memref<10240x128xf32, #tpu.memory_space<hbm>>) target(%arg15 : memref<80x128xf32, #tpu.memory_space<vmem>>) offsets(%arg7 : memref<80xi32, #tpu.memory_space<vmem>>) semaphore(%arg28 : memref<!tpu.dma_semaphore, #tpu.memory_space<semaphore_mem>>)
          %add3A_114 = arith.constant 2 : i32
          %add3A_115 = arith.addi %add3A_60, %add3A_114 : i32
          %mul3A_116 = arith.constant 80 : i32
          %mul3A_117 = arith.muli %add3A_115, %mul3A_116 : i32
          %add3A_118 = arith.addi %mul3A_4, %mul3A_117 : i32
          %dma_start3A_119 = tpu.memref_slice %arg4[%add3A_118] : memref<320000xi32, #tpu.memory_space<hbm>> -> memref<80xi32, #tpu.memory_space<hbm>>
          %dma_start3A_120 = tpu.memref_slice %arg4[%add3A_118] : memref<320000xi32, #tpu.memory_space<hbm>> -> memref<80xi32, #tpu.memory_space<hbm>>
          tpu.enqueue_dma source(%dma_start3A_120 : memref<80xi32, #tpu.memory_space<hbm>>) target(%arg11 : memref<80xi32, #tpu.memory_space<vmem>>) target_semaphore(%arg24 : memref<!tpu.dma_semaphore, #tpu.memory_space<semaphore_mem>>)
        } else {
        }
      } else {
      }
      %mul3A_66 = arith.constant 4 : i32
      %mul3A_67 = arith.muli %scan3A_41, %mul3A_66 : i32
      %add3A_68 = arith.constant 3 : i32
      %add3A_69 = arith.addi %mul3A_67, %add3A_68 : i32
      %lt3A_70 = arith.constant 125 : i32
      %lt3A_71 = arith.cmpi slt, %add3A_69, %lt3A_70 : i32
      %convert_element_type3A_72 = arith.extui %lt3A_71 : i1 to i32
      %cond3A_73 = arith.constant 0 : i32
      %cond3A_74 = arith.cmpi ne, %convert_element_type3A_72, %cond3A_73 : i32
      scf.if %cond3A_74 {
        %dma_wait3A_75 = arith.constant 0 : i32
        %dma_wait3A_76 = arith.constant 0 : i32
        %dma_wait3A_77 = tpu.memref_slice %arg2[%dma_wait3A_75, %dma_wait3A_76] : memref<10240x128xf32, #tpu.memory_space<hbm>> -> memref<10240x128xf32, #tpu.memory_space<hbm>>
        tpu.wait_indirect_dma semaphore(%arg31 : memref<!tpu.dma_semaphore, #tpu.memory_space<semaphore_mem>>) src(%dma_wait3A_77 : memref<10240x128xf32, #tpu.memory_space<hbm>>) dst(%arg18 : memref<80x128xf32, #tpu.memory_space<vmem>>)
        %add3A_78 = arith.constant 4 : i32
        %add3A_79 = arith.addi %add3A_69, %add3A_78 : i32
        %lt3A_80 = arith.constant 125 : i32
        %lt3A_81 = arith.cmpi slt, %add3A_79, %lt3A_80 : i32
        %convert_element_type3A_82 = arith.extui %lt3A_81 : i1 to i32
        %cond3A_83 = arith.constant 0 : i32
        %cond3A_84 = arith.cmpi ne, %convert_element_type3A_82, %cond3A_83 : i32
        scf.if %cond3A_84 {
          %add3A_104 = arith.constant 4 : i32
          %add3A_105 = arith.addi %add3A_69, %add3A_104 : i32
          %mul3A_106 = arith.constant 80 : i32
          %mul3A_107 = arith.muli %add3A_105, %mul3A_106 : i32
          %add3A_108 = arith.addi %mul3A_4, %mul3A_107 : i32
          %dma_start3A_109 = tpu.memref_slice %arg3[%add3A_108] : memref<320000xi32, #tpu.memory_space<hbm>> -> memref<80xi32, #tpu.memory_space<hbm>>
          %dma_start3A_110 = tpu.memref_slice %arg3[%add3A_108] : memref<320000xi32, #tpu.memory_space<hbm>> -> memref<80xi32, #tpu.memory_space<hbm>>
          tpu.enqueue_dma source(%dma_start3A_110 : memref<80xi32, #tpu.memory_space<hbm>>) target(%arg10 : memref<80xi32, #tpu.memory_space<vmem>>) target_semaphore(%arg23 : memref<!tpu.dma_semaphore, #tpu.memory_space<semaphore_mem>>)
        } else {
        }
        %mul3A_85 = arith.constant 80 : i32
        %mul3A_86 = arith.muli %add3A_69, %mul3A_85 : i32
        %add3A_87 = arith.addi %mul3A_4, %mul3A_86 : i32
        %dma_wait3A_88 = tpu.memref_slice %arg4[%add3A_87] : memref<320000xi32, #tpu.memory_space<hbm>> -> memref<80xi32, #tpu.memory_space<hbm>>
        %dma_wait3A_89 = tpu.memref_slice %arg4[%add3A_87] : memref<320000xi32, #tpu.memory_space<hbm>> -> memref<80xi32, #tpu.memory_space<hbm>>
        tpu.wait_dma2 semaphore(%arg27 : memref<!tpu.dma_semaphore, #tpu.memory_space<semaphore_mem>>) src(%dma_wait3A_89 : memref<80xi32, #tpu.memory_space<hbm>>) dst(%arg14 : memref<80xi32, #tpu.memory_space<vmem>>)
        %dma_start3A_90 = arith.constant 0 : i32
        %dma_start3A_91 = arith.constant 0 : i32
        %dma_start3A_92 = tpu.memref_slice %arg19[%dma_start3A_90, %dma_start3A_91] : memref<10240x128xf32, #tpu.memory_space<vmem_shared>> -> memref<10240x128xf32, #tpu.memory_space<vmem_shared>>
        tpu.enqueue_indirect_dma source(%arg18 : memref<80x128xf32, #tpu.memory_space<vmem>>) target(%dma_start3A_92 : memref<10240x128xf32, #tpu.memory_space<vmem_shared>>) offsets(%arg14 : memref<80xi32, #tpu.memory_space<vmem>>) semaphore(%arg35 : memref<!tpu.dma_semaphore, #tpu.memory_space<semaphore_mem>>) {add = true}
        %ge3A = arith.constant 2 : i32
        %ge3A_93 = arith.cmpi sge, %add3A_69, %ge3A : i32
        %convert_element_type3A_94 = arith.extui %ge3A_93 : i1 to i32
        %cond3A_95 = arith.constant 0 : i32
        %cond3A_96 = arith.cmpi ne, %convert_element_type3A_94, %cond3A_95 : i32
        scf.if %cond3A_96 {
          %dma_wait3A_104 = arith.constant 0 : i32
          %dma_wait3A_105 = arith.constant 0 : i32
          %dma_wait3A_106 = tpu.memref_slice %arg19[%dma_wait3A_104, %dma_wait3A_105] : memref<10240x128xf32, #tpu.memory_space<vmem_shared>> -> memref<10240x128xf32, #tpu.memory_space<vmem_shared>>
          tpu.wait_indirect_dma semaphore(%arg33 : memref<!tpu.dma_semaphore, #tpu.memory_space<semaphore_mem>>) src(%arg16 : memref<80x128xf32, #tpu.memory_space<vmem>>) dst(%dma_wait3A_106 : memref<10240x128xf32, #tpu.memory_space<vmem_shared>>)
        } else {
        }
        %add3A_97 = arith.constant 2 : i32
        %add3A_98 = arith.addi %add3A_69, %add3A_97 : i32
        %lt3A_99 = arith.constant 125 : i32
        %lt3A_100 = arith.cmpi slt, %add3A_98, %lt3A_99 : i32
        %convert_element_type3A_101 = arith.extui %lt3A_100 : i1 to i32
        %cond3A_102 = arith.constant 0 : i32
        %cond3A_103 = arith.cmpi ne, %convert_element_type3A_101, %cond3A_102 : i32
        scf.if %cond3A_103 {
          %add3A_104 = arith.constant 2 : i32
          %add3A_105 = arith.addi %add3A_69, %add3A_104 : i32
          %mul3A_106 = arith.constant 80 : i32
          %mul3A_107 = arith.muli %add3A_105, %mul3A_106 : i32
          %add3A_108 = arith.addi %mul3A_4, %mul3A_107 : i32
          %dma_wait3A_109 = tpu.memref_slice %arg3[%add3A_108] : memref<320000xi32, #tpu.memory_space<hbm>> -> memref<80xi32, #tpu.memory_space<hbm>>
          %dma_wait3A_110 = tpu.memref_slice %arg3[%add3A_108] : memref<320000xi32, #tpu.memory_space<hbm>> -> memref<80xi32, #tpu.memory_space<hbm>>
          tpu.wait_dma2 semaphore(%arg21 : memref<!tpu.dma_semaphore, #tpu.memory_space<semaphore_mem>>) src(%dma_wait3A_110 : memref<80xi32, #tpu.memory_space<hbm>>) dst(%arg8 : memref<80xi32, #tpu.memory_space<vmem>>)
          %dma_start3A_111 = arith.constant 0 : i32
          %dma_start3A_112 = arith.constant 0 : i32
          %dma_start3A_113 = tpu.memref_slice %arg2[%dma_start3A_111, %dma_start3A_112] : memref<10240x128xf32, #tpu.memory_space<hbm>> -> memref<10240x128xf32, #tpu.memory_space<hbm>>
          tpu.enqueue_indirect_dma source(%dma_start3A_113 : memref<10240x128xf32, #tpu.memory_space<hbm>>) target(%arg16 : memref<80x128xf32, #tpu.memory_space<vmem>>) offsets(%arg8 : memref<80xi32, #tpu.memory_space<vmem>>) semaphore(%arg29 : memref<!tpu.dma_semaphore, #tpu.memory_space<semaphore_mem>>)
          %add3A_114 = arith.constant 2 : i32
          %add3A_115 = arith.addi %add3A_69, %add3A_114 : i32
          %mul3A_116 = arith.constant 80 : i32
          %mul3A_117 = arith.muli %add3A_115, %mul3A_116 : i32
          %add3A_118 = arith.addi %mul3A_4, %mul3A_117 : i32
          %dma_start3A_119 = tpu.memref_slice %arg4[%add3A_118] : memref<320000xi32, #tpu.memory_space<hbm>> -> memref<80xi32, #tpu.memory_space<hbm>>
          %dma_start3A_120 = tpu.memref_slice %arg4[%add3A_118] : memref<320000xi32, #tpu.memory_space<hbm>> -> memref<80xi32, #tpu.memory_space<hbm>>
          tpu.enqueue_dma source(%dma_start3A_120 : memref<80xi32, #tpu.memory_space<hbm>>) target(%arg12 : memref<80xi32, #tpu.memory_space<vmem>>) target_semaphore(%arg25 : memref<!tpu.dma_semaphore, #tpu.memory_space<semaphore_mem>>)
        } else {
        }
      } else {
      }
    }
    %scan3A_34 = arith.constant 32 : i32
    %dma_wait3A = arith.constant 0 : i32
    %dma_wait3A_35 = arith.constant 0 : i32
    %dma_wait3A_36 = tpu.memref_slice %arg19[%dma_wait3A, %dma_wait3A_35] : memref<10240x128xf32, #tpu.memory_space<vmem_shared>> -> memref<10240x128xf32, #tpu.memory_space<vmem_shared>>
    tpu.wait_indirect_dma semaphore(%arg35 : memref<!tpu.dma_semaphore, #tpu.memory_space<semaphore_mem>>) src(%arg18 : memref<80x128xf32, #tpu.memory_space<vmem>>) dst(%dma_wait3A_36 : memref<10240x128xf32, #tpu.memory_space<vmem_shared>>)
    %dma_wait3A_37 = arith.constant 0 : i32
    %dma_wait3A_38 = arith.constant 0 : i32
    %dma_wait3A_39 = tpu.memref_slice %arg19[%dma_wait3A_37, %dma_wait3A_38] : memref<10240x128xf32, #tpu.memory_space<vmem_shared>> -> memref<10240x128xf32, #tpu.memory_space<vmem_shared>>
    tpu.wait_indirect_dma semaphore(%arg32 : memref<!tpu.dma_semaphore, #tpu.memory_space<semaphore_mem>>) src(%arg15 : memref<80x128xf32, #tpu.memory_space<vmem>>) dst(%dma_wait3A_39 : memref<10240x128xf32, #tpu.memory_space<vmem_shared>>)
    %barrier3A_40 = arith.constant 0 : index
    tpu.barrier barrier_id(%barrier3A_40)
    "tpu.region"() ({
      %run_scoped3A = tpu.sem_alloc : memref<!tpu.dma_semaphore, #tpu.memory_space<semaphore_mem>>
      %dma_start3A_41 = arith.constant 0 : i32
      %dma_start3A_42 = tpu.memref_slice %arg6[%arg0, %mul3A_0, %dma_start3A_41] : memref<2x10240x128xf32, #tpu.memory_space<hbm>> -> memref<1x640x128xf32, #tpu.memory_space<hbm>>
      %dma_start3A_43 = tpu.memref_squeeze %dma_start3A_42 : memref<1x640x128xf32, #tpu.memory_space<hbm>> -> memref<640x128xf32, #tpu.memory_space<hbm>>
      %dma_start3A_44 = arith.constant 0 : i32
      %dma_start3A_45 = tpu.memref_slice %arg19[%mul3A_0, %dma_start3A_44] : memref<10240x128xf32, #tpu.memory_space<vmem_shared>> -> memref<640x128xf32, #tpu.memory_space<vmem_shared>>
      tpu.enqueue_dma source(%dma_start3A_45 : memref<640x128xf32, #tpu.memory_space<vmem_shared>>) target(%dma_start3A_43 : memref<640x128xf32, #tpu.memory_space<hbm>>) target_semaphore(%run_scoped3A : memref<!tpu.dma_semaphore, #tpu.memory_space<semaphore_mem>>)
      %dma_wait3A_46 = arith.constant 0 : i32
      %dma_wait3A_47 = tpu.memref_slice %arg6[%arg0, %mul3A_0, %dma_wait3A_46] : memref<2x10240x128xf32, #tpu.memory_space<hbm>> -> memref<1x640x128xf32, #tpu.memory_space<hbm>>
      %dma_wait3A_48 = tpu.memref_squeeze %dma_wait3A_47 : memref<1x640x128xf32, #tpu.memory_space<hbm>> -> memref<640x128xf32, #tpu.memory_space<hbm>>
      %dma_wait3A_49 = arith.constant 0 : i32
      %dma_wait3A_50 = tpu.memref_slice %arg19[%mul3A_0, %dma_wait3A_49] : memref<10240x128xf32, #tpu.memory_space<vmem_shared>> -> memref<640x128xf32, #tpu.memory_space<vmem_shared>>
      tpu.wait_dma2 semaphore(%run_scoped3A : memref<!tpu.dma_semaphore, #tpu.memory_space<semaphore_mem>>) src(%dma_wait3A_50 : memref<640x128xf32, #tpu.memory_space<vmem_shared>>) dst(%dma_wait3A_48 : memref<640x128xf32, #tpu.memory_space<hbm>>)
      tpu.yield
    }) : () -> ()
    return
  }
}

#map = affine_map<(d0, d1) -> (0, 0)>
#map1 = affine_map<(d0, d1) -> (0)>
#map2 = affine_map<(d0, d1) -> (0, 0, 0)>
module attributes {stable_mosaic.version = 14 : i64} {
  func.func @_sc_scatter(%arg0: i32, %arg1: i32, %arg2: memref<10240x128xf32, #tpu.memory_space<hbm>>, %arg3: memref<320000xi32, #tpu.memory_space<hbm>>, %arg4: memref<320000xi32, #tpu.memory_space<hbm>>, %arg5: memref<10240x128xf32, #tpu.memory_space<hbm>>, %arg6: memref<2x10240x128xf32, #tpu.memory_space<hbm>>, %arg7: memref<80xi32, #tpu.memory_space<vmem>>, %arg8: memref<80xi32, #tpu.memory_space<vmem>>, %arg9: memref<80xi32, #tpu.memory_space<vmem>>, %arg10: memref<80xi32, #tpu.memory_space<vmem>>, %arg11: memref<80xi32, #tpu.memory_space<vmem>>, %arg12: memref<80xi32, #tpu.memory_space<vmem>>, %arg13: memref<80xi32, #tpu.memory_space<vmem>>, %arg14: memref<80xi32, #tpu.memory_space<vmem>>, %arg15: memref<80x128xf32, #tpu.memory_space<vmem>>, %arg16: memref<80x128xf32, #tpu.memory_space<vmem>>, %arg17: memref<80x128xf32, #tpu.memory_space<vmem>>, %arg18: memref<80x128xf32, #tpu.memory_space<vmem>>, %arg19: memref<10240x128xf32, #tpu.memory_space<vmem_shared>>, %arg20: memref<!tpu.dma_semaphore, #tpu.memory_space<semaphore_mem>>, %arg21: memref<!tpu.dma_semaphore, #tpu.memory_space<semaphore_mem>>, %arg22: memref<!tpu.dma_semaphore, #tpu.memory_space<semaphore_mem>>, %arg23: memref<!tpu.dma_semaphore, #tpu.memory_space<semaphore_mem>>, %arg24: memref<!tpu.dma_semaphore, #tpu.memory_space<semaphore_mem>>, %arg25: memref<!tpu.dma_semaphore, #tpu.memory_space<semaphore_mem>>, %arg26: memref<!tpu.dma_semaphore, #tpu.memory_space<semaphore_mem>>, %arg27: memref<!tpu.dma_semaphore, #tpu.memory_space<semaphore_mem>>, %arg28: memref<!tpu.dma_semaphore, #tpu.memory_space<semaphore_mem>>, %arg29: memref<!tpu.dma_semaphore, #tpu.memory_space<semaphore_mem>>, %arg30: memref<!tpu.dma_semaphore, #tpu.memory_space<semaphore_mem>>, %arg31: memref<!tpu.dma_semaphore, #tpu.memory_space<semaphore_mem>>, %arg32: memref<!tpu.dma_semaphore, #tpu.memory_space<semaphore_mem>>, %arg33: memref<!tpu.dma_semaphore, #tpu.memory_space<semaphore_mem>>, %arg34: memref<!tpu.dma_semaphore, #tpu.memory_space<semaphore_mem>>, %arg35: memref<!tpu.dma_semaphore, #tpu.memory_space<semaphore_mem>>) attributes {dimension_semantics = [#tpu.dimension_semantics<core_parallel>, #tpu.dimension_semantics<subcore_parallel>], iteration_bounds = array<i64: 2, 16>, scalar_prefetch = 0 : i64, scratch_operands = 29 : i64, tpu.core_type = #tpu.core_type<sc_vector_subcore>, window_params = [{transform_indices = #map}, {transform_indices = #map1}, {transform_indices = #map1}, {transform_indices = #map}, {transform_indices = #map2}]} {
    %mul3A = arith.constant 640 : i32
    %mul3A_0 = arith.muli %arg1, %mul3A : i32
    "tpu.region"() ({
      %run_scoped3A = tpu.sem_alloc : memref<!tpu.dma_semaphore, #tpu.memory_space<semaphore_mem>>
      %dma_start3A_41 = arith.constant 0 : i32
      %dma_start3A_42 = tpu.memref_slice %arg19[%mul3A_0, %dma_start3A_41] : memref<10240x128xf32, #tpu.memory_space<vmem_shared>> -> memref<640x128xf32, #tpu.memory_space<vmem_shared>>
      %dma_start3A_43 = arith.constant 0 : i32
      %dma_start3A_44 = tpu.memref_slice %arg5[%mul3A_0, %dma_start3A_43] : memref<10240x128xf32, #tpu.memory_space<hbm>> -> memref<640x128xf32, #tpu.memory_space<hbm>>
      tpu.enqueue_dma source(%dma_start3A_44 : memref<640x128xf32, #tpu.memory_space<hbm>>) target(%dma_start3A_42 : memref<640x128xf32, #tpu.memory_space<vmem_shared>>) target_semaphore(%run_scoped3A : memref<!tpu.dma_semaphore, #tpu.memory_space<semaphore_mem>>)
      %dma_wait3A_45 = arith.constant 0 : i32
      %dma_wait3A_46 = tpu.memref_slice %arg19[%mul3A_0, %dma_wait3A_45] : memref<10240x128xf32, #tpu.memory_space<vmem_shared>> -> memref<640x128xf32, #tpu.memory_space<vmem_shared>>
      %dma_wait3A_47 = arith.constant 0 : i32
      %dma_wait3A_48 = tpu.memref_slice %arg5[%mul3A_0, %dma_wait3A_47] : memref<10240x128xf32, #tpu.memory_space<hbm>> -> memref<640x128xf32, #tpu.memory_space<hbm>>
      tpu.wait_dma2 semaphore(%run_scoped3A : memref<!tpu.dma_semaphore, #tpu.memory_space<semaphore_mem>>) src(%dma_wait3A_48 : memref<640x128xf32, #tpu.memory_space<hbm>>) dst(%dma_wait3A_46 : memref<640x128xf32, #tpu.memory_space<vmem_shared>>)
      tpu.yield
    }) : () -> ()
    %barrier3A = arith.constant 0 : index
    tpu.barrier barrier_id(%barrier3A)
    %mul3A_1 = arith.constant 2 : i32
    %mul3A_2 = arith.muli %arg1, %mul3A_1 : i32
    %add3A = arith.addi %mul3A_2, %arg0 : i32
    %mul3A_3 = arith.constant 10000 : i32
    %mul3A_4 = arith.muli %add3A, %mul3A_3 : i32
    %add3A_5 = arith.constant 0 : i32
    %add3A_6 = arith.addi %mul3A_4, %add3A_5 : i32
    "tpu.region"() ({
      %run_scoped3A = tpu.sem_alloc : memref<!tpu.dma_semaphore, #tpu.memory_space<semaphore_mem>>
      %dma_start3A_41 = tpu.memref_slice %arg3[%add3A_6] : memref<320000xi32, #tpu.memory_space<hbm>> -> memref<80xi32, #tpu.memory_space<hbm>>
      %dma_start3A_42 = tpu.memref_slice %arg3[%add3A_6] : memref<320000xi32, #tpu.memory_space<hbm>> -> memref<80xi32, #tpu.memory_space<hbm>>
      tpu.enqueue_dma source(%dma_start3A_42 : memref<80xi32, #tpu.memory_space<hbm>>) target(%arg7 : memref<80xi32, #tpu.memory_space<vmem>>) target_semaphore(%run_scoped3A : memref<!tpu.dma_semaphore, #tpu.memory_space<semaphore_mem>>)
      %dma_wait3A_43 = tpu.memref_slice %arg3[%add3A_6] : memref<320000xi32, #tpu.memory_space<hbm>> -> memref<80xi32, #tpu.memory_space<hbm>>
      %dma_wait3A_44 = tpu.memref_slice %arg3[%add3A_6] : memref<320000xi32, #tpu.memory_space<hbm>> -> memref<80xi32, #tpu.memory_space<hbm>>
      tpu.wait_dma2 semaphore(%run_scoped3A : memref<!tpu.dma_semaphore, #tpu.memory_space<semaphore_mem>>) src(%dma_wait3A_44 : memref<80xi32, #tpu.memory_space<hbm>>) dst(%arg7 : memref<80xi32, #tpu.memory_space<vmem>>)
      tpu.yield
    }) : () -> ()
    %dma_start3A = arith.constant 0 : i32
    %dma_start3A_7 = arith.constant 0 : i32
    %dma_start3A_8 = tpu.memref_slice %arg2[%dma_start3A, %dma_start3A_7] : memref<10240x128xf32, #tpu.memory_space<hbm>> -> memref<10240x128xf32, #tpu.memory_space<hbm>>
    tpu.enqueue_indirect_dma source(%dma_start3A_8 : memref<10240x128xf32, #tpu.memory_space<hbm>>) target(%arg15 : memref<80x128xf32, #tpu.memory_space<vmem>>) offsets(%arg7 : memref<80xi32, #tpu.memory_space<vmem>>) semaphore(%arg28 : memref<!tpu.dma_semaphore, #tpu.memory_space<semaphore_mem>>)
    %add3A_9 = arith.constant 0 : i32
    %add3A_10 = arith.addi %mul3A_4, %add3A_9 : i32
    %dma_start3A_11 = tpu.memref_slice %arg4[%add3A_10] : memref<320000xi32, #tpu.memory_space<hbm>> -> memref<80xi32, #tpu.memory_space<hbm>>
    %dma_start3A_12 = tpu.memref_slice %arg4[%add3A_10] : memref<320000xi32, #tpu.memory_space<hbm>> -> memref<80xi32, #tpu.memory_space<hbm>>
    tpu.enqueue_dma source(%dma_start3A_12 : memref<80xi32, #tpu.memory_space<hbm>>) target(%arg11 : memref<80xi32, #tpu.memory_space<vmem>>) target_semaphore(%arg24 : memref<!tpu.dma_semaphore, #tpu.memory_space<semaphore_mem>>)
    %add3A_13 = arith.constant 80 : i32
    %add3A_14 = arith.addi %mul3A_4, %add3A_13 : i32
    "tpu.region"() ({
      %run_scoped3A = tpu.sem_alloc : memref<!tpu.dma_semaphore, #tpu.memory_space<semaphore_mem>>
      %dma_start3A_41 = tpu.memref_slice %arg3[%add3A_14] : memref<320000xi32, #tpu.memory_space<hbm>> -> memref<80xi32, #tpu.memory_space<hbm>>
      %dma_start3A_42 = tpu.memref_slice %arg3[%add3A_14] : memref<320000xi32, #tpu.memory_space<hbm>> -> memref<80xi32, #tpu.memory_space<hbm>>
      tpu.enqueue_dma source(%dma_start3A_42 : memref<80xi32, #tpu.memory_space<hbm>>) target(%arg8 : memref<80xi32, #tpu.memory_space<vmem>>) target_semaphore(%run_scoped3A : memref<!tpu.dma_semaphore, #tpu.memory_space<semaphore_mem>>)
      %dma_wait3A_43 = tpu.memref_slice %arg3[%add3A_14] : memref<320000xi32, #tpu.memory_space<hbm>> -> memref<80xi32, #tpu.memory_space<hbm>>
      %dma_wait3A_44 = tpu.memref_slice %arg3[%add3A_14] : memref<320000xi32, #tpu.memory_space<hbm>> -> memref<80xi32, #tpu.memory_space<hbm>>
      tpu.wait_dma2 semaphore(%run_scoped3A : memref<!tpu.dma_semaphore, #tpu.memory_space<semaphore_mem>>) src(%dma_wait3A_44 : memref<80xi32, #tpu.memory_space<hbm>>) dst(%arg8 : memref<80xi32, #tpu.memory_space<vmem>>)
      tpu.yield
    }) : () -> ()
    %dma_start3A_15 = arith.constant 0 : i32
    %dma_start3A_16 = arith.constant 0 : i32
    %dma_start3A_17 = tpu.memref_slice %arg2[%dma_start3A_15, %dma_start3A_16] : memref<10240x128xf32, #tpu.memory_space<hbm>> -> memref<10240x128xf32, #tpu.memory_space<hbm>>
    tpu.enqueue_indirect_dma source(%dma_start3A_17 : memref<10240x128xf32, #tpu.memory_space<hbm>>) target(%arg16 : memref<80x128xf32, #tpu.memory_space<vmem>>) offsets(%arg8 : memref<80xi32, #tpu.memory_space<vmem>>) semaphore(%arg29 : memref<!tpu.dma_semaphore, #tpu.memory_space<semaphore_mem>>)
    %add3A_18 = arith.constant 80 : i32
    %add3A_19 = arith.addi %mul3A_4, %add3A_18 : i32
    %dma_start3A_20 = tpu.memref_slice %arg4[%add3A_19] : memref<320000xi32, #tpu.memory_space<hbm>> -> memref<80xi32, #tpu.memory_space<hbm>>
    %dma_start3A_21 = tpu.memref_slice %arg4[%add3A_19] : memref<320000xi32, #tpu.memory_space<hbm>> -> memref<80xi32, #tpu.memory_space<hbm>>
    tpu.enqueue_dma source(%dma_start3A_21 : memref<80xi32, #tpu.memory_space<hbm>>) target(%arg12 : memref<80xi32, #tpu.memory_space<vmem>>) target_semaphore(%arg25 : memref<!tpu.dma_semaphore, #tpu.memory_space<semaphore_mem>>)
    %add3A_22 = arith.constant 160 : i32
    %add3A_23 = arith.addi %mul3A_4, %add3A_22 : i32
    %dma_start3A_24 = tpu.memref_slice %arg3[%add3A_23] : memref<320000xi32, #tpu.memory_space<hbm>> -> memref<80xi32, #tpu.memory_space<hbm>>
    %dma_start3A_25 = tpu.memref_slice %arg3[%add3A_23] : memref<320000xi32, #tpu.memory_space<hbm>> -> memref<80xi32, #tpu.memory_space<hbm>>
    tpu.enqueue_dma source(%dma_start3A_25 : memref<80xi32, #tpu.memory_space<hbm>>) target(%arg9 : memref<80xi32, #tpu.memory_space<vmem>>) target_semaphore(%arg22 : memref<!tpu.dma_semaphore, #tpu.memory_space<semaphore_mem>>)
    %add3A_26 = arith.constant 240 : i32
    %add3A_27 = arith.addi %mul3A_4, %add3A_26 : i32
    %dma_start3A_28 = tpu.memref_slice %arg3[%add3A_27] : memref<320000xi32, #tpu.memory_space<hbm>> -> memref<80xi32, #tpu.memory_space<hbm>>
    %dma_start3A_29 = tpu.memref_slice %arg3[%add3A_27] : memref<320000xi32, #tpu.memory_space<hbm>> -> memref<80xi32, #tpu.memory_space<hbm>>
    tpu.enqueue_dma source(%dma_start3A_29 : memref<80xi32, #tpu.memory_space<hbm>>) target(%arg10 : memref<80xi32, #tpu.memory_space<vmem>>) target_semaphore(%arg23 : memref<!tpu.dma_semaphore, #tpu.memory_space<semaphore_mem>>)
    %scan3A = arith.constant 0 : i32
    %scan3A_30 = arith.constant 0 : i32
    %scan3A_31 = arith.constant 32 : i32
    %scan3A_32 = arith.addi %scan3A_30, %scan3A_31 : i32
    %scan3A_33 = arith.constant 1 : i32
    scf.for %scan3A_41 = %scan3A_30 to %scan3A_32 step %scan3A_33  : i32 {
      %mul3A_42 = arith.constant 4 : i32
      %mul3A_43 = arith.muli %scan3A_41, %mul3A_42 : i32
      %add3A_44 = arith.constant 0 : i32
      %add3A_45 = arith.addi %mul3A_43, %add3A_44 : i32
      %lt3A = arith.constant 125 : i32
      %lt3A_46 = arith.cmpi slt, %add3A_45, %lt3A : i32
      %convert_element_type3A = arith.extui %lt3A_46 : i1 to i32
      %cond3A = arith.constant 0 : i32
      %cond3A_47 = arith.cmpi ne, %convert_element_type3A, %cond3A : i32
      scf.if %cond3A_47 {
        %dma_wait3A_75 = arith.constant 0 : i32
        %dma_wait3A_76 = arith.constant 0 : i32
        %dma_wait3A_77 = tpu.memref_slice %arg2[%dma_wait3A_75, %dma_wait3A_76] : memref<10240x128xf32, #tpu.memory_space<hbm>> -> memref<10240x128xf32, #tpu.memory_space<hbm>>
        tpu.wait_indirect_dma semaphore(%arg28 : memref<!tpu.dma_semaphore, #tpu.memory_space<semaphore_mem>>) src(%dma_wait3A_77 : memref<10240x128xf32, #tpu.memory_space<hbm>>) dst(%arg15 : memref<80x128xf32, #tpu.memory_space<vmem>>)
        %add3A_78 = arith.constant 4 : i32
        %add3A_79 = arith.addi %add3A_45, %add3A_78 : i32
        %lt3A_80 = arith.constant 125 : i32
        %lt3A_81 = arith.cmpi slt, %add3A_79, %lt3A_80 : i32
        %convert_element_type3A_82 = arith.extui %lt3A_81 : i1 to i32
        %cond3A_83 = arith.constant 0 : i32
        %cond3A_84 = arith.cmpi ne, %convert_element_type3A_82, %cond3A_83 : i32
        scf.if %cond3A_84 {
          %add3A_104 = arith.constant 4 : i32
          %add3A_105 = arith.addi %add3A_45, %add3A_104 : i32
          %mul3A_106 = arith.constant 80 : i32
          %mul3A_107 = arith.muli %add3A_105, %mul3A_106 : i32
          %add3A_108 = arith.addi %mul3A_4, %mul3A_107 : i32
          %dma_start3A_109 = tpu.memref_slice %arg3[%add3A_108] : memref<320000xi32, #tpu.memory_space<hbm>> -> memref<80xi32, #tpu.memory_space<hbm>>
          %dma_start3A_110 = tpu.memref_slice %arg3[%add3A_108] : memref<320000xi32, #tpu.memory_space<hbm>> -> memref<80xi32, #tpu.memory_space<hbm>>
          tpu.enqueue_dma source(%dma_start3A_110 : memref<80xi32, #tpu.memory_space<hbm>>) target(%arg7 : memref<80xi32, #tpu.memory_space<vmem>>) target_semaphore(%arg20 : memref<!tpu.dma_semaphore, #tpu.memory_space<semaphore_mem>>)
        } else {
        }
        %mul3A_85 = arith.constant 80 : i32
        %mul3A_86 = arith.muli %add3A_45, %mul3A_85 : i32
        %add3A_87 = arith.addi %mul3A_4, %mul3A_86 : i32
        %dma_wait3A_88 = tpu.memref_slice %arg4[%add3A_87] : memref<320000xi32, #tpu.memory_space<hbm>> -> memref<80xi32, #tpu.memory_space<hbm>>
        %dma_wait3A_89 = tpu.memref_slice %arg4[%add3A_87] : memref<320000xi32, #tpu.memory_space<hbm>> -> memref<80xi32, #tpu.memory_space<hbm>>
        tpu.wait_dma2 semaphore(%arg24 : memref<!tpu.dma_semaphore, #tpu.memory_space<semaphore_mem>>) src(%dma_wait3A_89 : memref<80xi32, #tpu.memory_space<hbm>>) dst(%arg11 : memref<80xi32, #tpu.memory_space<vmem>>)
        %dma_start3A_90 = arith.constant 0 : i32
        %dma_start3A_91 = arith.constant 0 : i32
        %dma_start3A_92 = tpu.memref_slice %arg19[%dma_start3A_90, %dma_start3A_91] : memref<10240x128xf32, #tpu.memory_space<vmem_shared>> -> memref<10240x128xf32, #tpu.memory_space<vmem_shared>>
        tpu.enqueue_indirect_dma source(%arg15 : memref<80x128xf32, #tpu.memory_space<vmem>>) target(%dma_start3A_92 : memref<10240x128xf32, #tpu.memory_space<vmem_shared>>) offsets(%arg11 : memref<80xi32, #tpu.memory_space<vmem>>) semaphore(%arg32 : memref<!tpu.dma_semaphore, #tpu.memory_space<semaphore_mem>>) {add = true}
        %ge3A = arith.constant 2 : i32
        %ge3A_93 = arith.cmpi sge, %add3A_45, %ge3A : i32
        %convert_element_type3A_94 = arith.extui %ge3A_93 : i1 to i32
        %cond3A_95 = arith.constant 0 : i32
        %cond3A_96 = arith.cmpi ne, %convert_element_type3A_94, %cond3A_95 : i32
        scf.if %cond3A_96 {
          %dma_wait3A_104 = arith.constant 0 : i32
          %dma_wait3A_105 = arith.constant 0 : i32
          %dma_wait3A_106 = tpu.memref_slice %arg19[%dma_wait3A_104, %dma_wait3A_105] : memref<10240x128xf32, #tpu.memory_space<vmem_shared>> -> memref<10240x128xf32, #tpu.memory_space<vmem_shared>>
          tpu.wait_indirect_dma semaphore(%arg34 : memref<!tpu.dma_semaphore, #tpu.memory_space<semaphore_mem>>) src(%arg17 : memref<80x128xf32, #tpu.memory_space<vmem>>) dst(%dma_wait3A_106 : memref<10240x128xf32, #tpu.memory_space<vmem_shared>>)
        } else {
        }
        %add3A_97 = arith.constant 2 : i32
        %add3A_98 = arith.addi %add3A_45, %add3A_97 : i32
        %lt3A_99 = arith.constant 125 : i32
        %lt3A_100 = arith.cmpi slt, %add3A_98, %lt3A_99 : i32
        %convert_element_type3A_101 = arith.extui %lt3A_100 : i1 to i32
        %cond3A_102 = arith.constant 0 : i32
        %cond3A_103 = arith.cmpi ne, %convert_element_type3A_101, %cond3A_102 : i32
        scf.if %cond3A_103 {
          %add3A_104 = arith.constant 2 : i32
          %add3A_105 = arith.addi %add3A_45, %add3A_104 : i32
          %mul3A_106 = arith.constant 80 : i32
          %mul3A_107 = arith.muli %add3A_105, %mul3A_106 : i32
          %add3A_108 = arith.addi %mul3A_4, %mul3A_107 : i32
          %dma_wait3A_109 = tpu.memref_slice %arg3[%add3A_108] : memref<320000xi32, #tpu.memory_space<hbm>> -> memref<80xi32, #tpu.memory_space<hbm>>
          %dma_wait3A_110 = tpu.memref_slice %arg3[%add3A_108] : memref<320000xi32, #tpu.memory_space<hbm>> -> memref<80xi32, #tpu.memory_space<hbm>>
          tpu.wait_dma2 semaphore(%arg22 : memref<!tpu.dma_semaphore, #tpu.memory_space<semaphore_mem>>) src(%dma_wait3A_110 : memref<80xi32, #tpu.memory_space<hbm>>) dst(%arg9 : memref<80xi32, #tpu.memory_space<vmem>>)
          %dma_start3A_111 = arith.constant 0 : i32
          %dma_start3A_112 = arith.constant 0 : i32
          %dma_start3A_113 = tpu.memref_slice %arg2[%dma_start3A_111, %dma_start3A_112] : memref<10240x128xf32, #tpu.memory_space<hbm>> -> memref<10240x128xf32, #tpu.memory_space<hbm>>
          tpu.enqueue_indirect_dma source(%dma_start3A_113 : memref<10240x128xf32, #tpu.memory_space<hbm>>) target(%arg17 : memref<80x128xf32, #tpu.memory_space<vmem>>) offsets(%arg9 : memref<80xi32, #tpu.memory_space<vmem>>) semaphore(%arg30 : memref<!tpu.dma_semaphore, #tpu.memory_space<semaphore_mem>>)
          %add3A_114 = arith.constant 2 : i32
          %add3A_115 = arith.addi %add3A_45, %add3A_114 : i32
          %mul3A_116 = arith.constant 80 : i32
          %mul3A_117 = arith.muli %add3A_115, %mul3A_116 : i32
          %add3A_118 = arith.addi %mul3A_4, %mul3A_117 : i32
          %dma_start3A_119 = tpu.memref_slice %arg4[%add3A_118] : memref<320000xi32, #tpu.memory_space<hbm>> -> memref<80xi32, #tpu.memory_space<hbm>>
          %dma_start3A_120 = tpu.memref_slice %arg4[%add3A_118] : memref<320000xi32, #tpu.memory_space<hbm>> -> memref<80xi32, #tpu.memory_space<hbm>>
          tpu.enqueue_dma source(%dma_start3A_120 : memref<80xi32, #tpu.memory_space<hbm>>) target(%arg13 : memref<80xi32, #tpu.memory_space<vmem>>) target_semaphore(%arg26 : memref<!tpu.dma_semaphore, #tpu.memory_space<semaphore_mem>>)
        } else {
        }
      } else {
      }
      %mul3A_48 = arith.constant 4 : i32
      %mul3A_49 = arith.muli %scan3A_41, %mul3A_48 : i32
      %add3A_50 = arith.constant 1 : i32
      %add3A_51 = arith.addi %mul3A_49, %add3A_50 : i32
      %lt3A_52 = arith.constant 125 : i32
      %lt3A_53 = arith.cmpi slt, %add3A_51, %lt3A_52 : i32
      %convert_element_type3A_54 = arith.extui %lt3A_53 : i1 to i32
      %cond3A_55 = arith.constant 0 : i32
      %cond3A_56 = arith.cmpi ne, %convert_element_type3A_54, %cond3A_55 : i32
      scf.if %cond3A_56 {
        %dma_wait3A_75 = arith.constant 0 : i32
        %dma_wait3A_76 = arith.constant 0 : i32
        %dma_wait3A_77 = tpu.memref_slice %arg2[%dma_wait3A_75, %dma_wait3A_76] : memref<10240x128xf32, #tpu.memory_space<hbm>> -> memref<10240x128xf32, #tpu.memory_space<hbm>>
        tpu.wait_indirect_dma semaphore(%arg29 : memref<!tpu.dma_semaphore, #tpu.memory_space<semaphore_mem>>) src(%dma_wait3A_77 : memref<10240x128xf32, #tpu.memory_space<hbm>>) dst(%arg16 : memref<80x128xf32, #tpu.memory_space<vmem>>)
        %add3A_78 = arith.constant 4 : i32
        %add3A_79 = arith.addi %add3A_51, %add3A_78 : i32
        %lt3A_80 = arith.constant 125 : i32
        %lt3A_81 = arith.cmpi slt, %add3A_79, %lt3A_80 : i32
        %convert_element_type3A_82 = arith.extui %lt3A_81 : i1 to i32
        %cond3A_83 = arith.constant 0 : i32
        %cond3A_84 = arith.cmpi ne, %convert_element_type3A_82, %cond3A_83 : i32
        scf.if %cond3A_84 {
          %add3A_104 = arith.constant 4 : i32
          %add3A_105 = arith.addi %add3A_51, %add3A_104 : i32
          %mul3A_106 = arith.constant 80 : i32
          %mul3A_107 = arith.muli %add3A_105, %mul3A_106 : i32
          %add3A_108 = arith.addi %mul3A_4, %mul3A_107 : i32
          %dma_start3A_109 = tpu.memref_slice %arg3[%add3A_108] : memref<320000xi32, #tpu.memory_space<hbm>> -> memref<80xi32, #tpu.memory_space<hbm>>
          %dma_start3A_110 = tpu.memref_slice %arg3[%add3A_108] : memref<320000xi32, #tpu.memory_space<hbm>> -> memref<80xi32, #tpu.memory_space<hbm>>
          tpu.enqueue_dma source(%dma_start3A_110 : memref<80xi32, #tpu.memory_space<hbm>>) target(%arg8 : memref<80xi32, #tpu.memory_space<vmem>>) target_semaphore(%arg21 : memref<!tpu.dma_semaphore, #tpu.memory_space<semaphore_mem>>)
        } else {
        }
        %mul3A_85 = arith.constant 80 : i32
        %mul3A_86 = arith.muli %add3A_51, %mul3A_85 : i32
        %add3A_87 = arith.addi %mul3A_4, %mul3A_86 : i32
        %dma_wait3A_88 = tpu.memref_slice %arg4[%add3A_87] : memref<320000xi32, #tpu.memory_space<hbm>> -> memref<80xi32, #tpu.memory_space<hbm>>
        %dma_wait3A_89 = tpu.memref_slice %arg4[%add3A_87] : memref<320000xi32, #tpu.memory_space<hbm>> -> memref<80xi32, #tpu.memory_space<hbm>>
        tpu.wait_dma2 semaphore(%arg25 : memref<!tpu.dma_semaphore, #tpu.memory_space<semaphore_mem>>) src(%dma_wait3A_89 : memref<80xi32, #tpu.memory_space<hbm>>) dst(%arg12 : memref<80xi32, #tpu.memory_space<vmem>>)
        %dma_start3A_90 = arith.constant 0 : i32
        %dma_start3A_91 = arith.constant 0 : i32
        %dma_start3A_92 = tpu.memref_slice %arg19[%dma_start3A_90, %dma_start3A_91] : memref<10240x128xf32, #tpu.memory_space<vmem_shared>> -> memref<10240x128xf32, #tpu.memory_space<vmem_shared>>
        tpu.enqueue_indirect_dma source(%arg16 : memref<80x128xf32, #tpu.memory_space<vmem>>) target(%dma_start3A_92 : memref<10240x128xf32, #tpu.memory_space<vmem_shared>>) offsets(%arg12 : memref<80xi32, #tpu.memory_space<vmem>>) semaphore(%arg33 : memref<!tpu.dma_semaphore, #tpu.memory_space<semaphore_mem>>) {add = true}
        %ge3A = arith.constant 2 : i32
        %ge3A_93 = arith.cmpi sge, %add3A_51, %ge3A : i32
        %convert_element_type3A_94 = arith.extui %ge3A_93 : i1 to i32
        %cond3A_95 = arith.constant 0 : i32
        %cond3A_96 = arith.cmpi ne, %convert_element_type3A_94, %cond3A_95 : i32
        scf.if %cond3A_96 {
          %dma_wait3A_104 = arith.constant 0 : i32
          %dma_wait3A_105 = arith.constant 0 : i32
          %dma_wait3A_106 = tpu.memref_slice %arg19[%dma_wait3A_104, %dma_wait3A_105] : memref<10240x128xf32, #tpu.memory_space<vmem_shared>> -> memref<10240x128xf32, #tpu.memory_space<vmem_shared>>
          tpu.wait_indirect_dma semaphore(%arg35 : memref<!tpu.dma_semaphore, #tpu.memory_space<semaphore_mem>>) src(%arg18 : memref<80x128xf32, #tpu.memory_space<vmem>>) dst(%dma_wait3A_106 : memref<10240x128xf32, #tpu.memory_space<vmem_shared>>)
        } else {
        }
        %add3A_97 = arith.constant 2 : i32
        %add3A_98 = arith.addi %add3A_51, %add3A_97 : i32
        %lt3A_99 = arith.constant 125 : i32
        %lt3A_100 = arith.cmpi slt, %add3A_98, %lt3A_99 : i32
        %convert_element_type3A_101 = arith.extui %lt3A_100 : i1 to i32
        %cond3A_102 = arith.constant 0 : i32
        %cond3A_103 = arith.cmpi ne, %convert_element_type3A_101, %cond3A_102 : i32
        scf.if %cond3A_103 {
          %add3A_104 = arith.constant 2 : i32
          %add3A_105 = arith.addi %add3A_51, %add3A_104 : i32
          %mul3A_106 = arith.constant 80 : i32
          %mul3A_107 = arith.muli %add3A_105, %mul3A_106 : i32
          %add3A_108 = arith.addi %mul3A_4, %mul3A_107 : i32
          %dma_wait3A_109 = tpu.memref_slice %arg3[%add3A_108] : memref<320000xi32, #tpu.memory_space<hbm>> -> memref<80xi32, #tpu.memory_space<hbm>>
          %dma_wait3A_110 = tpu.memref_slice %arg3[%add3A_108] : memref<320000xi32, #tpu.memory_space<hbm>> -> memref<80xi32, #tpu.memory_space<hbm>>
          tpu.wait_dma2 semaphore(%arg23 : memref<!tpu.dma_semaphore, #tpu.memory_space<semaphore_mem>>) src(%dma_wait3A_110 : memref<80xi32, #tpu.memory_space<hbm>>) dst(%arg10 : memref<80xi32, #tpu.memory_space<vmem>>)
          %dma_start3A_111 = arith.constant 0 : i32
          %dma_start3A_112 = arith.constant 0 : i32
          %dma_start3A_113 = tpu.memref_slice %arg2[%dma_start3A_111, %dma_start3A_112] : memref<10240x128xf32, #tpu.memory_space<hbm>> -> memref<10240x128xf32, #tpu.memory_space<hbm>>
          tpu.enqueue_indirect_dma source(%dma_start3A_113 : memref<10240x128xf32, #tpu.memory_space<hbm>>) target(%arg18 : memref<80x128xf32, #tpu.memory_space<vmem>>) offsets(%arg10 : memref<80xi32, #tpu.memory_space<vmem>>) semaphore(%arg31 : memref<!tpu.dma_semaphore, #tpu.memory_space<semaphore_mem>>)
          %add3A_114 = arith.constant 2 : i32
          %add3A_115 = arith.addi %add3A_51, %add3A_114 : i32
          %mul3A_116 = arith.constant 80 : i32
          %mul3A_117 = arith.muli %add3A_115, %mul3A_116 : i32
          %add3A_118 = arith.addi %mul3A_4, %mul3A_117 : i32
          %dma_start3A_119 = tpu.memref_slice %arg4[%add3A_118] : memref<320000xi32, #tpu.memory_space<hbm>> -> memref<80xi32, #tpu.memory_space<hbm>>
          %dma_start3A_120 = tpu.memref_slice %arg4[%add3A_118] : memref<320000xi32, #tpu.memory_space<hbm>> -> memref<80xi32, #tpu.memory_space<hbm>>
          tpu.enqueue_dma source(%dma_start3A_120 : memref<80xi32, #tpu.memory_space<hbm>>) target(%arg14 : memref<80xi32, #tpu.memory_space<vmem>>) target_semaphore(%arg27 : memref<!tpu.dma_semaphore, #tpu.memory_space<semaphore_mem>>)
        } else {
        }
      } else {
      }
      %mul3A_57 = arith.constant 4 : i32
      %mul3A_58 = arith.muli %scan3A_41, %mul3A_57 : i32
      %add3A_59 = arith.constant 2 : i32
      %add3A_60 = arith.addi %mul3A_58, %add3A_59 : i32
      %lt3A_61 = arith.constant 125 : i32
      %lt3A_62 = arith.cmpi slt, %add3A_60, %lt3A_61 : i32
      %convert_element_type3A_63 = arith.extui %lt3A_62 : i1 to i32
      %cond3A_64 = arith.constant 0 : i32
      %cond3A_65 = arith.cmpi ne, %convert_element_type3A_63, %cond3A_64 : i32
      scf.if %cond3A_65 {
        %dma_wait3A_75 = arith.constant 0 : i32
        %dma_wait3A_76 = arith.constant 0 : i32
        %dma_wait3A_77 = tpu.memref_slice %arg2[%dma_wait3A_75, %dma_wait3A_76] : memref<10240x128xf32, #tpu.memory_space<hbm>> -> memref<10240x128xf32, #tpu.memory_space<hbm>>
        tpu.wait_indirect_dma semaphore(%arg30 : memref<!tpu.dma_semaphore, #tpu.memory_space<semaphore_mem>>) src(%dma_wait3A_77 : memref<10240x128xf32, #tpu.memory_space<hbm>>) dst(%arg17 : memref<80x128xf32, #tpu.memory_space<vmem>>)
        %add3A_78 = arith.constant 4 : i32
        %add3A_79 = arith.addi %add3A_60, %add3A_78 : i32
        %lt3A_80 = arith.constant 125 : i32
        %lt3A_81 = arith.cmpi slt, %add3A_79, %lt3A_80 : i32
        %convert_element_type3A_82 = arith.extui %lt3A_81 : i1 to i32
        %cond3A_83 = arith.constant 0 : i32
        %cond3A_84 = arith.cmpi ne, %convert_element_type3A_82, %cond3A_83 : i32
        scf.if %cond3A_84 {
          %add3A_104 = arith.constant 4 : i32
          %add3A_105 = arith.addi %add3A_60, %add3A_104 : i32
          %mul3A_106 = arith.constant 80 : i32
          %mul3A_107 = arith.muli %add3A_105, %mul3A_106 : i32
          %add3A_108 = arith.addi %mul3A_4, %mul3A_107 : i32
          %dma_start3A_109 = tpu.memref_slice %arg3[%add3A_108] : memref<320000xi32, #tpu.memory_space<hbm>> -> memref<80xi32, #tpu.memory_space<hbm>>
          %dma_start3A_110 = tpu.memref_slice %arg3[%add3A_108] : memref<320000xi32, #tpu.memory_space<hbm>> -> memref<80xi32, #tpu.memory_space<hbm>>
          tpu.enqueue_dma source(%dma_start3A_110 : memref<80xi32, #tpu.memory_space<hbm>>) target(%arg9 : memref<80xi32, #tpu.memory_space<vmem>>) target_semaphore(%arg22 : memref<!tpu.dma_semaphore, #tpu.memory_space<semaphore_mem>>)
        } else {
        }
        %mul3A_85 = arith.constant 80 : i32
        %mul3A_86 = arith.muli %add3A_60, %mul3A_85 : i32
        %add3A_87 = arith.addi %mul3A_4, %mul3A_86 : i32
        %dma_wait3A_88 = tpu.memref_slice %arg4[%add3A_87] : memref<320000xi32, #tpu.memory_space<hbm>> -> memref<80xi32, #tpu.memory_space<hbm>>
        %dma_wait3A_89 = tpu.memref_slice %arg4[%add3A_87] : memref<320000xi32, #tpu.memory_space<hbm>> -> memref<80xi32, #tpu.memory_space<hbm>>
        tpu.wait_dma2 semaphore(%arg26 : memref<!tpu.dma_semaphore, #tpu.memory_space<semaphore_mem>>) src(%dma_wait3A_89 : memref<80xi32, #tpu.memory_space<hbm>>) dst(%arg13 : memref<80xi32, #tpu.memory_space<vmem>>)
        %dma_start3A_90 = arith.constant 0 : i32
        %dma_start3A_91 = arith.constant 0 : i32
        %dma_start3A_92 = tpu.memref_slice %arg19[%dma_start3A_90, %dma_start3A_91] : memref<10240x128xf32, #tpu.memory_space<vmem_shared>> -> memref<10240x128xf32, #tpu.memory_space<vmem_shared>>
        tpu.enqueue_indirect_dma source(%arg17 : memref<80x128xf32, #tpu.memory_space<vmem>>) target(%dma_start3A_92 : memref<10240x128xf32, #tpu.memory_space<vmem_shared>>) offsets(%arg13 : memref<80xi32, #tpu.memory_space<vmem>>) semaphore(%arg34 : memref<!tpu.dma_semaphore, #tpu.memory_space<semaphore_mem>>) {add = true}
        %ge3A = arith.constant 2 : i32
        %ge3A_93 = arith.cmpi sge, %add3A_60, %ge3A : i32
        %convert_element_type3A_94 = arith.extui %ge3A_93 : i1 to i32
        %cond3A_95 = arith.constant 0 : i32
        %cond3A_96 = arith.cmpi ne, %convert_element_type3A_94, %cond3A_95 : i32
        scf.if %cond3A_96 {
          %dma_wait3A_104 = arith.constant 0 : i32
          %dma_wait3A_105 = arith.constant 0 : i32
          %dma_wait3A_106 = tpu.memref_slice %arg19[%dma_wait3A_104, %dma_wait3A_105] : memref<10240x128xf32, #tpu.memory_space<vmem_shared>> -> memref<10240x128xf32, #tpu.memory_space<vmem_shared>>
          tpu.wait_indirect_dma semaphore(%arg32 : memref<!tpu.dma_semaphore, #tpu.memory_space<semaphore_mem>>) src(%arg15 : memref<80x128xf32, #tpu.memory_space<vmem>>) dst(%dma_wait3A_106 : memref<10240x128xf32, #tpu.memory_space<vmem_shared>>)
        } else {
        }
        %add3A_97 = arith.constant 2 : i32
        %add3A_98 = arith.addi %add3A_60, %add3A_97 : i32
        %lt3A_99 = arith.constant 125 : i32
        %lt3A_100 = arith.cmpi slt, %add3A_98, %lt3A_99 : i32
        %convert_element_type3A_101 = arith.extui %lt3A_100 : i1 to i32
        %cond3A_102 = arith.constant 0 : i32
        %cond3A_103 = arith.cmpi ne, %convert_element_type3A_101, %cond3A_102 : i32
        scf.if %cond3A_103 {
          %add3A_104 = arith.constant 2 : i32
          %add3A_105 = arith.addi %add3A_60, %add3A_104 : i32
          %mul3A_106 = arith.constant 80 : i32
          %mul3A_107 = arith.muli %add3A_105, %mul3A_106 : i32
          %add3A_108 = arith.addi %mul3A_4, %mul3A_107 : i32
          %dma_wait3A_109 = tpu.memref_slice %arg3[%add3A_108] : memref<320000xi32, #tpu.memory_space<hbm>> -> memref<80xi32, #tpu.memory_space<hbm>>
          %dma_wait3A_110 = tpu.memref_slice %arg3[%add3A_108] : memref<320000xi32, #tpu.memory_space<hbm>> -> memref<80xi32, #tpu.memory_space<hbm>>
          tpu.wait_dma2 semaphore(%arg20 : memref<!tpu.dma_semaphore, #tpu.memory_space<semaphore_mem>>) src(%dma_wait3A_110 : memref<80xi32, #tpu.memory_space<hbm>>) dst(%arg7 : memref<80xi32, #tpu.memory_space<vmem>>)
          %dma_start3A_111 = arith.constant 0 : i32
          %dma_start3A_112 = arith.constant 0 : i32
          %dma_start3A_113 = tpu.memref_slice %arg2[%dma_start3A_111, %dma_start3A_112] : memref<10240x128xf32, #tpu.memory_space<hbm>> -> memref<10240x128xf32, #tpu.memory_space<hbm>>
          tpu.enqueue_indirect_dma source(%dma_start3A_113 : memref<10240x128xf32, #tpu.memory_space<hbm>>) target(%arg15 : memref<80x128xf32, #tpu.memory_space<vmem>>) offsets(%arg7 : memref<80xi32, #tpu.memory_space<vmem>>) semaphore(%arg28 : memref<!tpu.dma_semaphore, #tpu.memory_space<semaphore_mem>>)
          %add3A_114 = arith.constant 2 : i32
          %add3A_115 = arith.addi %add3A_60, %add3A_114 : i32
          %mul3A_116 = arith.constant 80 : i32
          %mul3A_117 = arith.muli %add3A_115, %mul3A_116 : i32
          %add3A_118 = arith.addi %mul3A_4, %mul3A_117 : i32
          %dma_start3A_119 = tpu.memref_slice %arg4[%add3A_118] : memref<320000xi32, #tpu.memory_space<hbm>> -> memref<80xi32, #tpu.memory_space<hbm>>
          %dma_start3A_120 = tpu.memref_slice %arg4[%add3A_118] : memref<320000xi32, #tpu.memory_space<hbm>> -> memref<80xi32, #tpu.memory_space<hbm>>
          tpu.enqueue_dma source(%dma_start3A_120 : memref<80xi32, #tpu.memory_space<hbm>>) target(%arg11 : memref<80xi32, #tpu.memory_space<vmem>>) target_semaphore(%arg24 : memref<!tpu.dma_semaphore, #tpu.memory_space<semaphore_mem>>)
        } else {
        }
      } else {
      }
      %mul3A_66 = arith.constant 4 : i32
      %mul3A_67 = arith.muli %scan3A_41, %mul3A_66 : i32
      %add3A_68 = arith.constant 3 : i32
      %add3A_69 = arith.addi %mul3A_67, %add3A_68 : i32
      %lt3A_70 = arith.constant 125 : i32
      %lt3A_71 = arith.cmpi slt, %add3A_69, %lt3A_70 : i32
      %convert_element_type3A_72 = arith.extui %lt3A_71 : i1 to i32
      %cond3A_73 = arith.constant 0 : i32
      %cond3A_74 = arith.cmpi ne, %convert_element_type3A_72, %cond3A_73 : i32
      scf.if %cond3A_74 {
        %dma_wait3A_75 = arith.constant 0 : i32
        %dma_wait3A_76 = arith.constant 0 : i32
        %dma_wait3A_77 = tpu.memref_slice %arg2[%dma_wait3A_75, %dma_wait3A_76] : memref<10240x128xf32, #tpu.memory_space<hbm>> -> memref<10240x128xf32, #tpu.memory_space<hbm>>
        tpu.wait_indirect_dma semaphore(%arg31 : memref<!tpu.dma_semaphore, #tpu.memory_space<semaphore_mem>>) src(%dma_wait3A_77 : memref<10240x128xf32, #tpu.memory_space<hbm>>) dst(%arg18 : memref<80x128xf32, #tpu.memory_space<vmem>>)
        %add3A_78 = arith.constant 4 : i32
        %add3A_79 = arith.addi %add3A_69, %add3A_78 : i32
        %lt3A_80 = arith.constant 125 : i32
        %lt3A_81 = arith.cmpi slt, %add3A_79, %lt3A_80 : i32
        %convert_element_type3A_82 = arith.extui %lt3A_81 : i1 to i32
        %cond3A_83 = arith.constant 0 : i32
        %cond3A_84 = arith.cmpi ne, %convert_element_type3A_82, %cond3A_83 : i32
        scf.if %cond3A_84 {
          %add3A_104 = arith.constant 4 : i32
          %add3A_105 = arith.addi %add3A_69, %add3A_104 : i32
          %mul3A_106 = arith.constant 80 : i32
          %mul3A_107 = arith.muli %add3A_105, %mul3A_106 : i32
          %add3A_108 = arith.addi %mul3A_4, %mul3A_107 : i32
          %dma_start3A_109 = tpu.memref_slice %arg3[%add3A_108] : memref<320000xi32, #tpu.memory_space<hbm>> -> memref<80xi32, #tpu.memory_space<hbm>>
          %dma_start3A_110 = tpu.memref_slice %arg3[%add3A_108] : memref<320000xi32, #tpu.memory_space<hbm>> -> memref<80xi32, #tpu.memory_space<hbm>>
          tpu.enqueue_dma source(%dma_start3A_110 : memref<80xi32, #tpu.memory_space<hbm>>) target(%arg10 : memref<80xi32, #tpu.memory_space<vmem>>) target_semaphore(%arg23 : memref<!tpu.dma_semaphore, #tpu.memory_space<semaphore_mem>>)
        } else {
        }
        %mul3A_85 = arith.constant 80 : i32
        %mul3A_86 = arith.muli %add3A_69, %mul3A_85 : i32
        %add3A_87 = arith.addi %mul3A_4, %mul3A_86 : i32
        %dma_wait3A_88 = tpu.memref_slice %arg4[%add3A_87] : memref<320000xi32, #tpu.memory_space<hbm>> -> memref<80xi32, #tpu.memory_space<hbm>>
        %dma_wait3A_89 = tpu.memref_slice %arg4[%add3A_87] : memref<320000xi32, #tpu.memory_space<hbm>> -> memref<80xi32, #tpu.memory_space<hbm>>
        tpu.wait_dma2 semaphore(%arg27 : memref<!tpu.dma_semaphore, #tpu.memory_space<semaphore_mem>>) src(%dma_wait3A_89 : memref<80xi32, #tpu.memory_space<hbm>>) dst(%arg14 : memref<80xi32, #tpu.memory_space<vmem>>)
        %dma_start3A_90 = arith.constant 0 : i32
        %dma_start3A_91 = arith.constant 0 : i32
        %dma_start3A_92 = tpu.memref_slice %arg19[%dma_start3A_90, %dma_start3A_91] : memref<10240x128xf32, #tpu.memory_space<vmem_shared>> -> memref<10240x128xf32, #tpu.memory_space<vmem_shared>>
        tpu.enqueue_indirect_dma source(%arg18 : memref<80x128xf32, #tpu.memory_space<vmem>>) target(%dma_start3A_92 : memref<10240x128xf32, #tpu.memory_space<vmem_shared>>) offsets(%arg14 : memref<80xi32, #tpu.memory_space<vmem>>) semaphore(%arg35 : memref<!tpu.dma_semaphore, #tpu.memory_space<semaphore_mem>>) {add = true}
        %ge3A = arith.constant 2 : i32
        %ge3A_93 = arith.cmpi sge, %add3A_69, %ge3A : i32
        %convert_element_type3A_94 = arith.extui %ge3A_93 : i1 to i32
        %cond3A_95 = arith.constant 0 : i32
        %cond3A_96 = arith.cmpi ne, %convert_element_type3A_94, %cond3A_95 : i32
        scf.if %cond3A_96 {
          %dma_wait3A_104 = arith.constant 0 : i32
          %dma_wait3A_105 = arith.constant 0 : i32
          %dma_wait3A_106 = tpu.memref_slice %arg19[%dma_wait3A_104, %dma_wait3A_105] : memref<10240x128xf32, #tpu.memory_space<vmem_shared>> -> memref<10240x128xf32, #tpu.memory_space<vmem_shared>>
          tpu.wait_indirect_dma semaphore(%arg33 : memref<!tpu.dma_semaphore, #tpu.memory_space<semaphore_mem>>) src(%arg16 : memref<80x128xf32, #tpu.memory_space<vmem>>) dst(%dma_wait3A_106 : memref<10240x128xf32, #tpu.memory_space<vmem_shared>>)
        } else {
        }
        %add3A_97 = arith.constant 2 : i32
        %add3A_98 = arith.addi %add3A_69, %add3A_97 : i32
        %lt3A_99 = arith.constant 125 : i32
        %lt3A_100 = arith.cmpi slt, %add3A_98, %lt3A_99 : i32
        %convert_element_type3A_101 = arith.extui %lt3A_100 : i1 to i32
        %cond3A_102 = arith.constant 0 : i32
        %cond3A_103 = arith.cmpi ne, %convert_element_type3A_101, %cond3A_102 : i32
        scf.if %cond3A_103 {
          %add3A_104 = arith.constant 2 : i32
          %add3A_105 = arith.addi %add3A_69, %add3A_104 : i32
          %mul3A_106 = arith.constant 80 : i32
          %mul3A_107 = arith.muli %add3A_105, %mul3A_106 : i32
          %add3A_108 = arith.addi %mul3A_4, %mul3A_107 : i32
          %dma_wait3A_109 = tpu.memref_slice %arg3[%add3A_108] : memref<320000xi32, #tpu.memory_space<hbm>> -> memref<80xi32, #tpu.memory_space<hbm>>
          %dma_wait3A_110 = tpu.memref_slice %arg3[%add3A_108] : memref<320000xi32, #tpu.memory_space<hbm>> -> memref<80xi32, #tpu.memory_space<hbm>>
          tpu.wait_dma2 semaphore(%arg21 : memref<!tpu.dma_semaphore, #tpu.memory_space<semaphore_mem>>) src(%dma_wait3A_110 : memref<80xi32, #tpu.memory_space<hbm>>) dst(%arg8 : memref<80xi32, #tpu.memory_space<vmem>>)
          %dma_start3A_111 = arith.constant 0 : i32
          %dma_start3A_112 = arith.constant 0 : i32
          %dma_start3A_113 = tpu.memref_slice %arg2[%dma_start3A_111, %dma_start3A_112] : memref<10240x128xf32, #tpu.memory_space<hbm>> -> memref<10240x128xf32, #tpu.memory_space<hbm>>
          tpu.enqueue_indirect_dma source(%dma_start3A_113 : memref<10240x128xf32, #tpu.memory_space<hbm>>) target(%arg16 : memref<80x128xf32, #tpu.memory_space<vmem>>) offsets(%arg8 : memref<80xi32, #tpu.memory_space<vmem>>) semaphore(%arg29 : memref<!tpu.dma_semaphore, #tpu.memory_space<semaphore_mem>>)
          %add3A_114 = arith.constant 2 : i32
          %add3A_115 = arith.addi %add3A_69, %add3A_114 : i32
          %mul3A_116 = arith.constant 80 : i32
          %mul3A_117 = arith.muli %add3A_115, %mul3A_116 : i32
          %add3A_118 = arith.addi %mul3A_4, %mul3A_117 : i32
          %dma_start3A_119 = tpu.memref_slice %arg4[%add3A_118] : memref<320000xi32, #tpu.memory_space<hbm>> -> memref<80xi32, #tpu.memory_space<hbm>>
          %dma_start3A_120 = tpu.memref_slice %arg4[%add3A_118] : memref<320000xi32, #tpu.memory_space<hbm>> -> memref<80xi32, #tpu.memory_space<hbm>>
          tpu.enqueue_dma source(%dma_start3A_120 : memref<80xi32, #tpu.memory_space<hbm>>) target(%arg12 : memref<80xi32, #tpu.memory_space<vmem>>) target_semaphore(%arg25 : memref<!tpu.dma_semaphore, #tpu.memory_space<semaphore_mem>>)
        } else {
        }
      } else {
      }
    }
    %scan3A_34 = arith.constant 32 : i32
    %dma_wait3A = arith.constant 0 : i32
    %dma_wait3A_35 = arith.constant 0 : i32
    %dma_wait3A_36 = tpu.memref_slice %arg19[%dma_wait3A, %dma_wait3A_35] : memref<10240x128xf32, #tpu.memory_space<vmem_shared>> -> memref<10240x128xf32, #tpu.memory_space<vmem_shared>>
    tpu.wait_indirect_dma semaphore(%arg35 : memref<!tpu.dma_semaphore, #tpu.memory_space<semaphore_mem>>) src(%arg18 : memref<80x128xf32, #tpu.memory_space<vmem>>) dst(%dma_wait3A_36 : memref<10240x128xf32, #tpu.memory_space<vmem_shared>>)
    %dma_wait3A_37 = arith.constant 0 : i32
    %dma_wait3A_38 = arith.constant 0 : i32
    %dma_wait3A_39 = tpu.memref_slice %arg19[%dma_wait3A_37, %dma_wait3A_38] : memref<10240x128xf32, #tpu.memory_space<vmem_shared>> -> memref<10240x128xf32, #tpu.memory_space<vmem_shared>>
    tpu.wait_indirect_dma semaphore(%arg32 : memref<!tpu.dma_semaphore, #tpu.memory_space<semaphore_mem>>) src(%arg15 : memref<80x128xf32, #tpu.memory_space<vmem>>) dst(%dma_wait3A_39 : memref<10240x128xf32, #tpu.memory_space<vmem_shared>>)
    %barrier3A_40 = arith.constant 0 : index
    tpu.barrier barrier_id(%barrier3A_40)
    "tpu.region"() ({
      %run_scoped3A = tpu.sem_alloc : memref<!tpu.dma_semaphore, #tpu.memory_space<semaphore_mem>>
      %dma_start3A_41 = arith.constant 0 : i32
      %dma_start3A_42 = tpu.memref_slice %arg6[%arg0, %mul3A_0, %dma_start3A_41] : memref<2x10240x128xf32, #tpu.memory_space<hbm>> -> memref<1x640x128xf32, #tpu.memory_space<hbm>>
      %dma_start3A_43 = tpu.memref_squeeze %dma_start3A_42 : memref<1x640x128xf32, #tpu.memory_space<hbm>> -> memref<640x128xf32, #tpu.memory_space<hbm>>
      %dma_start3A_44 = arith.constant 0 : i32
      %dma_start3A_45 = tpu.memref_slice %arg19[%mul3A_0, %dma_start3A_44] : memref<10240x128xf32, #tpu.memory_space<vmem_shared>> -> memref<640x128xf32, #tpu.memory_space<vmem_shared>>
      tpu.enqueue_dma source(%dma_start3A_45 : memref<640x128xf32, #tpu.memory_space<vmem_shared>>) target(%dma_start3A_43 : memref<640x128xf32, #tpu.memory_space<hbm>>) target_semaphore(%run_scoped3A : memref<!tpu.dma_semaphore, #tpu.memory_space<semaphore_mem>>)
      %dma_wait3A_46 = arith.constant 0 : i32
      %dma_wait3A_47 = tpu.memref_slice %arg6[%arg0, %mul3A_0, %dma_wait3A_46] : memref<2x10240x128xf32, #tpu.memory_space<hbm>> -> memref<1x640x128xf32, #tpu.memory_space<hbm>>
      %dma_wait3A_48 = tpu.memref_squeeze %dma_wait3A_47 : memref<1x640x128xf32, #tpu.memory_space<hbm>> -> memref<640x128xf32, #tpu.memory_space<hbm>>
      %dma_wait3A_49 = arith.constant 0 : i32
      %dma_wait3A_50 = tpu.memref_slice %arg19[%mul3A_0, %dma_wait3A_49] : memref<10240x128xf32, #tpu.memory_space<vmem_shared>> -> memref<640x128xf32, #tpu.memory_space<vmem_shared>>
      tpu.wait_dma2 semaphore(%run_scoped3A : memref<!tpu.dma_semaphore, #tpu.memory_space<semaphore_mem>>) src(%dma_wait3A_50 : memref<640x128xf32, #tpu.memory_space<vmem_shared>>) dst(%dma_wait3A_48 : memref<640x128xf32, #tpu.memory_space<hbm>>)
      tpu.yield
    }) : () -> ()
    return
  }
}

module attributes {stable_mosaic.version = 14 : i64} {
  func.func @_m0_body(%arg0: i32, %arg1: memref<1024x128xf32, #tpu.memory_space<vmem>>, %arg2: memref<128x128xf32, #tpu.memory_space<vmem>>, %arg3: memref<1024x1xf32, #tpu.memory_space<vmem>>, %arg4: memref<1024x128xf32, #tpu.memory_space<vmem>>) attributes {dimension_semantics = [#tpu.dimension_semantics<arbitrary>], iteration_bounds = array<i64: 10>, scalar_prefetch = 0 : i64, scratch_operands = 0 : i64, tpu.core_type = #tpu.core_type<tc>, window_params = [{transform_indices = @transform_0, window_bounds = array<i64: 1024, 128>}, {pipeline_mode = #tpu.pipeline_mode<synchronous>, transform_indices = @transform_1, window_bounds = array<i64: 128, 128>}, {transform_indices = @transform_2, window_bounds = array<i64: 1024, 1>}, {transform_indices = @transform_3, window_bounds = array<i64: 1024, 128>}]} {
    %get3A = arith.constant 0 : index
    %get3A_0 = arith.constant 0 : index
    %get3A_1 = vector.load %arg3[%get3A, %get3A_0] : memref<1024x1xf32, #tpu.memory_space<vmem>>, vector<1024x1xf32>
    %get3A_2 = arith.constant 0 : index
    %get3A_3 = arith.constant 0 : index
    %get3A_4 = vector.load %arg1[%get3A_2, %get3A_3] : memref<1024x128xf32, #tpu.memory_space<vmem>>, vector<1024x128xf32>
    %get3A_5 = arith.constant 0 : index
    %get3A_6 = arith.constant 0 : index
    %get3A_7 = vector.load %arg2[%get3A_5, %get3A_6] : memref<128x128xf32, #tpu.memory_space<vmem>>, vector<128x128xf32>
    %dot_general3A = arith.constant dense<0.000000e+00> : vector<1024x128xf32>
    %dot_general3A_8 = tpu.matmul %get3A_4, %get3A_7, %dot_general3A {dimension_numbers = #tpu.dot_dimension_numbers<[1], [0], [0], [1], [0, 0, 1, 1], [], []>, transpose_lhs_hint = false} : vector<1024x128xf32>, vector<128x128xf32>, vector<1024x128xf32> -> vector<1024x128xf32>
    %mul3A = vector.broadcast %get3A_1 : vector<1024x1xf32> to vector<1024x128xf32>
    %mul3A_9 = arith.mulf %mul3A, %dot_general3A_8 : vector<1024x128xf32>
    %swap3A = arith.constant 0 : index
    %swap3A_10 = arith.constant 0 : index
    %swap3A_11 = vector.load %arg4[%swap3A, %swap3A_10] : memref<1024x128xf32, #tpu.memory_space<vmem>>, vector<1024x128xf32>
    tpu.vector_store %arg4[%swap3A, %swap3A_10], %mul3A_9 {strides = array<i32>} : memref<1024x128xf32, #tpu.memory_space<vmem>>, vector<1024x128xf32>,
    return
  }
  func.func @transform_0(%arg0: i32) -> (i32, i32) {
    %c0_i32 = arith.constant 0 : i32
    %c0_i32_0 = arith.constant 0 : i32
    return %arg0, %c0_i32 : i32, i32
  }
  func.func @transform_1(%arg0: i32) -> (i32, i32) {
    %c0_i32 = arith.constant 0 : i32
    %c0_i32_0 = arith.constant 0 : i32
    %c0_i32_1 = arith.constant 0 : i32
    return %c0_i32, %c0_i32_0 : i32, i32
  }
  func.func @transform_2(%arg0: i32) -> (i32, i32) {
    %c0_i32 = arith.constant 0 : i32
    %c0_i32_0 = arith.constant 0 : i32
    return %arg0, %c0_i32 : i32, i32
  }
  func.func @transform_3(%arg0: i32) -> (i32, i32) {
    %c0_i32 = arith.constant 0 : i32
    %c0_i32_0 = arith.constant 0 : i32
    return %arg0, %c0_i32 : i32, i32
  }
}

module attributes {stable_mosaic.version = 14 : i64} {
  func.func @_mid_body(%arg0: i32, %arg1: memref<2x1024x128xf32, #tpu.memory_space<vmem>>, %arg2: memref<1024x128xf32, #tpu.memory_space<vmem>>, %arg3: memref<1024x1xf32, #tpu.memory_space<vmem>>, %arg4: memref<1x128xf32, #tpu.memory_space<vmem>>, %arg5: memref<128x128xf32, #tpu.memory_space<vmem>>, %arg6: memref<1024x128xf32, #tpu.memory_space<vmem>>, %arg7: memref<1024x128xf32, #tpu.memory_space<vmem>>) attributes {dimension_semantics = [#tpu.dimension_semantics<arbitrary>], iteration_bounds = array<i64: 10>, scalar_prefetch = 0 : i64, scratch_operands = 0 : i64, tpu.core_type = #tpu.core_type<tc>, window_params = [{transform_indices = @transform_0, window_bounds = array<i64: 2, 1024, 128>}, {transform_indices = @transform_1, window_bounds = array<i64: 1024, 128>}, {transform_indices = @transform_2, window_bounds = array<i64: 1024, 1>}, {pipeline_mode = #tpu.pipeline_mode<synchronous>, transform_indices = @transform_3, window_bounds = array<i64: 1, 128>}, {pipeline_mode = #tpu.pipeline_mode<synchronous>, transform_indices = @transform_4, window_bounds = array<i64: 128, 128>}, {transform_indices = @transform_5, window_bounds = array<i64: 1024, 128>}, {transform_indices = @transform_6, window_bounds = array<i64: 1024, 128>}]} {
    %get3A = arith.constant 0 : index
    %get3A_0 = arith.constant 0 : index
    %get3A_1 = vector.load %arg3[%get3A, %get3A_0] : memref<1024x1xf32, #tpu.memory_space<vmem>>, vector<1024x1xf32>
    %get3A_2 = arith.constant 0 : index
    %get3A_3 = arith.constant 0 : index
    %get3A_4 = arith.constant 0 : index
    %get3A_5 = vector.load %arg1[%get3A_2, %get3A_3, %get3A_4] : memref<2x1024x128xf32, #tpu.memory_space<vmem>>, vector<1x1024x128xf32>
    %get3A_6 = vector.shape_cast %get3A_5 : vector<1x1024x128xf32> to vector<1024x128xf32>
    %get3A_7 = arith.constant 1 : index
    %get3A_8 = arith.constant 0 : index
    %get3A_9 = arith.constant 0 : index
    %get3A_10 = vector.load %arg1[%get3A_7, %get3A_8, %get3A_9] : memref<2x1024x128xf32, #tpu.memory_space<vmem>>, vector<1x1024x128xf32>
    %get3A_11 = vector.shape_cast %get3A_10 : vector<1x1024x128xf32> to vector<1024x128xf32>
    %add3A = arith.addf %get3A_6, %get3A_11 : vector<1024x128xf32>
    %get3A_12 = arith.constant 0 : index
    %get3A_13 = arith.constant 0 : index
    %get3A_14 = vector.load %arg2[%get3A_12, %get3A_13] : memref<1024x128xf32, #tpu.memory_space<vmem>>, vector<1024x128xf32>
    %add3A_15 = arith.addf %add3A, %get3A_14 : vector<1024x128xf32>
    %mul3A = vector.broadcast %get3A_1 : vector<1024x1xf32> to vector<1024x128xf32>
    %mul3A_16 = arith.mulf %mul3A, %add3A_15 : vector<1024x128xf32>
    %get3A_17 = arith.constant 0 : index
    %get3A_18 = arith.constant 0 : index
    %get3A_19 = vector.load %arg4[%get3A_17, %get3A_18] : memref<1x128xf32, #tpu.memory_space<vmem>>, vector<1x128xf32>
    %add3A_20 = vector.broadcast %get3A_19 : vector<1x128xf32> to vector<1024x128xf32>
    %add3A_21 = arith.addf %mul3A_16, %add3A_20 : vector<1024x128xf32>
    %max3A = arith.constant 0.000000e+00 : f32
    %max3A_22 = vector.broadcast %max3A : f32 to vector<1024x128xf32>
    %max3A_23 = arith.maximumf %add3A_21, %max3A_22 : vector<1024x128xf32>
    %swap3A = arith.constant 0 : index
    %swap3A_24 = arith.constant 0 : index
    %swap3A_25 = vector.load %arg6[%swap3A, %swap3A_24] : memref<1024x128xf32, #tpu.memory_space<vmem>>, vector<1024x128xf32>
    tpu.vector_store %arg6[%swap3A, %swap3A_24], %max3A_23 {strides = array<i32>} : memref<1024x128xf32, #tpu.memory_space<vmem>>, vector<1024x128xf32>,
    %get3A_26 = arith.constant 0 : index
    %get3A_27 = arith.constant 0 : index
    %get3A_28 = vector.load %arg5[%get3A_26, %get3A_27] : memref<128x128xf32, #tpu.memory_space<vmem>>, vector<128x128xf32>
    %dot_general3A = arith.constant dense<0.000000e+00> : vector<1024x128xf32>
    %dot_general3A_29 = tpu.matmul %max3A_23, %get3A_28, %dot_general3A {dimension_numbers = #tpu.dot_dimension_numbers<[1], [0], [0], [1], [0, 0, 1, 1], [], []>, transpose_lhs_hint = false} : vector<1024x128xf32>, vector<128x128xf32>, vector<1024x128xf32> -> vector<1024x128xf32>
    %mul3A_30 = vector.broadcast %get3A_1 : vector<1024x1xf32> to vector<1024x128xf32>
    %mul3A_31 = arith.mulf %mul3A_30, %dot_general3A_29 : vector<1024x128xf32>
    %swap3A_32 = arith.constant 0 : index
    %swap3A_33 = arith.constant 0 : index
    %swap3A_34 = vector.load %arg7[%swap3A_32, %swap3A_33] : memref<1024x128xf32, #tpu.memory_space<vmem>>, vector<1024x128xf32>
    tpu.vector_store %arg7[%swap3A_32, %swap3A_33], %mul3A_31 {strides = array<i32>} : memref<1024x128xf32, #tpu.memory_space<vmem>>, vector<1024x128xf32>,
    return
  }
  func.func @transform_0(%arg0: i32) -> (i32, i32, i32) {
    %c0_i32 = arith.constant 0 : i32
    %c0_i32_0 = arith.constant 0 : i32
    %c0_i32_1 = arith.constant 0 : i32
    return %c0_i32, %arg0, %c0_i32_0 : i32, i32, i32
  }
  func.func @transform_1(%arg0: i32) -> (i32, i32) {
    %c0_i32 = arith.constant 0 : i32
    %c0_i32_0 = arith.constant 0 : i32
    return %arg0, %c0_i32 : i32, i32
  }
  func.func @transform_2(%arg0: i32) -> (i32, i32) {
    %c0_i32 = arith.constant 0 : i32
    %c0_i32_0 = arith.constant 0 : i32
    return %arg0, %c0_i32 : i32, i32
  }
  func.func @transform_3(%arg0: i32) -> (i32, i32) {
    %c0_i32 = arith.constant 0 : i32
    %c0_i32_0 = arith.constant 0 : i32
    %c0_i32_1 = arith.constant 0 : i32
    return %c0_i32, %c0_i32_0 : i32, i32
  }
  func.func @transform_4(%arg0: i32) -> (i32, i32) {
    %c0_i32 = arith.constant 0 : i32
    %c0_i32_0 = arith.constant 0 : i32
    %c0_i32_1 = arith.constant 0 : i32
    return %c0_i32, %c0_i32_0 : i32, i32
  }
  func.func @transform_5(%arg0: i32) -> (i32, i32) {
    %c0_i32 = arith.constant 0 : i32
    %c0_i32_0 = arith.constant 0 : i32
    return %arg0, %c0_i32 : i32, i32
  }
  func.func @transform_6(%arg0: i32) -> (i32, i32) {
    %c0_i32 = arith.constant 0 : i32
    %c0_i32_0 = arith.constant 0 : i32
    return %arg0, %c0_i32 : i32, i32
  }
}

module attributes {stable_mosaic.version = 14 : i64} {
  func.func @_fin_body(%arg0: i32, %arg1: memref<2x1024x128xf32, #tpu.memory_space<vmem>>, %arg2: memref<1024x128xf32, #tpu.memory_space<vmem>>, %arg3: memref<1024x1xf32, #tpu.memory_space<vmem>>, %arg4: memref<1x128xf32, #tpu.memory_space<vmem>>, %arg5: memref<1024x128xf32, #tpu.memory_space<vmem>>, %arg6: memref<1024x128xf32, #tpu.memory_space<vmem>>, %arg7: memref<1x128xf32, #tpu.memory_space<vmem>>, %arg8: memref<128x64xf32, #tpu.memory_space<vmem>>, %arg9: memref<1x64xf32, #tpu.memory_space<vmem>>, %arg10: memref<1024x64xf32, #tpu.memory_space<vmem>>, %arg11: memref<1024x128xf32, #tpu.memory_space<vmem>>) attributes {dimension_semantics = [#tpu.dimension_semantics<arbitrary>], iteration_bounds = array<i64: 10>, scalar_prefetch = 0 : i64, scratch_operands = 0 : i64, tpu.core_type = #tpu.core_type<tc>, window_params = [{transform_indices = @transform_0, window_bounds = array<i64: 2, 1024, 128>}, {transform_indices = @transform_1, window_bounds = array<i64: 1024, 128>}, {transform_indices = @transform_2, window_bounds = array<i64: 1024, 1>}, {pipeline_mode = #tpu.pipeline_mode<synchronous>, transform_indices = @transform_3, window_bounds = array<i64: 1, 128>}, {transform_indices = @transform_4, window_bounds = array<i64: 1024, 128>}, {transform_indices = @transform_5, window_bounds = array<i64: 1024, 128>}, {pipeline_mode = #tpu.pipeline_mode<synchronous>, transform_indices = @transform_6, window_bounds = array<i64: 1, 128>}, {pipeline_mode = #tpu.pipeline_mode<synchronous>, transform_indices = @transform_7, window_bounds = array<i64: 128, 64>}, {pipeline_mode = #tpu.pipeline_mode<synchronous>, transform_indices = @transform_8, window_bounds = array<i64: 1, 64>}, {transform_indices = @transform_9, window_bounds = array<i64: 1024, 64>}, {transform_indices = @transform_10, window_bounds = array<i64: 1024, 128>}]} {
    %get3A = arith.constant 0 : index
    %get3A_0 = arith.constant 0 : index
    %get3A_1 = vector.load %arg3[%get3A, %get3A_0] : memref<1024x1xf32, #tpu.memory_space<vmem>>, vector<1024x1xf32>
    %get3A_2 = arith.constant 0 : index
    %get3A_3 = arith.constant 0 : index
    %get3A_4 = arith.constant 0 : index
    %get3A_5 = vector.load %arg1[%get3A_2, %get3A_3, %get3A_4] : memref<2x1024x128xf32, #tpu.memory_space<vmem>>, vector<1x1024x128xf32>
    %get3A_6 = vector.shape_cast %get3A_5 : vector<1x1024x128xf32> to vector<1024x128xf32>
    %get3A_7 = arith.constant 1 : index
    %get3A_8 = arith.constant 0 : index
    %get3A_9 = arith.constant 0 : index
    %get3A_10 = vector.load %arg1[%get3A_7, %get3A_8, %get3A_9] : memref<2x1024x128xf32, #tpu.memory_space<vmem>>, vector<1x1024x128xf32>
    %get3A_11 = vector.shape_cast %get3A_10 : vector<1x1024x128xf32> to vector<1024x128xf32>
    %add3A = arith.addf %get3A_6, %get3A_11 : vector<1024x128xf32>
    %get3A_12 = arith.constant 0 : index
    %get3A_13 = arith.constant 0 : index
    %get3A_14 = vector.load %arg2[%get3A_12, %get3A_13] : memref<1024x128xf32, #tpu.memory_space<vmem>>, vector<1024x128xf32>
    %add3A_15 = arith.addf %add3A, %get3A_14 : vector<1024x128xf32>
    %mul3A = vector.broadcast %get3A_1 : vector<1024x1xf32> to vector<1024x128xf32>
    %mul3A_16 = arith.mulf %mul3A, %add3A_15 : vector<1024x128xf32>
    %get3A_17 = arith.constant 0 : index
    %get3A_18 = arith.constant 0 : index
    %get3A_19 = vector.load %arg4[%get3A_17, %get3A_18] : memref<1x128xf32, #tpu.memory_space<vmem>>, vector<1x128xf32>
    %add3A_20 = vector.broadcast %get3A_19 : vector<1x128xf32> to vector<1024x128xf32>
    %add3A_21 = arith.addf %mul3A_16, %add3A_20 : vector<1024x128xf32>
    %max3A = arith.constant 0.000000e+00 : f32
    %max3A_22 = vector.broadcast %max3A : f32 to vector<1024x128xf32>
    %max3A_23 = arith.maximumf %add3A_21, %max3A_22 : vector<1024x128xf32>
    %get3A_24 = arith.constant 0 : index
    %get3A_25 = arith.constant 0 : index
    %get3A_26 = vector.load %arg5[%get3A_24, %get3A_25] : memref<1024x128xf32, #tpu.memory_space<vmem>>, vector<1024x128xf32>
    %get3A_27 = arith.constant 0 : index
    %get3A_28 = arith.constant 0 : index
    %get3A_29 = vector.load %arg6[%get3A_27, %get3A_28] : memref<1024x128xf32, #tpu.memory_space<vmem>>, vector<1024x128xf32>
    %get3A_30 = arith.constant 0 : index
    %get3A_31 = arith.constant 0 : index
    %get3A_32 = vector.load %arg7[%get3A_30, %get3A_31] : memref<1x128xf32, #tpu.memory_space<vmem>>, vector<1x128xf32>
    %mul3A_33 = vector.broadcast %get3A_32 : vector<1x128xf32> to vector<1024x128xf32>
    %mul3A_34 = arith.mulf %get3A_26, %mul3A_33 : vector<1024x128xf32>
    %reduce_sum3A = arith.constant dense<0.000000e+00> : vector<1024xf32>
    %reduce_sum3A_35 = vector.multi_reduction <add>, %mul3A_34, %reduce_sum3A [1] : vector<1024x128xf32> to vector<1024xf32>
    %broadcast_in_dim3A = vector.shape_cast %reduce_sum3A_35 : vector<1024xf32> to vector<1024x1xf32>
    %mul3A_36 = vector.broadcast %get3A_32 : vector<1x128xf32> to vector<1024x128xf32>
    %mul3A_37 = arith.mulf %get3A_29, %mul3A_36 : vector<1024x128xf32>
    %reduce_sum3A_38 = arith.constant dense<0.000000e+00> : vector<1024xf32>
    %reduce_sum3A_39 = vector.multi_reduction <add>, %mul3A_37, %reduce_sum3A_38 [1] : vector<1024x128xf32> to vector<1024xf32>
    %broadcast_in_dim3A_40 = vector.shape_cast %reduce_sum3A_39 : vector<1024xf32> to vector<1024x1xf32>
    %mul3A_41 = vector.broadcast %get3A_32 : vector<1x128xf32> to vector<1024x128xf32>
    %mul3A_42 = arith.mulf %max3A_23, %mul3A_41 : vector<1024x128xf32>
    %reduce_sum3A_43 = arith.constant dense<0.000000e+00> : vector<1024xf32>
    %reduce_sum3A_44 = vector.multi_reduction <add>, %mul3A_42, %reduce_sum3A_43 [1] : vector<1024x128xf32> to vector<1024xf32>
    %broadcast_in_dim3A_45 = vector.shape_cast %reduce_sum3A_44 : vector<1024xf32> to vector<1024x1xf32>
    %max3A_46 = arith.maximumf %broadcast_in_dim3A, %broadcast_in_dim3A_40 : vector<1024x1xf32>
    %max3A_47 = arith.maximumf %max3A_46, %broadcast_in_dim3A_45 : vector<1024x1xf32>
    %sub3A = arith.subf %broadcast_in_dim3A, %max3A_47 : vector<1024x1xf32>
    %exp3A = math.exp %sub3A : vector<1024x1xf32>
    %sub3A_48 = arith.subf %broadcast_in_dim3A_40, %max3A_47 : vector<1024x1xf32>
    %exp3A_49 = math.exp %sub3A_48 : vector<1024x1xf32>
    %sub3A_50 = arith.subf %broadcast_in_dim3A_45, %max3A_47 : vector<1024x1xf32>
    %exp3A_51 = math.exp %sub3A_50 : vector<1024x1xf32>
    %add3A_52 = arith.addf %exp3A, %exp3A_49 : vector<1024x1xf32>
    %add3A_53 = arith.addf %add3A_52, %exp3A_51 : vector<1024x1xf32>
    %div3A = arith.divf %exp3A, %add3A_53 : vector<1024x1xf32>
    %div3A_54 = arith.divf %exp3A_49, %add3A_53 : vector<1024x1xf32>
    %div3A_55 = arith.divf %exp3A_51, %add3A_53 : vector<1024x1xf32>
    %mul3A_56 = vector.broadcast %div3A : vector<1024x1xf32> to vector<1024x128xf32>
    %mul3A_57 = arith.mulf %mul3A_56, %get3A_26 : vector<1024x128xf32>
    %mul3A_58 = vector.broadcast %div3A_54 : vector<1024x1xf32> to vector<1024x128xf32>
    %mul3A_59 = arith.mulf %mul3A_58, %get3A_29 : vector<1024x128xf32>
    %add3A_60 = arith.addf %mul3A_57, %mul3A_59 : vector<1024x128xf32>
    %mul3A_61 = vector.broadcast %div3A_55 : vector<1024x1xf32> to vector<1024x128xf32>
    %mul3A_62 = arith.mulf %mul3A_61, %max3A_23 : vector<1024x128xf32>
    %add3A_63 = arith.addf %add3A_60, %mul3A_62 : vector<1024x128xf32>
    %get3A_64 = arith.constant 0 : index
    %get3A_65 = arith.constant 0 : index
    %get3A_66 = vector.load %arg8[%get3A_64, %get3A_65] : memref<128x64xf32, #tpu.memory_space<vmem>>, vector<128x64xf32>
    %dot_general3A = arith.constant dense<0.000000e+00> : vector<1024x64xf32>
    %dot_general3A_67 = tpu.matmul %add3A_63, %get3A_66, %dot_general3A {dimension_numbers = #tpu.dot_dimension_numbers<[1], [0], [0], [1], [0, 0, 1, 1], [], []>, transpose_lhs_hint = false} : vector<1024x128xf32>, vector<128x64xf32>, vector<1024x64xf32> -> vector<1024x64xf32>
    %get3A_68 = arith.constant 0 : index
    %get3A_69 = arith.constant 0 : index
    %get3A_70 = vector.load %arg9[%get3A_68, %get3A_69] : memref<1x64xf32, #tpu.memory_space<vmem>>, vector<1x64xf32>
    %add3A_71 = vector.broadcast %get3A_70 : vector<1x64xf32> to vector<1024x64xf32>
    %add3A_72 = arith.addf %dot_general3A_67, %add3A_71 : vector<1024x64xf32>
    %swap3A = arith.constant 0 : index
    %swap3A_73 = arith.constant 0 : index
    %swap3A_74 = vector.load %arg10[%swap3A, %swap3A_73] : memref<1024x64xf32, #tpu.memory_space<vmem>>, vector<1024x64xf32>
    tpu.vector_store %arg10[%swap3A, %swap3A_73], %add3A_72 {strides = array<i32>} : memref<1024x64xf32, #tpu.memory_space<vmem>>, vector<1024x64xf32>,
    %iota3A = tpu.iota {dimensions = array<i32: 1>} : vector<1024x128xi32>
    %eq3A = arith.constant 0 : i32
    %eq3A_75 = vector.broadcast %eq3A : i32 to vector<1024x128xi32>
    %eq3A_76 = arith.cmpi eq, %iota3A, %eq3A_75 : vector<1024x128xi32>
    %eq3A_77 = arith.constant 1 : i32
    %eq3A_78 = vector.broadcast %eq3A_77 : i32 to vector<1024x128xi32>
    %eq3A_79 = arith.cmpi eq, %iota3A, %eq3A_78 : vector<1024x128xi32>
    %eq3A_80 = arith.constant 2 : i32
    %eq3A_81 = vector.broadcast %eq3A_80 : i32 to vector<1024x128xi32>
    %eq3A_82 = arith.cmpi eq, %iota3A, %eq3A_81 : vector<1024x128xi32>
    %jit3A = arith.constant 0.000000e+00 : f32
    %broadcast_in_dim3A_83 = vector.shape_cast %div3A_55 : vector<1024x1xf32> to vector<1024x1xf32>
    %broadcast_in_dim3A_84 = vector.broadcast %broadcast_in_dim3A_83 : vector<1024x1xf32> to vector<1024x128xf32>
    %broadcast_in_dim3A_85 = vector.broadcast %jit3A : f32 to vector<1024x128xf32>
    %select_n3A = arith.select %eq3A_82, %broadcast_in_dim3A_84, %broadcast_in_dim3A_85 : vector<1024x128xi1>, vector<1024x128xf32>
    %broadcast_in_dim3A_86 = vector.shape_cast %div3A_54 : vector<1024x1xf32> to vector<1024x1xf32>
    %broadcast_in_dim3A_87 = vector.broadcast %broadcast_in_dim3A_86 : vector<1024x1xf32> to vector<1024x128xf32>
    %select_n3A_88 = arith.select %eq3A_79, %broadcast_in_dim3A_87, %select_n3A : vector<1024x128xi1>, vector<1024x128xf32>
    %broadcast_in_dim3A_89 = vector.shape_cast %div3A : vector<1024x1xf32> to vector<1024x1xf32>
    %broadcast_in_dim3A_90 = vector.broadcast %broadcast_in_dim3A_89 : vector<1024x1xf32> to vector<1024x128xf32>
    %select_n3A_91 = arith.select %eq3A_76, %broadcast_in_dim3A_90, %select_n3A_88 : vector<1024x128xi1>, vector<1024x128xf32>
    %swap3A_92 = arith.constant 0 : index
    %swap3A_93 = arith.constant 0 : index
    %swap3A_94 = vector.load %arg11[%swap3A_92, %swap3A_93] : memref<1024x128xf32, #tpu.memory_space<vmem>>, vector<1024x128xf32>
    tpu.vector_store %arg11[%swap3A_92, %swap3A_93], %select_n3A_91 {strides = array<i32>} : memref<1024x128xf32, #tpu.memory_space<vmem>>, vector<1024x128xf32>,
    return
  }
  func.func @transform_0(%arg0: i32) -> (i32, i32, i32) {
    %c0_i32 = arith.constant 0 : i32
    %c0_i32_0 = arith.constant 0 : i32
    %c0_i32_1 = arith.constant 0 : i32
    return %c0_i32, %arg0, %c0_i32_0 : i32, i32, i32
  }
  func.func @transform_1(%arg0: i32) -> (i32, i32) {
    %c0_i32 = arith.constant 0 : i32
    %c0_i32_0 = arith.constant 0 : i32
    return %arg0, %c0_i32 : i32, i32
  }
  func.func @transform_2(%arg0: i32) -> (i32, i32) {
    %c0_i32 = arith.constant 0 : i32
    %c0_i32_0 = arith.constant 0 : i32
    return %arg0, %c0_i32 : i32, i32
  }
  func.func @transform_3(%arg0: i32) -> (i32, i32) {
    %c0_i32 = arith.constant 0 : i32
    %c0_i32_0 = arith.constant 0 : i32
    %c0_i32_1 = arith.constant 0 : i32
    return %c0_i32, %c0_i32_0 : i32, i32
  }
  func.func @transform_4(%arg0: i32) -> (i32, i32) {
    %c0_i32 = arith.constant 0 : i32
    %c0_i32_0 = arith.constant 0 : i32
    return %arg0, %c0_i32 : i32, i32
  }
  func.func @transform_5(%arg0: i32) -> (i32, i32) {
    %c0_i32 = arith.constant 0 : i32
    %c0_i32_0 = arith.constant 0 : i32
    return %arg0, %c0_i32 : i32, i32
  }
  func.func @transform_6(%arg0: i32) -> (i32, i32) {
    %c0_i32 = arith.constant 0 : i32
    %c0_i32_0 = arith.constant 0 : i32
    %c0_i32_1 = arith.constant 0 : i32
    return %c0_i32, %c0_i32_0 : i32, i32
  }
  func.func @transform_7(%arg0: i32) -> (i32, i32) {
    %c0_i32 = arith.constant 0 : i32
    %c0_i32_0 = arith.constant 0 : i32
    %c0_i32_1 = arith.constant 0 : i32
    return %c0_i32, %c0_i32_0 : i32, i32
  }
  func.func @transform_8(%arg0: i32) -> (i32, i32) {
    %c0_i32 = arith.constant 0 : i32
    %c0_i32_0 = arith.constant 0 : i32
    %c0_i32_1 = arith.constant 0 : i32
    return %c0_i32, %c0_i32_0 : i32, i32
  }
  func.func @transform_9(%arg0: i32) -> (i32, i32) {
    %c0_i32 = arith.constant 0 : i32
    %c0_i32_0 = arith.constant 0 : i32
    return %arg0, %c0_i32 : i32, i32
  }
  func.func @transform_10(%arg0: i32) -> (i32, i32) {
    %c0_i32 = arith.constant 0 : i32
    %c0_i32_0 = arith.constant 0 : i32
    return %arg0, %c0_i32 : i32, i32
  }
}

</mosaic_0001>

<sc_bundles>
// kernel: kernel.10.cloned.1.call-start
scs
__scs_entry_jumppad:
0x0: {  	(pc) =	sbr.rel $0x88, $3  }
0x1: {  	(tag) =	ssettag $0x0;
	lr =	simm.s32 $0x1  }
0x2: {  	[smem:$0x3F96] =	sst lr;
	_ =	strace $0xD0000000  }
0x3: {  	_ = 	snop  }
0x4: {  	_ = 	snop  }
0x5: {  	_ = 	snop  }
0x6: {  	_ = 	snop  }
0x7: {  	_ = 	snop  }
__scs_overlays_trampoline_lowered:
0x8: {  	[smem:$0x3FA5] =	sst s0  }
0x9: {  	[smem:$0x3FA6] =	sst s1  }
0xa: {  	[smem:$0x3FA7] =	sst s2  }
0xb: {  	[smem:$0x3FA8] =	sst s3  }
0xc: {  	[smem:$0x3FA9] =	sst s4  }
0xd: {  	[smem:$0x3FAA] =	sst s5  }
0xe: {  	[smem:$0x3FAB] =	sst s6  }
0xf: {  	[smem:$0x3FAC] =	sst s7  }
0x10: {  	[smem:$0x3FAD] =	sst s8  }
0x11: {  	[smem:$0x3FAE] =	sst s9;
	s0 =	simm.s32 @!p0 $0x0  }
0x12: {  	s1 =	sld [smem:$0x3F94];
	s0 =	simm.s32 @p0 $0x1  }
0x13: {  	[smem:$0x3FAF] =	sst s0;
	s0 =	simm.s32 @!p1 $0x0  }
0x14: {  	s2 =	sld [smem:$0x3F93];
	s0 =	simm.s32 @p1 $0x1  }
0x15: {  	[smem:$0x3FB0] =	sst s0;
	s0 =	simm.s32 @!p2 $0x0  }
0x16: {  	s3 =	sld [smem:$0x3FDB];
	s0 =	simm.s32 @p2 $0x1  }
0x17: {  	s4 =	simm.s32 $0x1BF5;
	[smem:$0x3FB2] =	sst s0  }
0x18: {  	s0 =	sld [smem:$0x3F95];
	_ =	swait.ge [sflag:s4], $0x0  }
0x19: {  	s7 =	sld [smem:$0x3F96]  }
0x1a: {  	s8 =	sadd.s32 $0xFFFFE003, lr  }
0x1b: {  	s9 =	sadd.s32 $0xFFFFFEF7, lr;
	s5 =	simm.s32 $0xFFFFFFFF;
	p2 =	slt.u32 s8, $0xFFFFF086  }
0x1c: {  	p1 =	slt.u32 s9, $0xF7A;
	s5 =	simm.s32 @!p2 $0x0  }
0x1d: {  	s5 =	simm.s32 @p1 $0x1;
	p0 =	seq.s32 s7, s2  }
0x1e: {  	s7 =	smul.u32 @!p0 $0xF7A, s2;
	p2 =	seq.s32 @!p0 s5, $0x0  }
0x1f: {  	s9 =	smul.u32 $0xF7A, s1;
	s8 =	simm.s32 @!p0 $0x1BF5;
	p2 =	por !p2, p0  }
0x20: {  	[sflag:s8] =	ssyncset.s32 @!p0 $0xFFFFF086;
	s6 =	sadd.s32 @!p0 s3, s7;
	s7 =	simm.s32 @!p0 $0x108  }
0x21: {  	s3 =	sadd.s32 s3, s9;
	s6 =	sadd.s32 @!p0 $0x88, s6;
	s7 =	simm.s32 @p2 $0x1082  }
0x22: {  	[simem:s7], [sflag:s8] =	dma.local @!p0 [hbm:s6], $0xF7A  }
0x23: {  	s9 =	sor.u32 $0xD0000000, s2;
	s6 =	simm.s32 $0x108;
	_ =	swait.ge @!p0 [sflag:s8], $0x0  }
0x24: {  	s3 =	sadd.s32 $0x88, s3;
	s6 =	simm.s32 @!p1 $0x1082;
	[sflag:s4] =	ssyncset.s32 $0xFFFFF086  }
0x25: {  	[simem:s6], [sflag:s4] =	dma.local [hbm:s3], $0xF7A  }
0x26: {  	[smem:$0x3F96] =	sst s1;
	(tag) =	ssettag s2;
	_ =	strace s9  }
0x27: {  	s1 =	sld [smem:$0x3FA6]  }
0x28: {  	s2 =	sld [smem:$0x3FA7]  }
0x29: {  	s4 =	sld [smem:$0x3FA9]  }
0x2a: {  	p0 =	seq.s32 s5, $0x0;
	s5 =	sld [smem:$0x3FAA]  }
0x2b: {  	s6 =	sld [smem:$0x3FAB]  }
0x2c: {  	s7 =	sld [smem:$0x3FAC]  }
0x2d: {  	s3 =	simm.s32 $0x108;
	s8 =	sld [smem:$0x3FAD]  }
0x2e: {  	s3 =	simm.s32 @!p0 $0x1082;
	s9 =	sld [smem:$0x3FAE]  }
0x2f: {  	lr =	sadd.s32 s0, s3;
	s0 =	sld [smem:$0x3FA5]  }
0x30: {  	s3 =	sld [smem:$0x3FA8]  }
0x31: {  	[smem:$0x3FB1] =	sst s10  }
0x32: {  	s10 =	sld [smem:$0x3FAF];
	_ =	sdelay $0x3  }
0x33: {  	p0 =	seq.s32 s10, $0x1;
	s10 =	sld [smem:$0x3FB1];
	_ =	sdelay $0x3  }
0x34: {  	[smem:$0x3FB1] =	sst s10  }
0x35: {  	s10 =	sld [smem:$0x3FB0];
	_ =	sdelay $0x3  }
0x36: {  	p1 =	seq.s32 s10, $0x1;
	s10 =	sld [smem:$0x3FB1];
	_ =	sdelay $0x3  }
0x37: {  	[smem:$0x3FB1] =	sst s10  }
0x38: {  	s10 =	sld [smem:$0x3FB2]  }
0x39: {  	_ = 	snop;
	(pc) =	sbr.ind lr, $3  }
0x3a: {  	_ = 	snop  }
0x3b: {  	_ = 	snop  }
0x3c: {  	p2 =	seq.s32 s10, $0x1;
	s10 =	sld [smem:$0x3FB1]  }
0x3d: {  	_ =	shalt  }
0x3e: {  	_ =	shalt  }
0x3f: {  	_ =	shalt  }
0x40: {  	_ =	shalt  }
0x41: {  	_ =	shalt  }
0x42: {  	_ =	shalt  }
0x43: {  	_ =	shalt  }
0x44: {  	_ =	shalt  }
0x45: {  	_ =	shalt  }
0x46: {  	_ =	shalt  }
0x47: {  	_ =	shalt  }
0x48: {  	_ =	shalt  }
0x49: {  	_ =	shalt  }
0x4a: {  	_ =	shalt  }
0x4b: {  	_ =	shalt  }
0x4c: {  	_ =	shalt  }
0x4d: {  	_ =	shalt  }
0x4e: {  	_ =	shalt  }
0x4f: {  	_ =	shalt  }
0x50: {  	_ =	shalt  }
0x51: {  	_ =	shalt  }
0x52: {  	_ =	shalt  }
0x53: {  	_ =	shalt  }
0x54: {  	_ =	shalt  }
0x55: {  	_ =	shalt  }
0x56: {  	_ =	shalt  }
0x57: {  	_ =	shalt  }
0x58: {  	_ =	shalt  }
0x59: {  	_ =	shalt  }
0x5a: {  	_ =	shalt  }
0x5b: {  	_ =	shalt  }
0x5c: {  	_ =	shalt  }
0x5d: {  	_ =	shalt  }
0x5e: {  	_ =	shalt  }
0x5f: {  	_ =	shalt  }
0x60: {  	_ =	shalt  }
0x61: {  	_ =	shalt  }
0x62: {  	_ =	shalt  }
0x63: {  	_ =	shalt  }
0x64: {  	_ =	shalt  }
0x65: {  	_ =	shalt  }
0x66: {  	_ =	shalt  }
0x67: {  	_ =	shalt  }
0x68: {  	_ =	shalt  }
0x69: {  	_ =	shalt  }
0x6a: {  	_ =	shalt  }
0x6b: {  	_ =	shalt  }
0x6c: {  	_ =	shalt  }
0x6d: {  	_ =	shalt  }
0x6e: {  	_ =	shalt  }
0x6f: {  	_ =	shalt  }
0x70: {  	_ =	shalt  }
0x71: {  	_ =	shalt  }
0x72: {  	_ =	shalt  }
0x73: {  	_ =	shalt  }
0x74: {  	_ =	shalt  }
0x75: {  	_ =	shalt  }
0x76: {  	_ =	shalt  }
0x77: {  	_ =	shalt  }
0x78: {  	_ =	shalt  }
0x79: {  	_ =	shalt  }
0x7a: {  	_ =	shalt  }
0x7b: {  	_ =	shalt  }
0x7c: {  	_ =	shalt  }
0x7d: {  	_ =	shalt  }
0x7e: {  	_ =	shalt  }
0x7f: {  	_ =	shalt  }
0x80: {  	_ =	shalt  }
0x81: {  	_ =	shalt  }
0x82: {  	_ =	shalt  }
0x83: {  	_ =	shalt  }
0x84: {  	_ =	shalt  }
0x85: {  	_ =	shalt  }
0x86: {  	_ =	shalt  }
0x87: {  	_ =	shalt  }
.Lfunc_end0:
.L_simem_size_0:
called_computation_lowered:
.L_overlay_start_0:
0x88: {  	s2 =	sld [smem:$0x3FD9]  }
0x89: {  	s3 =	sld [smem:$0x3FFE];
	_ =	sdelay $0x1  }
0x8a: {  	s1 =	srdreg.scid  }
0x8b: {  	s0 =	sand.u32 $0x1, s1  }
0x8c: {  	s14 =	sshll.u32 s0, $0xA;
	s2 =	sadd.s32 s3, s2  }
0x8d: {  	s2 =	sadd.s32 s2, s14  }
0x8e: {  	[smem:$0x3FBD] =	sst s2  }
0x8f: {  	_ = 	snop  }
0x90: {  	s2 =	sld [smem:$0x3FD0];
	_ =	sdelay $0x2  }
0x91: {  	s15 =	simm.s32 $0xA;
	s4 =	simm.s32 $0x10  }
0x92: {  	[smem:s4], [sflag:s15] =	dma.local [hbm:s2], $0x1  }
0x93: {  	_ =	swait.eq [sflag:s15], $0x1  }
0x94: {  	[sflag:s15] =	ssyncset.done $0x0  }
0x95: {  	[sflag:s15] =	ssyncadd.s32 $0xFFFFFFFF  }
0x96: {  	s16 =	sld [smem:$0x11];
	(tm) =	ssettm $0x1  }
0x97: {  	s17 =	sld [smem:$0x3FFB];
	_ =	sdelay $0x3  }
0x98: {  	_ =	strace s17  }
0x99: {  	s3 =	sld [smem:$0x3FFC];
	_ =	sdelay $0x3  }
0x9a: {  	_ =	strace s3  }
0x9b: {  	s3 =	sld [smem:$0x3FFD];
	_ =	sdelay $0x3  }
0x9c: {  	_ =	strace s3  }
0x9d: {  	_ =	strace $0x8FFFFFFF  }
0x9e: {  	s18 =	sld [smem:$0x3FDB];
	_ =	sdelay $0x1  }
0x9f: {  	s19 =	simm.s32 $_scs_section_size  }
0xa0: {  	s5 =	simm.s32 $_size__tile_overlayer_lowered;
	s6 =	simm.s32 $_tile_overlayer_lowered  }
0xa1: {  	s22 =	simm.s32 $0x1BFF;
	s21 =	sshll.u32 s6, $0x1;
	s3 =	sadd.s32 s19, s18  }
0xa2: {  	s7 =	simm.s32 $0x0;
	s20 =	sshll.u32 s5, $0x1;
	s5 =	sadd.s32 s21, s3  }
0xa3: {  	[timem:s7], [sflag:s22] =	dma.local [hbm:s5], s20  }
0xa4: {  	_ =	swait.ge [sflag:s22], s20  }
0xa5: {  	s4 =	ssub.s32 $0x0, s20;
	[sflag:s22] =	ssyncset.done $0x0  }
0xa6: {  	[sflag:s22] =	ssyncadd.s32 s4;
	_ =	sdelay $0x1  }
0xa7: {  	s23 =	simm.s32 $0x1B8B  }
0xa8: {  	_ =	swait.ge [sflag:s23], $0x1  }
0xa9: {  	[sflag:s23] =	ssyncset.done $0x0  }
0xaa: {  	s25 =	simm.s32 $0x1B8E;
	s24 =	sld [smem:$0x3FFE];
	[sflag:s23] =	ssyncadd.s32 $0xFFFFFFFF  }
0xab: {  	s26 =	simm.s32 $execute0_lowered;
	[smem:$0x3FD2] =	sst s25  }
0xac: {  	s5 =	sshll.u32 s26, $0x1;
	_ =	strace $0x80000046;
	[dreg:$0x1] =	wrdreg $0xFFFFFFFF  }
0xad: {  	s28 =	simm.s32 $_size_execute0_lowered;
	s3 =	sadd.s32 s3, s5;
	[dreg:$0x0] =	wrdreg $0x0  }
0xae: {  	s5 =	sshll.u32 s28, $0x1;
	[dreg:$0x2] =	wrdreg s3  }
0xaf: {  	[dreg:$0x3] =	wrdreg s5  }
0xb0: {  	[dreg:$0x4] =	wrdreg $0xC0  }
0xb1: {  	_ =	task [dreg:s7], $0x5FFFF  }
0xb2: {  	[dreg:$0x1] =	wrdreg $0xFFFFFFFF  }
0xb3: {  	[dreg:$0x0] =	wrdreg $0x60  }
0xb4: {  	[dreg:$0x2] =	wrdreg s24  }
0xb5: {  	[dreg:$0x3] =	wrdreg s16  }
0xb6: {  	[dreg:$0x4] =	wrdreg $0x2800  }
0xb7: {  	[dreg:$0x5] =	wrdreg $0x9  }
0xb8: {  	_ =	task.clear_ibuf [dreg:s7], $0x6FFFF;
	_ =	strace $0x90000046  }
0xb9: {  	s29 =	simm.s32 $0x9;
	_ =	strace $0x80000048  }
0xba: {  	_ =	swait.ge [sflag:s29], $0x1  }
0xbb: {  	[sflag:s29] =	ssyncadd.s32 $0xFFFFFFFF  }
0xbc: {  	_ =	strace $0x90000048  }
0xbd: {  	_ =	sfence  }
0xbe: {  	s30 =	sld [smem:$0x0];
	_ =	sdelay $0x2  }
0xbf: {  	s31 =	sshll.u32 s1, $0xD;
	s1 =	sshrl.u32 s1, $0x2  }
0xc0: {  	s3 =	sand.u32 $0x4000, s31;
	s1 =	sadd.s32 s1, s30  }
0xc1: {  	s0 =	sor.u32 s3, s0;
	s1 =	sshll.u32 s1, $0x11  }
0xc2: {  	s0 =	sor.u32 s1, s0  }
0xc3: {  	s0 =	sadd.s32 $0x8F2B, s0  }
0xc4: {  	[sflag:s0] =	ssyncadd.remote.s32 $0x1  }
0xc5: {  	_ =	sfence.sel $0xFFFF  }
0xc6: {  	[dreg:$0x0] =	wrdreg $0xFFFFFFFF;
	(pc) =	sbr.abs _section_cstart, $3  }
0xc7: {  	[dreg:$0x1] =	wrdreg $0xFFFFFFFF  }
0xc8: {  	_ =	task.clear_ibuf [dreg:s7], $0x2FFFF;
	_ =	strace $0x9FFFFFFF  }
0xc9: {  	(tm) =	ssettm $0x7FFFFFFF  }
tec
execute0_lowered:
.L_overlay_start_1:
0x0: {  	(tag) =	ssettag $0x1  }
0x1: {  	s0 =	rddreg [dreg:$0x0]  }
0x2: {  	s2 =	rddreg [dreg:$0x1]  }
0x3: {  	s1 =	rddreg [dreg:$0x2]  }
0x4: {  	s3 =	simm.s32 $0x0;
	s13 =	stileid.u32;
	s4 =	srdreg.scid  }
0x5: {  	s16 =	simm.s32 $0x9;
	s17 =	simm.s32 $0x80;
	s19 =	simm.s32 $0x1  }
0x6: {  	s20 =	simm.s32 $0x50;
	s21 =	simm.s32 $0x180;
	s28 =	simm.s32 $0x0  }
0x7: {  	[smem:$0x7FF] =	sst s3;
	s7 =	smul.u32 $0x280, s13;
	s9 =	sand.u32 $0x1, s4  }
0x8: {  	s6 =	sshll.u32 s13, $0x1;
	s4 =	sadd.s32 $0x3800, s0;
	s11 =	smul.u32 $0x500, s13  }
0x9: {  	s5 =	sadd.s32 $0xDC00, s0;
	s23 =	smul.u32 $0x4E20, s13;
	s24 =	sshll.u32 s13, $0x6  }
0xa: {  	_ =	strace $0x80000047;
	s6 =	sor.u32 s9, s6;
	s10 =	ssub.s32 $0x2, s9  }
0xb: {  	s25 =	smul.u32 $0x2710, s9;
	s14 =	sshll.u32 s9, $0x7;
	s8 =	sshrl.u32 s7, $0x3  }
0xc: {  	s6 =	smul.u32 $0x2710, s6;
	s22 =	sshrl.u32 s10, $0x1;
	s15 =	sadd.s32 s7, s1  }
0xd: {  	s29 =	sor.u32 s14, s11;
	s0 =	sadd.s32 s8, s0;
	s12 =	ssub.s32 s10, s22  }
0xe: {  	s8 =	sor.u32 $0x1C09, s24;
	s30 =	sadd.s32 s25, s23;
	s15 =	sshrl.u32 s15, $0x3  }
.Ltmp0:
0xf: {  	s22 =	simm.s32 $0x3;
	s23 =	simm.s32 $0x5;
	(pc) =	sbr.rel .LBB2_1-.Ltmp0, $4  }
0x10: {  	s24 =	simm.s32 $0x8;
	s7 =	sadd.s32 $0xD600, s0;
	s26 =	sshrl.u32 s6, $0x3  }
0x11: {  	s0 =	sshrl.u32 s29, $0x3;
	s13 =	sadd.s32 $0x190, s30;
	s12 =	smax.u32 s12, $0x1  }
0x12: {  	s14 =	sadd.s32 $0x140, s30;
	s9 =	sadd.s32 s4, s26;
	s31 =	sshrl.u32 s13, $0x3  }
0x13: {  	s11 =	sadd.s32 s2, s0;
	s10 =	sadd.s32 $0xA, s9;
	s13 =	sadd.s32 s31, s4  }
.LBB2_8:
0x14: {  	_ =	swait.ge [sflag:s24], $0x50  }
0x15: {  	[sflag:s24] =	ssyncset.done $0x0  }
0x16: {  	[sflag:s24] =	ssyncadd.s32 $0xFFFFFFB0  }
0x17: {  	_ =	swait.ge [sflag:s23], $0x50  }
0x18: {  	s28 =	sadd.s32 $0x1, s28;
	[sflag:s23] =	ssyncset.done $0x0  }
0x19: {  	s0 =	simm.s32 $0x20;
	p0 =	sne.s32 s28, s12;
	[sflag:s23] =	ssyncadd.s32 $0xFFFFFFB0  }
.Ltmp1:
0x1a: {  	s2 =	simm.s32 $0x10;
	[bflag:$0x0] =	sbarrier.arrive $0xFFFF;
	(pc) =	sbr.rel @!p0 .LBB2_9-.Ltmp1, $4  }
0x1b: {  	[hbm:s11@s0], [sflag:s8] =	dma.strided [spmem:s15@s2], $0x50, s19, $0x10   }
0x1c: {  	_ =	swait.ge [sflag:s16], $0x50  }
0x1d: {  	[sflag:s16] =	ssyncset.done $0x0  }
0x1e: {  	[sflag:s16] =	ssyncadd.s32 $0xFFFFFFB0  }
.LBB2_1:
0x1f: {  	[spmem:s15], [sflag:s8] =	dma.local [hbm:s7], $0x50  }
0x20: {  	_ =	swait.ge [sflag:s16], $0x50  }
0x21: {  	[sflag:s16] =	ssyncset.done $0x0  }
0x22: {  	[sflag:s16] =	ssyncadd.s32 $0xFFFFFFB0  }
0x23: {  	[tilespmem:s3], [sflag:$0x9] =	stream.linear.gather [hbm4b:s5+s3], $0x80, $0x38;
	[tilespmem:$0x500] =	vst v63  }
0x24: {  	_ =	swait.ge [sflag:s16], $0x80  }
0x25: {  	[sflag:s16] =	ssyncset.done $0x0  }
0x26: {  	[sflag:s16] =	ssyncadd.s32 $0xFFFFFF80  }
.Ltmp2:
0x27: {  	[bflag:$0x0] =	sbarrier.arrive $0xFFFF;
	(pc) =	sbr.rel .LBB2_2-.Ltmp2, $4  }
0x28: {  	[tilespmem:s17], [sflag:$0x1] =	stream.linear.gather [hbm4b:s9+s3], $0x50, $0x38;
	[tilespmem:$0x500] =	vst v63  }
0x29: {  	s0 =	simm.s32 $0x100;
	s29 =	simm.s32 $0x2  }
0x2a: {  	[tilespmem:s0], [sflag:$0x2] =	stream.linear.gather [hbm4b:s10+s3], $0x50, $0x38;
	[tilespmem:$0x500] =	vst v63  }
0x2b: {  	s30 =	simm.s32 $0x0;
	s31 =	smov.u32 s13;
	s0 =	simm.s32 $0x0  }
.LBB2_7:
0x2c: {  	s26 =	simm.s32 @!p0 $0x4  }
0x2d: {  	_ =	swait.ge @!p0 [sflag:s26], $0x50  }
0x2e: {  	[sflag:s26] =	ssyncset.done @!p0 $0x0  }
0x2f: {  	[sflag:s26] =	ssyncadd.s32 @!p0 $0xFFFFFFB0  }
0x30: {  	[spmem:s1] =	stream.indirect.scatter.add.f32 @!p0 [tilespmem:s18], [sflag:$0x8], $0x1, s25, s2, $0xb8;
	[tilespmem:$0x500] =	vst v63  }
0x31: {  	s2 =	simm.s32 @!p0 $0x6  }
0x32: {  	_ =	swait.ge @!p0 [sflag:s2], $0x50  }
0x33: {  	p1 =	seq.s32 @!p0 s30, $0x2580;
	s30 =	sadd.s32 $0x140, s30;
	[sflag:s2] =	ssyncset.done @!p0 $0x0  }
0x34: {  	p1 =	por p1, p0;
	[sflag:s2] =	ssyncadd.s32 @!p0 $0xFFFFFFB0;
	p0 =	sne.s32 s30, $0x2800  }
.Ltmp3:
0x35: {  	_ = 	snop;
	(pc) =	sbr.rel @!p0 .LBB2_8-.Ltmp3, $4  }
0x36: {  	_ = 	snop  }
0x37: {  	s18 =	simm.s32 @!p1 $0x100;
	s2 =	simm.s32 @!p1 $0x0  }
0x38: {  	[tilespmem:s18], [sflag:$0x2] =	stream.linear.gather @!p1 [hbm4b:s31+s2], $0x50, $0x38;
	[tilespmem:$0x500] =	vst v63  }
0x39: {  	s0 =	sadd.s32 $0x1, s0;
	s29 =	sadd.s32 $0x4, s29;
	s31 =	sadd.s32 $0x28, s31  }
.LBB2_2:
0x3a: {  	p0 =	seq.s32 s30, $0x0  }
0x3b: {  	_ =	swait.ge [sflag:s19], $0x50;
	p1 =	sgt.u32 @!p0 s29, $0x7C  }
0x3c: {  	[sflag:s19] =	ssyncset.done $0x0;
	p2 =	por p0, !p1  }
.Ltmp4:
0x3d: {  	s2 =	simm.s32 @!p0 $0x7;
	[sflag:s19] =	ssyncadd.s32 $0xFFFFFFB0;
	(pc) =	sbr.rel @!p2 .LBB2_4-.Ltmp4, $4  }
0x3e: {  	[spmem:s1] =	stream.indirect.scatter.add.f32 [tilespmem:s3], [sflag:$0x5], $0x1, s17, s20, $0xb8;
	[tilespmem:$0x500] =	vst v63  }
0x3f: {  	_ =	swait.ge @!p0 [sflag:s2], $0x50  }
0x40: {  	[sflag:s2] =	ssyncset.done @!p0 $0x0  }
0x41: {  	p1 =	por @!p0 $0x0, $0x0;
	[sflag:s2] =	ssyncadd.s32 @!p0 $0xFFFFFFB0  }
0x42: {  	s2 =	smov.u32 s29  }
0x43: {  	s2 =	simm.s32 @p0 $0x2  }
0x44: {  	s2 =	smul.u32 $0x50, s2;
	_ =	sdelay $0x1  }
0x45: {  	s2 =	sadd.s32 s6, s2  }
0x46: {  	s2 =	sshrl.u32 s2, $0x3  }
0x47: {  	p1 =	por $0x1, $0x1;
	s2 =	sadd.s32 s4, s2  }
0x48: {  	[tilespmem:s21], [sflag:$0x3] =	stream.linear.gather [hbm4b:s2+s3], $0x50, $0x38;
	[tilespmem:$0x500] =	vst v63  }
.LBB2_4:
0x49: {  	p0 =	sgt.u32 s0, $0x1E  }
0x4a: {  	s2 =	simm.s32 @!p0 $0x2  }
0x4b: {  	p2 =	seq.s32 @!p0 s30, $0x0;
	_ =	swait.ge @!p0 [sflag:s2], $0x50  }
0x4c: {  	s25 =	simm.s32 @!p0 $0x100;
	s18 =	simm.s32 @!p0 $0x0;
	[sflag:s2] =	ssyncset.done @!p0 $0x0  }
0x4d: {  	p3 =	por p2, p0;
	[sflag:s2] =	ssyncadd.s32 @!p0 $0xFFFFFFB0;
	s2 =	simm.s32 @!p0 $0x50  }
0x4e: {  	[spmem:s1] =	stream.indirect.scatter.add.f32 @!p0 [tilespmem:s18], [sflag:$0x6], $0x1, s25, s2, $0xb8;
	[tilespmem:$0x500] =	vst v63  }
0x4f: {  	p2 =	por !p2, p0;
	s25 =	sadd.s32 @!p3 $0xF0, s30  }
.Ltmp5:
0x50: {  	s26 =	simm.s32 @!p3 $0x8;
	s25 =	simm.s32 @!p2 $0xF0;
	(pc) =	sbr.rel @!p1 .LBB2_7-.Ltmp5, $4  }
0x51: {  	_ =	swait.ge @!p3 [sflag:s26], $0x50;
	s25 =	sadd.s32 @!p0 s6, s25  }
0x52: {  	[sflag:s26] =	ssyncset.done @!p3 $0x0;
	s25 =	sshrl.u32 @!p0 s25, $0x3  }
0x53: {  	[sflag:s26] =	ssyncadd.s32 @!p3 $0xFFFFFFB0;
	s26 =	sadd.s32 @!p0 s4, s25;
	s25 =	simm.s32 @!p0 $0x200  }
0x54: {  	[tilespmem:s25], [sflag:$0x4] =	stream.linear.gather @!p0 [hbm4b:s26+s18], $0x50, $0x38;
	[tilespmem:$0x500] =	vst v63  }
0x55: {  	_ =	swait.ge [sflag:s22], $0x50  }
0x56: {  	p1 =	seq.s32 s30, $0x26C0;
	[sflag:s22] =	ssyncset.done $0x0  }
.Ltmp6:
0x57: {  	[sflag:s22] =	ssyncadd.s32 $0xFFFFFFB0;
	(pc) =	sbr.rel @p1 .LBB2_8-.Ltmp6, $4  }
0x58: {  	[spmem:s1] =	stream.indirect.scatter.add.f32 [tilespmem:s3], [sflag:$0x7], $0x1, s21, s20, $0xb8;
	[tilespmem:$0x500] =	vst v63  }
0x59: {  	_ =	swait.ge [sflag:s23], $0x50  }
0x5a: {  	[sflag:s23] =	ssyncset.done $0x0  }
0x5b: {  	[sflag:s23] =	ssyncadd.s32 $0xFFFFFFB0  }
.Ltmp7:
0x5c: {  	(pc) =	sbr.rel .LBB2_7-.Ltmp7, $4  }
0x5d: {  	s26 =	sadd.s32 s30, s14  }
0x5e: {  	s26 =	sshrl.u32 s26, $0x3  }
0x5f: {  	s26 =	sadd.s32 s4, s26  }
0x60: {  	[tilespmem:s17], [sflag:$0x1] =	stream.linear.gather [hbm4b:s26+s3], $0x50, $0x38;
	[tilespmem:$0x500] =	vst v63  }
.LBB2_9:
0x61: {  	_ =	sfence.sel $0x180000  }
0x62: {  	[bflag:$0x0] =	sbarrier.arrive $0xFFFF  }
0x63: {  	_ =	strace $0x90000047  }
0x64: {  	s0 =	stileid.u32;
	[bflag:$0x2] =	sbarrier.arrive $0xFFFF  }
0x65: {  	p0 =	sne.s32 s0, $0x0;
	s0 =	rddreg [dreg:$0x3]  }
0x66: {  	s0 =	sadd.s32 @!p0 $0x100000, s0  }
0x67: {  	[sflag:s0] =	ssyncadd.tile.s32 @!p0 $0x1;
	_ =	shalt  }
.Lfunc_end2:
_tile_overlayer_lowered:
.L_overlay_start_2:
0x68: {  	(tag) =	ssettag $0x2  }
0x69: {  	s0 =	rddreg [dreg:$0x0];
	s2 =	stileid.u32  }
0x6a: {  	s1 =	rddreg [dreg:$0x1];
	p0 =	sne.s32 s2, $0x0  }
0x6b: {  	s3 =	rddreg [dreg:$0x2];
	[bflag:$0x3] =	sbarrier.arrive $0xFFFF;
	s2 =	simm.s32 @!p0 $0x1C09  }
0x6c: {  	[timem:s3], [sflag:s2] =	dma.local @!p0 [hbm:s0], s1  }
0x6d: {  	s0 =	simm.s32 @!p0 $0x9  }
0x6e: {  	_ =	swait.ge @!p0 [sflag:s0], s1  }
0x6f: {  	s1 =	ssub.s32 @!p0 $0x0, s1;
	[sflag:s0] =	ssyncset.done @!p0 $0x0  }
0x70: {  	[sflag:s0] =	ssyncadd.s32 @!p0 s1  }
0x71: {  	[bflag:$0x3] =	sbarrier.arrive $0xFFFF  }
0x72: {  	_ =	shalt  }

// kernel: kernel.13.cloned.1.call-start
scs
__scs_entry_jumppad:
0x0: {  	(pc) =	sbr.rel $0x88, $3  }
0x1: {  	(tag) =	ssettag $0x0;
	lr =	simm.s32 $0x1  }
0x2: {  	[smem:$0x3F96] =	sst lr;
	_ =	strace $0xD0000000  }
0x3: {  	_ = 	snop  }
0x4: {  	_ = 	snop  }
0x5: {  	_ = 	snop  }
0x6: {  	_ = 	snop  }
0x7: {  	_ = 	snop  }
__scs_overlays_trampoline_lowered:
0x8: {  	[smem:$0x3FA5] =	sst s0  }
0x9: {  	[smem:$0x3FA6] =	sst s1  }
0xa: {  	[smem:$0x3FA7] =	sst s2  }
0xb: {  	[smem:$0x3FA8] =	sst s3  }
0xc: {  	[smem:$0x3FA9] =	sst s4  }
0xd: {  	[smem:$0x3FAA] =	sst s5  }
0xe: {  	[smem:$0x3FAB] =	sst s6  }
0xf: {  	[smem:$0x3FAC] =	sst s7  }
0x10: {  	[smem:$0x3FAD] =	sst s8  }
0x11: {  	[smem:$0x3FAE] =	sst s9;
	s0 =	simm.s32 @!p0 $0x0  }
0x12: {  	s1 =	sld [smem:$0x3F94];
	s0 =	simm.s32 @p0 $0x1  }
0x13: {  	[smem:$0x3FAF] =	sst s0;
	s0 =	simm.s32 @!p1 $0x0  }
0x14: {  	s2 =	sld [smem:$0x3F93];
	s0 =	simm.s32 @p1 $0x1  }
0x15: {  	[smem:$0x3FB0] =	sst s0;
	s0 =	simm.s32 @!p2 $0x0  }
0x16: {  	s3 =	sld [smem:$0x3FDB];
	s0 =	simm.s32 @p2 $0x1  }
0x17: {  	s4 =	simm.s32 $0x1BF5;
	[smem:$0x3FB2] =	sst s0  }
0x18: {  	s0 =	sld [smem:$0x3F95];
	_ =	swait.ge [sflag:s4], $0x0  }
0x19: {  	s7 =	sld [smem:$0x3F96]  }
0x1a: {  	s8 =	sadd.s32 $0xFFFFE003, lr  }
0x1b: {  	s9 =	sadd.s32 $0xFFFFFEF7, lr;
	s5 =	simm.s32 $0xFFFFFFFF;
	p2 =	slt.u32 s8, $0xFFFFF086  }
0x1c: {  	p1 =	slt.u32 s9, $0xF7A;
	s5 =	simm.s32 @!p2 $0x0  }
0x1d: {  	s5 =	simm.s32 @p1 $0x1;
	p0 =	seq.s32 s7, s2  }
0x1e: {  	s7 =	smul.u32 @!p0 $0xF7A, s2;
	p2 =	seq.s32 @!p0 s5, $0x0  }
0x1f: {  	s9 =	smul.u32 $0xF7A, s1;
	s8 =	simm.s32 @!p0 $0x1BF5;
	p2 =	por !p2, p0  }
0x20: {  	[sflag:s8] =	ssyncset.s32 @!p0 $0xFFFFF086;
	s6 =	sadd.s32 @!p0 s3, s7;
	s7 =	simm.s32 @!p0 $0x108  }
0x21: {  	s3 =	sadd.s32 s3, s9;
	s6 =	sadd.s32 @!p0 $0x88, s6;
	s7 =	simm.s32 @p2 $0x1082  }
0x22: {  	[simem:s7], [sflag:s8] =	dma.local @!p0 [hbm:s6], $0xF7A  }
0x23: {  	s9 =	sor.u32 $0xD0000000, s2;
	s6 =	simm.s32 $0x108;
	_ =	swait.ge @!p0 [sflag:s8], $0x0  }
0x24: {  	s3 =	sadd.s32 $0x88, s3;
	s6 =	simm.s32 @!p1 $0x1082;
	[sflag:s4] =	ssyncset.s32 $0xFFFFF086  }
0x25: {  	[simem:s6], [sflag:s4] =	dma.local [hbm:s3], $0xF7A  }
0x26: {  	[smem:$0x3F96] =	sst s1;
	(tag) =	ssettag s2;
	_ =	strace s9  }
0x27: {  	s1 =	sld [smem:$0x3FA6]  }
0x28: {  	s2 =	sld [smem:$0x3FA7]  }
0x29: {  	s4 =	sld [smem:$0x3FA9]  }
0x2a: {  	p0 =	seq.s32 s5, $0x0;
	s5 =	sld [smem:$0x3FAA]  }
0x2b: {  	s6 =	sld [smem:$0x3FAB]  }
0x2c: {  	s7 =	sld [smem:$0x3FAC]  }
0x2d: {  	s3 =	simm.s32 $0x108;
	s8 =	sld [smem:$0x3FAD]  }
0x2e: {  	s3 =	simm.s32 @!p0 $0x1082;
	s9 =	sld [smem:$0x3FAE]  }
0x2f: {  	lr =	sadd.s32 s0, s3;
	s0 =	sld [smem:$0x3FA5]  }
0x30: {  	s3 =	sld [smem:$0x3FA8]  }
0x31: {  	[smem:$0x3FB1] =	sst s10  }
0x32: {  	s10 =	sld [smem:$0x3FAF];
	_ =	sdelay $0x3  }
0x33: {  	p0 =	seq.s32 s10, $0x1;
	s10 =	sld [smem:$0x3FB1];
	_ =	sdelay $0x3  }
0x34: {  	[smem:$0x3FB1] =	sst s10  }
0x35: {  	s10 =	sld [smem:$0x3FB0];
	_ =	sdelay $0x3  }
0x36: {  	p1 =	seq.s32 s10, $0x1;
	s10 =	sld [smem:$0x3FB1];
	_ =	sdelay $0x3  }
0x37: {  	[smem:$0x3FB1] =	sst s10  }
0x38: {  	s10 =	sld [smem:$0x3FB2]  }
0x39: {  	_ = 	snop;
	(pc) =	sbr.ind lr, $3  }
0x3a: {  	_ = 	snop  }
0x3b: {  	_ = 	snop  }
0x3c: {  	p2 =	seq.s32 s10, $0x1;
	s10 =	sld [smem:$0x3FB1]  }
0x3d: {  	_ =	shalt  }
0x3e: {  	_ =	shalt  }
0x3f: {  	_ =	shalt  }
0x40: {  	_ =	shalt  }
0x41: {  	_ =	shalt  }
0x42: {  	_ =	shalt  }
0x43: {  	_ =	shalt  }
0x44: {  	_ =	shalt  }
0x45: {  	_ =	shalt  }
0x46: {  	_ =	shalt  }
0x47: {  	_ =	shalt  }
0x48: {  	_ =	shalt  }
0x49: {  	_ =	shalt  }
0x4a: {  	_ =	shalt  }
0x4b: {  	_ =	shalt  }
0x4c: {  	_ =	shalt  }
0x4d: {  	_ =	shalt  }
0x4e: {  	_ =	shalt  }
0x4f: {  	_ =	shalt  }
0x50: {  	_ =	shalt  }
0x51: {  	_ =	shalt  }
0x52: {  	_ =	shalt  }
0x53: {  	_ =	shalt  }
0x54: {  	_ =	shalt  }
0x55: {  	_ =	shalt  }
0x56: {  	_ =	shalt  }
0x57: {  	_ =	shalt  }
0x58: {  	_ =	shalt  }
0x59: {  	_ =	shalt  }
0x5a: {  	_ =	shalt  }
0x5b: {  	_ =	shalt  }
0x5c: {  	_ =	shalt  }
0x5d: {  	_ =	shalt  }
0x5e: {  	_ =	shalt  }
0x5f: {  	_ =	shalt  }
0x60: {  	_ =	shalt  }
0x61: {  	_ =	shalt  }
0x62: {  	_ =	shalt  }
0x63: {  	_ =	shalt  }
0x64: {  	_ =	shalt  }
0x65: {  	_ =	shalt  }
0x66: {  	_ =	shalt  }
0x67: {  	_ =	shalt  }
0x68: {  	_ =	shalt  }
0x69: {  	_ =	shalt  }
0x6a: {  	_ =	shalt  }
0x6b: {  	_ =	shalt  }
0x6c: {  	_ =	shalt  }
0x6d: {  	_ =	shalt  }
0x6e: {  	_ =	shalt  }
0x6f: {  	_ =	shalt  }
0x70: {  	_ =	shalt  }
0x71: {  	_ =	shalt  }
0x72: {  	_ =	shalt  }
0x73: {  	_ =	shalt  }
0x74: {  	_ =	shalt  }
0x75: {  	_ =	shalt  }
0x76: {  	_ =	shalt  }
0x77: {  	_ =	shalt  }
0x78: {  	_ =	shalt  }
0x79: {  	_ =	shalt  }
0x7a: {  	_ =	shalt  }
0x7b: {  	_ =	shalt  }
0x7c: {  	_ =	shalt  }
0x7d: {  	_ =	shalt  }
0x7e: {  	_ =	shalt  }
0x7f: {  	_ =	shalt  }
0x80: {  	_ =	shalt  }
0x81: {  	_ =	shalt  }
0x82: {  	_ =	shalt  }
0x83: {  	_ =	shalt  }
0x84: {  	_ =	shalt  }
0x85: {  	_ =	shalt  }
0x86: {  	_ =	shalt  }
0x87: {  	_ =	shalt  }
.Lfunc_end0:
.L_simem_size_0:
called_computation.1_lowered:
.L_overlay_start_0:
0x88: {  	s2 =	sld [smem:$0x3FD9]  }
0x89: {  	s3 =	sld [smem:$0x3FFE];
	_ =	sdelay $0x1  }
0x8a: {  	s1 =	srdreg.scid  }
0x8b: {  	s0 =	sand.u32 $0x1, s1  }
0x8c: {  	s14 =	sshll.u32 s0, $0xA;
	s2 =	sadd.s32 s3, s2  }
0x8d: {  	s2 =	sadd.s32 s2, s14  }
0x8e: {  	[smem:$0x3FBD] =	sst s2  }
0x8f: {  	_ = 	snop  }
0x90: {  	s2 =	sld [smem:$0x3FD0];
	_ =	sdelay $0x2  }
0x91: {  	s15 =	simm.s32 $0xA;
	s4 =	simm.s32 $0x10  }
0x92: {  	[smem:s4], [sflag:s15] =	dma.local [hbm:s2], $0x1  }
0x93: {  	_ =	swait.eq [sflag:s15], $0x1  }
0x94: {  	[sflag:s15] =	ssyncset.done $0x0  }
0x95: {  	[sflag:s15] =	ssyncadd.s32 $0xFFFFFFFF  }
0x96: {  	s16 =	sld [smem:$0x10];
	(tm) =	ssettm $0x1  }
0x97: {  	s17 =	sld [smem:$0x3FFB];
	_ =	sdelay $0x3  }
0x98: {  	_ =	strace s17  }
0x99: {  	s3 =	sld [smem:$0x3FFC];
	_ =	sdelay $0x3  }
0x9a: {  	_ =	strace s3  }
0x9b: {  	s3 =	sld [smem:$0x3FFD];
	_ =	sdelay $0x3  }
0x9c: {  	_ =	strace s3  }
0x9d: {  	_ =	strace $0x8FFFFFFF  }
0x9e: {  	s18 =	sld [smem:$0x3FDB];
	_ =	sdelay $0x1  }
0x9f: {  	s19 =	simm.s32 $_scs_section_size  }
0xa0: {  	s5 =	simm.s32 $_size__tile_overlayer_lowered;
	s6 =	simm.s32 $_tile_overlayer_lowered  }
0xa1: {  	s22 =	simm.s32 $0x1BFF;
	s21 =	sshll.u32 s6, $0x1;
	s3 =	sadd.s32 s19, s18  }
0xa2: {  	s7 =	simm.s32 $0x0;
	s20 =	sshll.u32 s5, $0x1;
	s5 =	sadd.s32 s21, s3  }
0xa3: {  	[timem:s7], [sflag:s22] =	dma.local [hbm:s5], s20  }
0xa4: {  	_ =	swait.ge [sflag:s22], s20  }
0xa5: {  	s4 =	ssub.s32 $0x0, s20;
	[sflag:s22] =	ssyncset.done $0x0  }
0xa6: {  	[sflag:s22] =	ssyncadd.s32 s4;
	_ =	sdelay $0x1  }
0xa7: {  	s23 =	simm.s32 $0x1B8B  }
0xa8: {  	_ =	swait.ge [sflag:s23], $0x1  }
0xa9: {  	[sflag:s23] =	ssyncset.done $0x0  }
0xaa: {  	s25 =	simm.s32 $0x1B8E;
	s24 =	sld [smem:$0x3FFE];
	[sflag:s23] =	ssyncadd.s32 $0xFFFFFFFF  }
0xab: {  	s26 =	simm.s32 $execute0_lowered;
	[smem:$0x3FD2] =	sst s25  }
0xac: {  	s5 =	sshll.u32 s26, $0x1;
	_ =	strace $0x80000049;
	[dreg:$0x1] =	wrdreg $0xFFFFFFFF  }
0xad: {  	s28 =	simm.s32 $_size_execute0_lowered;
	s3 =	sadd.s32 s3, s5;
	[dreg:$0x0] =	wrdreg $0x0  }
0xae: {  	s5 =	sshll.u32 s28, $0x1;
	[dreg:$0x2] =	wrdreg s3  }
0xaf: {  	[dreg:$0x3] =	wrdreg s5  }
0xb0: {  	[dreg:$0x4] =	wrdreg $0xC0  }
0xb1: {  	_ =	task [dreg:s7], $0x5FFFF  }
0xb2: {  	[dreg:$0x1] =	wrdreg $0xFFFFFFFF  }
0xb3: {  	[dreg:$0x0] =	wrdreg $0x60  }
0xb4: {  	[dreg:$0x2] =	wrdreg s24  }
0xb5: {  	[dreg:$0x3] =	wrdreg s16  }
0xb6: {  	[dreg:$0x4] =	wrdreg $0xA4000  }
0xb7: {  	[dreg:$0x5] =	wrdreg $0x9  }
0xb8: {  	_ =	task.clear_ibuf [dreg:s7], $0x6FFFF;
	_ =	strace $0x90000049  }
0xb9: {  	s29 =	simm.s32 $0x9;
	_ =	strace $0x8000004B  }
0xba: {  	_ =	swait.ge [sflag:s29], $0x1  }
0xbb: {  	[sflag:s29] =	ssyncadd.s32 $0xFFFFFFFF  }
0xbc: {  	_ =	strace $0x9000004B  }
0xbd: {  	_ =	sfence  }
0xbe: {  	s30 =	sld [smem:$0x0];
	_ =	sdelay $0x2  }
0xbf: {  	s31 =	sshll.u32 s1, $0xD;
	s1 =	sshrl.u32 s1, $0x2  }
0xc0: {  	s3 =	sand.u32 $0x4000, s31;
	s1 =	sadd.s32 s1, s30  }
0xc1: {  	s0 =	sor.u32 s3, s0;
	s1 =	sshll.u32 s1, $0x11  }
0xc2: {  	s0 =	sor.u32 s1, s0  }
0xc3: {  	s0 =	sadd.s32 $0x8F2B, s0  }
0xc4: {  	[sflag:s0] =	ssyncadd.remote.s32 $0x1  }
0xc5: {  	_ =	sfence.sel $0xFFFF  }
0xc6: {  	[dreg:$0x0] =	wrdreg $0xFFFFFFFF;
	(pc) =	sbr.abs _section_cstart, $3  }
0xc7: {  	[dreg:$0x1] =	wrdreg $0xFFFFFFFF  }
0xc8: {  	_ =	task.clear_ibuf [dreg:s7], $0x2FFFF;
	_ =	strace $0x9FFFFFFF  }
0xc9: {  	(tm) =	ssettm $0x7FFFFFFF  }
tec
execute0_lowered:
.L_overlay_start_1:
0x0: {  	(tag) =	ssettag $0x1  }
0x1: {  	s0 =	rddreg [dreg:$0x0]  }
0x2: {  	s12 =	rddreg [dreg:$0x1]  }
0x3: {  	s3 =	rddreg [dreg:$0x2]  }
0x4: {  	s2 =	stileid.u32;
	s1 =	srdreg.scid  }
0x5: {  	s4 =	simm.s32 $0x0;
	s28 =	simm.s32 $0x50;
	s29 =	simm.s32 $0x400  }
0x6: {  	s30 =	simm.s32 $0x200;
	s6 =	smul.u32 $0x14000, s2;
	s1 =	sand.u32 $0x1, s1  }
0x7: {  	[smem:$0x7FF] =	sst s4;
	s5 =	sadd.s32 $0xD600, s0;
	s10 =	smul.u32 $0x50000, s2  }
0x8: {  	s11 =	sshll.u32 s2, $0x1;
	s31 =	sshll.u32 s2, $0x6;
	s13 =	smul.u32 $0x4E20, s2  }
0x9: {  	s7 =	smul.u32 $0x140000, s1;
	_ =	strace $0x8000004A;
	s9 =	ssub.s32 $0x2, s1  }
0xa: {  	s11 =	sor.u32 s1, s11;
	s16 =	sor.u32 $0x1C11, s31;
	s1 =	smul.u32 $0x2710, s1  }
0xb: {  	s8 =	sshrl.u32 s6, $0x3;
	s25 =	sshrl.u32 s9, $0x1;
	s10 =	sshrl.u32 s10, $0x2  }
0xc: {  	s26 =	smul.u32 $0x2710, s11;
	s11 =	simm.s32 $0xD;
	[dreg:$0x7] =	wrdreg s16  }
0xd: {  	s7 =	sadd.s32 s6, s7;
	s6 =	sadd.s32 $0x3800, s0;
	s8 =	sadd.s32 s8, s0  }
0xe: {  	s9 =	ssub.s32 s9, s25;
	s10 =	sadd.s32 s10, s3;
	s1 =	sadd.s32 s1, s13  }
0xf: {  	s13 =	simm.s32 $0x300;
	s7 =	sshrl.u32 s7, $0x3;
	[dreg:$0x5] =	wrdreg s10  }
0x10: {  	s8 =	sadd.s32 $0x35600, s8;
	[dreg:$0x4] =	wrdreg s26;
	s10 =	sshrl.u32 s26, $0x3  }
0x11: {  	s20 =	sadd.s32 $0x190, s1;
	s21 =	smax.u32 s9, $0x1;
	s22 =	sadd.s32 $0x230, s1  }
0x12: {  	s24 =	sadd.s32 $0x1E0, s1;
	s26 =	sadd.s32 $0xF0, s1;
	s1 =	sadd.s32 $0x140, s1  }
0x13: {  	s9 =	simm.s32 $0x3;
	s0 =	sadd.s32 s7, s0;
	[dreg:$0x6] =	wrdreg s8  }
0x14: {  	s14 =	sadd.s32 s12, s10;
	s15 =	sadd.s32 $0xA, s10;
	s7 =	sadd.s32 s6, s10  }
0x15: {  	s23 =	sadd.s32 $0x1E, s10;
	[dreg:$0xf] =	wrdreg s21;
	s8 =	sshrl.u32 s22, $0x3  }
0x16: {  	s25 =	sshrl.u32 s24, $0x3;
	[dreg:$0x10] =	wrdreg s1;
	s24 =	sshrl.u32 s26, $0x3  }
0x17: {  	s1 =	simm.s32 $0x9;
	[dreg:$0x9] =	wrdreg s7;
	s17 =	sadd.s32 s12, s15  }
0x18: {  	s18 =	sadd.s32 s6, s15;
	[dreg:$0x8] =	wrdreg s14;
	s2 =	sadd.s32 $0x14, s14  }
0x19: {  	s19 =	sadd.s32 s12, s23;
	s0 =	sadd.s32 $0x5D600, s0;
	[dreg:$0xa] =	wrdreg s17  }
0x1a: {  	s21 =	sadd.s32 s8, s12;
	s31 =	sadd.s32 s25, s12;
	[dreg:$0xb] =	wrdreg s18  }
.Ltmp0:
0x1b: {  	s8 =	simm.s32 $0x5;
	[dreg:$0xc] =	wrdreg s2;
	(pc) =	sbr.rel .LBB2_1-.Ltmp0, $4  }
0x1c: {  	s14 =	simm.s32 $0xB;
	s15 =	simm.s32 $0x7;
	[dreg:$0xd] =	wrdreg s19  }
0x1d: {  	s7 =	simm.s32 $0x0;
	[dreg:$0xe] =	wrdreg s0;
	s0 =	sshrl.u32 s20, $0x3  }
0x1e: {  	[dreg:$0x11] =	wrdreg s31;
	s2 =	simm.s32 $0x11;
	s17 =	simm.s32 $0x1  }
0x1f: {  	s20 =	sadd.s32 s0, s6;
	s25 =	sadd.s32 s0, s12;
	s12 =	simm.s32 $0x5400  }
.LBB2_8:
0x20: {  	s0 =	simm.s32 $0x10  }
0x21: {  	_ =	swait.ge [sflag:s0], $0x2800  }
0x22: {  	[sflag:s0] =	ssyncset.done $0x0  }
0x23: {  	[sflag:s0] =	ssyncadd.s32 $0xFFFFD800  }
0x24: {  	_ =	swait.ge [sflag:s11], $0x2800  }
0x25: {  	[sflag:s11] =	ssyncset.done $0x0  }
0x26: {  	[sflag:s11] =	ssyncadd.s32 $0xFFFFD800  }
0x27: {  	[bflag:$0x0] =	sbarrier.arrive $0xFFFF  }
0x28: {  	s16 =	rddreg [dreg:$0x7]  }
0x29: {  	s26 =	rddreg [dreg:$0xe]  }
0x2a: {  	s2 =	rddreg [dreg:$0x13]  }
0x2b: {  	[hbm:s26], [sflag:s16] =	dma.local [spmem:s2], $0x2800  }
0x2c: {  	s2 =	simm.s32 $0x11  }
0x2d: {  	_ =	swait.ge [sflag:s2], $0x2800  }
0x2e: {  	s7 =	rddreg [dreg:$0x12]  }
0x2f: {  	s31 =	rddreg [dreg:$0xf];
	s7 =	sadd.s32 $0x1, s7  }
0x30: {  	p0 =	sne.s32 s7, s31  }
.Ltmp1:
0x31: {  	_ = 	snop;
	(pc) =	sbr.rel @!p0 .LBB2_9-.Ltmp1, $3  }
0x32: {  	_ =	sdelay $0x1  }
0x33: {  	[sflag:s2] =	ssyncset.done $0x0  }
0x34: {  	[sflag:s2] =	ssyncadd.s32 $0xFFFFD800  }
.LBB2_1:
0x35: {  	[dreg:$0x12] =	wrdreg s7  }
0x36: {  	s0 =	rddreg [dreg:$0x5]  }
0x37: {  	s10 =	rddreg [dreg:$0x6];
	s0 =	sshrl.u32 s0, $0x3  }
0x38: {  	[dreg:$0x13] =	wrdreg s0  }
0x39: {  	[spmem:s0], [sflag:s16] =	dma.local [hbm:s10], $0x2800  }
0x3a: {  	_ =	swait.ge [sflag:s2], $0x2800  }
0x3b: {  	[sflag:s2] =	ssyncset.done $0x0  }
0x3c: {  	[sflag:s2] =	ssyncadd.s32 $0xFFFFD800  }
0x3d: {  	[bflag:$0x0] =	sbarrier.arrive $0xFFFF  }
0x3e: {  	s18 =	rddreg [dreg:$0x8]  }
0x3f: {  	[tilespmem:s4], [sflag:$0x11] =	stream.linear.gather [hbm4b:s18+s4], $0x50, $0x38;
	[tilespmem:$0x1E400] =	vst v63  }
0x40: {  	_ =	swait.ge [sflag:s2], $0x50  }
0x41: {  	[sflag:s2] =	ssyncset.done $0x0  }
0x42: {  	[sflag:s2] =	ssyncadd.s32 $0xFFFFFFB0  }
0x43: {  	[tilespmem:s29], [sflag:$0x9] =	stream.indirect.gather [hbm4b:s5+s28], $0x80, s4, s28, $0xb8;
	[tilespmem:$0x1E400] =	vst v63  }
0x44: {  	s19 =	rddreg [dreg:$0x9]  }
0x45: {  	[tilespmem:s30], [sflag:$0x5] =	stream.linear.gather [hbm4b:s19+s4], $0x50, $0x38;
	[tilespmem:$0x1E400] =	vst v63  }
0x46: {  	s26 =	simm.s32 $0x80;
	s22 =	rddreg [dreg:$0xa]  }
0x47: {  	[tilespmem:s26], [sflag:$0x11] =	stream.linear.gather [hbm4b:s22+s4], $0x50, $0x38;
	[tilespmem:$0x1E400] =	vst v63  }
0x48: {  	_ =	swait.ge [sflag:s2], $0x50  }
0x49: {  	[sflag:s2] =	ssyncset.done $0x0  }
0x4a: {  	[sflag:s2] =	ssyncadd.s32 $0xFFFFFFB0;
	s2 =	simm.s32 $0x2C00  }
0x4b: {  	[tilespmem:s2], [sflag:$0xA] =	stream.indirect.gather [hbm4b:s5+s28], $0x80, s26, s28, $0xb8;
	[tilespmem:$0x1E400] =	vst v63  }
0x4c: {  	s16 =	simm.s32 $0x280;
	s10 =	rddreg [dreg:$0xb]  }
0x4d: {  	[tilespmem:s16], [sflag:$0x6] =	stream.linear.gather [hbm4b:s10+s4], $0x50, $0x38;
	[tilespmem:$0x1E400] =	vst v63  }
.Ltmp2:
0x4e: {  	s19 =	simm.s32 $0x100;
	s18 =	rddreg [dreg:$0xc];
	(pc) =	sbr.rel .LBB2_2-.Ltmp2, $4  }
0x4f: {  	[tilespmem:s19], [sflag:$0x3] =	stream.linear.gather [hbm4b:s18+s4], $0x50, $0x38;
	[tilespmem:$0x1E400] =	vst v63  }
0x50: {  	s31 =	simm.s32 $0x2;
	s22 =	rddreg [dreg:$0xd];
	s26 =	simm.s32 $0x180  }
0x51: {  	[tilespmem:s26], [sflag:$0x4] =	stream.linear.gather [hbm4b:s22+s4], $0x50, $0x38;
	[tilespmem:$0x1E400] =	vst v63  }
0x52: {  	s10 =	simm.s32 $0x0;
	s18 =	rddreg [dreg:$0x10];
	s22 =	simm.s32 $0x0  }
.LBB2_7:
0x53: {  	s2 =	simm.s32 @!p2 $0xC  }
0x54: {  	_ =	swait.ge @!p2 [sflag:s2], $0x2800  }
0x55: {  	p1 =	por !p3, p2;
	[sflag:s2] =	ssyncset.done @!p2 $0x0  }
0x56: {  	[sflag:s2] =	ssyncadd.s32 @!p2 $0xFFFFD800;
	s2 =	simm.s32 @!p1 $0x8  }
0x57: {  	_ =	swait.ge @!p1 [sflag:s2], $0x50  }
0x58: {  	s7 =	simm.s32 @!p1 $0x380;
	[sflag:s2] =	ssyncset.done @!p1 $0x0  }
0x59: {  	s16 =	simm.s32 @!p1 $0x7C00;
	[sflag:s2] =	ssyncadd.s32 @!p1 $0xFFFFFFB0;
	s2 =	simm.s32 @!p1 $0x50  }
0x5a: {  	[spmem:s3] =	stream.indirect.scatter.add.f32 @!p1 [tilespmem:s16], [sflag:$0x10], $0x80, s7, s2, $0xb8;
	[tilespmem:$0x1E400] =	vst v63  }
0x5b: {  	s2 =	simm.s32 @!p1 $0xE  }
0x5c: {  	_ =	swait.ge @!p1 [sflag:s2], $0x2800  }
0x5d: {  	[sflag:s2] =	ssyncset.done @!p1 $0x0  }
0x5e: {  	s7 =	simm.s32 @!p0 $0x180;
	[sflag:s2] =	ssyncadd.s32 @!p1 $0xFFFFD800;
	s2 =	sadd.s32 @!p0 s10, s21  }
0x5f: {  	[tilespmem:s7], [sflag:$0x4] =	stream.linear.gather @!p0 [hbm4b:s2+s26], $0x50, $0x38;
	[tilespmem:$0x1E400] =	vst v63  }
0x60: {  	s2 =	simm.s32 @!p0 $0x8  }
0x61: {  	_ =	swait.ge @!p0 [sflag:s2], $0x50  }
0x62: {  	s16 =	simm.s32 @!p0 $0x7C00;
	[sflag:s2] =	ssyncset.done @!p0 $0x0  }
0x63: {  	s7 =	simm.s32 @!p0 $0x380;
	[sflag:s2] =	ssyncadd.s32 @!p0 $0xFFFFFFB0;
	s2 =	simm.s32 @!p0 $0x50  }
0x64: {  	[spmem:s3] =	stream.indirect.scatter.add.f32 @!p0 [tilespmem:s16], [sflag:$0x10], $0x80, s7, s2, $0xb8;
	[tilespmem:$0x1E400] =	vst v63  }
0x65: {  	s7 =	simm.s32 @!p0 $0xE  }
0x66: {  	_ =	swait.ge @!p0 [sflag:s7], $0x2800  }
0x67: {  	[sflag:s7] =	ssyncset.done @!p0 $0x0  }
0x68: {  	[sflag:s7] =	ssyncadd.s32 @!p0 $0xFFFFD800;
	s7 =	simm.s32 @!p0 $0x2  }
0x69: {  	_ =	swait.ge @!p0 [sflag:s7], $0x50  }
0x6a: {  	[sflag:s7] =	ssyncset.done @!p0 $0x0  }
0x6b: {  	[sflag:s7] =	ssyncadd.s32 @!p0 $0xFFFFFFB0;
	s7 =	simm.s32 @!p0 $0x2C00  }
0x6c: {  	[tilespmem:s7], [sflag:$0xA] =	stream.indirect.gather @!p0 [hbm4b:s5+s2], $0x80, s0, s2, $0xb8;
	[tilespmem:$0x1E400] =	vst v63  }
0x6d: {  	s0 =	sadd.s32 @!p0 s10, s20;
	s2 =	simm.s32 @!p0 $0x280;
	s10 =	sadd.s32 $0x28, s10  }
0x6e: {  	[tilespmem:s2], [sflag:$0x6] =	stream.linear.gather @!p0 [hbm4b:s0+s26], $0x50, $0x38;
	[tilespmem:$0x1E400] =	vst v63  }
0x6f: {  	p0 =	sne.s32 s10, $0x500  }
.Ltmp3:
0x70: {  	_ = 	snop;
	(pc) =	sbr.rel @!p0 .LBB2_8-.Ltmp3, $2  }
0x71: {  	_ =	sdelay $0x2  }
0x72: {  	s22 =	sadd.s32 $0x1, s22;
	s18 =	sadd.s32 $0x140, s18;
	s31 =	sadd.s32 $0x4, s31  }
.LBB2_2:
0x73: {  	_ =	swait.ge [sflag:s1], $0x2800  }
0x74: {  	[sflag:s1] =	ssyncset.done $0x0  }
0x75: {  	p1 =	seq.s32 s10, $0x4D8;
	[sflag:s1] =	ssyncadd.s32 $0xFFFFD800  }
0x76: {  	s0 =	sshrl.u32 @!p1 s18, $0x3;
	s2 =	rddreg [dreg:$0x1]  }
0x77: {  	p0 =	seq.s32 s10, $0x0;
	s26 =	simm.s32 @!p1 $0x0;
	s0 =	sadd.s32 @!p1 s2, s0  }
0x78: {  	[tilespmem:s26], [sflag:$0x1] =	stream.linear.gather @!p1 [hbm4b:s0+s26], $0x50, $0x38;
	[tilespmem:$0x1E400] =	vst v63  }
0x79: {  	p2 =	sgt.u32 @!p0 s31, $0x7C;
	_ =	swait.ge [sflag:s8], $0x50  }
0x7a: {  	p2 =	por p0, !p2;
	[sflag:s8] =	ssyncset.done $0x0  }
.Ltmp4:
0x7b: {  	s0 =	simm.s32 @!p0 $0xF;
	[sflag:s8] =	ssyncadd.s32 $0xFFFFFFB0;
	(pc) =	sbr.rel @!p2 .LBB2_4-.Ltmp4, $4  }
0x7c: {  	[spmem:s3] =	stream.indirect.scatter.add.f32 [tilespmem:s29], [sflag:$0xD], $0x80, s30, s28, $0xb8;
	[tilespmem:$0x1E400] =	vst v63  }
0x7d: {  	_ =	swait.ge @!p0 [sflag:s0], $0x2800  }
0x7e: {  	[sflag:s0] =	ssyncset.done @!p0 $0x0  }
0x7f: {  	p4 =	por @!p0 $0x0, $0x0;
	[sflag:s0] =	ssyncadd.s32 @!p0 $0xFFFFD800  }
0x80: {  	s0 =	smov.u32 s31;
	_ =	swait.ge [sflag:s9], $0x50  }
0x81: {  	s2 =	simm.s32 $0x100;
	s0 =	simm.s32 @p0 $0x2;
	[sflag:s9] =	ssyncset.done $0x0  }
0x82: {  	s26 =	rddreg [dreg:$0x4];
	[sflag:s9] =	ssyncadd.s32 $0xFFFFFFB0;
	s0 =	smul.u32 $0x50, s0  }
0x83: {  	[tilespmem:s12], [sflag:$0xB] =	stream.indirect.gather [hbm4b:s5+s28], $0x80, s2, s28, $0xb8;
	[tilespmem:$0x1E400] =	vst v63  }
0x84: {  	s0 =	sadd.s32 s26, s0  }
0x85: {  	s0 =	sshrl.u32 s0, $0x3  }
0x86: {  	p4 =	por $0x1, $0x1;
	s0 =	sadd.s32 s6, s0  }
0x87: {  	[tilespmem:s13], [sflag:$0x7] =	stream.linear.gather [hbm4b:s0+s4], $0x50, $0x38;
	[tilespmem:$0x1E400] =	vst v63  }
.LBB2_4:
0x88: {  	p2 =	sgt.u32 s22, $0x1E  }
0x89: {  	s0 =	simm.s32 @!p2 $0xA;
	p3 =	seq.s32 @!p2 s10, $0x4B0  }
0x8a: {  	_ =	swait.ge @!p2 [sflag:s0], $0x2800;
	p0 =	por p3, p2  }
0x8b: {  	[sflag:s0] =	ssyncset.done @!p2 $0x0;
	s19 =	sadd.s32 @!p0 s10, s25  }
0x8c: {  	s26 =	simm.s32 @!p0 $0x0;
	[sflag:s0] =	ssyncadd.s32 @!p2 $0xFFFFD800;
	s0 =	simm.s32 @!p0 $0x80  }
0x8d: {  	[tilespmem:s0], [sflag:$0x2] =	stream.linear.gather @!p0 [hbm4b:s19+s26], $0x50, $0x38;
	[tilespmem:$0x1E400] =	vst v63  }
0x8e: {  	s19 =	simm.s32 @!p2 $0x6  }
0x8f: {  	p5 =	seq.s32 @!p2 s10, $0x0;
	_ =	swait.ge @!p2 [sflag:s19], $0x50  }
0x90: {  	s2 =	simm.s32 @!p2 $0x280;
	s7 =	simm.s32 @!p2 $0x2C00;
	[sflag:s19] =	ssyncset.done @!p2 $0x0  }
0x91: {  	p6 =	por p5, p2;
	[sflag:s19] =	ssyncadd.s32 @!p2 $0xFFFFFFB0;
	s19 =	simm.s32 @!p2 $0x50  }
0x92: {  	[spmem:s3] =	stream.indirect.scatter.add.f32 @!p2 [tilespmem:s7], [sflag:$0xE], $0x80, s2, s19, $0xb8;
	[tilespmem:$0x1E400] =	vst v63  }
0x93: {  	s2 =	simm.s32 @!p6 $0x10  }
0x94: {  	_ =	swait.ge @!p6 [sflag:s2], $0x2800  }
0x95: {  	[sflag:s2] =	ssyncset.done @!p6 $0x0  }
0x96: {  	s16 =	smov.u32 s23;
	[sflag:s2] =	ssyncadd.s32 @!p6 $0xFFFFD800;
	s2 =	simm.s32 @!p2 $0x4  }
0x97: {  	p5 =	por !p5, p2;
	s7 =	sadd.s32 @!p6 s10, s24;
	_ =	swait.ge @!p2 [sflag:s2], $0x50  }
.Ltmp5:
0x98: {  	s16 =	smov.u32 @p5 s7;
	[sflag:s2] =	ssyncset.done @!p2 $0x0;
	(pc) =	sbr.rel @!p4 .LBB2_7-.Ltmp5, $4  }
0x99: {  	s7 =	simm.s32 @!p2 $0x7C00;
	[sflag:s2] =	ssyncadd.s32 @!p2 $0xFFFFFFB0;
	s2 =	simm.s32 @!p2 $0x180  }
0x9a: {  	[tilespmem:s7], [sflag:$0xC] =	stream.indirect.gather @!p2 [hbm4b:s5+s19], $0x80, s2, s19, $0xb8;
	[tilespmem:$0x1E400] =	vst v63  }
0x9b: {  	s2 =	sadd.s32 @!p2 s6, s16;
	s7 =	simm.s32 @!p2 $0x0;
	s16 =	simm.s32 @!p2 $0x380  }
0x9c: {  	[tilespmem:s16], [sflag:$0x8] =	stream.linear.gather @!p2 [hbm4b:s2+s7], $0x50, $0x38;
	[tilespmem:$0x1E400] =	vst v63  }
0x9d: {  	_ =	swait.ge [sflag:s14], $0x2800;
	p4 =	sgt.u32 s22, $0x1D  }
0x9e: {  	[sflag:s14] =	ssyncset.done $0x0;
	s2 =	rddreg [dreg:$0x11];
	s7 =	simm.s32 @!p4 $0x0  }
0x9f: {  	s16 =	simm.s32 @!p4 $0x100;
	[sflag:s14] =	ssyncadd.s32 $0xFFFFD800;
	s2 =	sadd.s32 @!p4 s10, s2  }
0xa0: {  	[tilespmem:s16], [sflag:$0x3] =	stream.linear.gather @!p4 [hbm4b:s2+s7], $0x50, $0x38;
	[tilespmem:$0x1E400] =	vst v63  }
0xa1: {  	_ =	swait.ge [sflag:s15], $0x50  }
0xa2: {  	[sflag:s15] =	ssyncset.done $0x0  }
.Ltmp6:
0xa3: {  	[sflag:s15] =	ssyncadd.s32 $0xFFFFFFB0;
	(pc) =	sbr.rel @p1 .LBB2_8-.Ltmp6, $4  }
0xa4: {  	[spmem:s3] =	stream.indirect.scatter.add.f32 [tilespmem:s12], [sflag:$0xF], $0x80, s13, s28, $0xb8;
	[tilespmem:$0x1E400] =	vst v63  }
0xa5: {  	_ =	swait.ge [sflag:s11], $0x2800  }
0xa6: {  	[sflag:s11] =	ssyncset.done $0x0  }
0xa7: {  	[sflag:s11] =	ssyncadd.s32 $0xFFFFD800  }
0xa8: {  	_ =	swait.ge [sflag:s17], $0x50  }
.Ltmp7:
0xa9: {  	[sflag:s17] =	ssyncset.done $0x0;
	(pc) =	sbr.rel .LBB2_7-.Ltmp7, $4  }
0xaa: {  	s2 =	sshrl.u32 s18, $0x3;
	[sflag:s17] =	ssyncadd.s32 $0xFFFFFFB0  }
0xab: {  	[tilespmem:s29], [sflag:$0x9] =	stream.indirect.gather [hbm4b:s5+s28], $0x80, s4, s28, $0xb8;
	[tilespmem:$0x1E400] =	vst v63  }
0xac: {  	s2 =	sadd.s32 s6, s2  }
0xad: {  	[tilespmem:s30], [sflag:$0x5] =	stream.linear.gather [hbm4b:s2+s4], $0x50, $0x38;
	[tilespmem:$0x1E400] =	vst v63  }
.LBB2_9:
0xae: {  	_ =	sfence.sel $0x180000  }
0xaf: {  	[bflag:$0x0] =	sbarrier.arrive $0xFFFF  }
0xb0: {  	_ =	strace $0x9000004A  }
0xb1: {  	s0 =	stileid.u32;
	[bflag:$0x2] =	sbarrier.arrive $0xFFFF  }
0xb2: {  	p0 =	sne.s32 s0, $0x0;
	s0 =	rddreg [dreg:$0x3]  }
0xb3: {  	s0 =	sadd.s32 @!p0 $0x100000, s0  }
0xb4: {  	[sflag:s0] =	ssyncadd.tile.s32 @!p0 $0x1;
	_ =	shalt  }
.Lfunc_end2:
_tile_overlayer_lowered:
.L_overlay_start_2:
0xb5: {  	(tag) =	ssettag $0x2  }
0xb6: {  	s0 =	rddreg [dreg:$0x0];
	s2 =	stileid.u32  }
0xb7: {  	s1 =	rddreg [dreg:$0x1];
	p0 =	sne.s32 s2, $0x0  }
0xb8: {  	s3 =	rddreg [dreg:$0x2];
	[bflag:$0x3] =	sbarrier.arrive $0xFFFF;
	s2 =	simm.s32 @!p0 $0x1C11  }
0xb9: {  	[timem:s3], [sflag:s2] =	dma.local @!p0 [hbm:s0], s1  }
0xba: {  	s0 =	simm.s32 @!p0 $0x11  }
0xbb: {  	_ =	swait.ge @!p0 [sflag:s0], s1  }
0xbc: {  	s1 =	ssub.s32 @!p0 $0x0, s1;
	[sflag:s0] =	ssyncset.done @!p0 $0x0  }
0xbd: {  	[sflag:s0] =	ssyncadd.s32 @!p0 s1  }
0xbe: {  	[bflag:$0x3] =	sbarrier.arrive $0xFFFF  }
0xbf: {  	_ =	shalt  }

// kernel: kernel.16.cloned.1.call-start
scs
__scs_entry_jumppad:
0x0: {  	(pc) =	sbr.rel $0x88, $3  }
0x1: {  	(tag) =	ssettag $0x0;
	lr =	simm.s32 $0x1  }
0x2: {  	[smem:$0x3F96] =	sst lr;
	_ =	strace $0xD0000000  }
0x3: {  	_ = 	snop  }
0x4: {  	_ = 	snop  }
0x5: {  	_ = 	snop  }
0x6: {  	_ = 	snop  }
0x7: {  	_ = 	snop  }
__scs_overlays_trampoline_lowered:
0x8: {  	[smem:$0x3FA5] =	sst s0  }
0x9: {  	[smem:$0x3FA6] =	sst s1  }
0xa: {  	[smem:$0x3FA7] =	sst s2  }
0xb: {  	[smem:$0x3FA8] =	sst s3  }
0xc: {  	[smem:$0x3FA9] =	sst s4  }
0xd: {  	[smem:$0x3FAA] =	sst s5  }
0xe: {  	[smem:$0x3FAB] =	sst s6  }
0xf: {  	[smem:$0x3FAC] =	sst s7  }
0x10: {  	[smem:$0x3FAD] =	sst s8  }
0x11: {  	[smem:$0x3FAE] =	sst s9;
	s0 =	simm.s32 @!p0 $0x0  }
0x12: {  	s1 =	sld [smem:$0x3F94];
	s0 =	simm.s32 @p0 $0x1  }
0x13: {  	[smem:$0x3FAF] =	sst s0;
	s0 =	simm.s32 @!p1 $0x0  }
0x14: {  	s2 =	sld [smem:$0x3F93];
	s0 =	simm.s32 @p1 $0x1  }
0x15: {  	[smem:$0x3FB0] =	sst s0;
	s0 =	simm.s32 @!p2 $0x0  }
0x16: {  	s3 =	sld [smem:$0x3FDB];
	s0 =	simm.s32 @p2 $0x1  }
0x17: {  	s4 =	simm.s32 $0x1BF5;
	[smem:$0x3FB2] =	sst s0  }
0x18: {  	s0 =	sld [smem:$0x3F95];
	_ =	swait.ge [sflag:s4], $0x0  }
0x19: {  	s7 =	sld [smem:$0x3F96]  }
0x1a: {  	s8 =	sadd.s32 $0xFFFFE003, lr  }
0x1b: {  	s9 =	sadd.s32 $0xFFFFFEF7, lr;
	s5 =	simm.s32 $0xFFFFFFFF;
	p2 =	slt.u32 s8, $0xFFFFF086  }
0x1c: {  	p1 =	slt.u32 s9, $0xF7A;
	s5 =	simm.s32 @!p2 $0x0  }
0x1d: {  	s5 =	simm.s32 @p1 $0x1;
	p0 =	seq.s32 s7, s2  }
0x1e: {  	s7 =	smul.u32 @!p0 $0xF7A, s2;
	p2 =	seq.s32 @!p0 s5, $0x0  }
0x1f: {  	s9 =	smul.u32 $0xF7A, s1;
	s8 =	simm.s32 @!p0 $0x1BF5;
	p2 =	por !p2, p0  }
0x20: {  	[sflag:s8] =	ssyncset.s32 @!p0 $0xFFFFF086;
	s6 =	sadd.s32 @!p0 s3, s7;
	s7 =	simm.s32 @!p0 $0x108  }
0x21: {  	s3 =	sadd.s32 s3, s9;
	s6 =	sadd.s32 @!p0 $0x88, s6;
	s7 =	simm.s32 @p2 $0x1082  }
0x22: {  	[simem:s7], [sflag:s8] =	dma.local @!p0 [hbm:s6], $0xF7A  }
0x23: {  	s9 =	sor.u32 $0xD0000000, s2;
	s6 =	simm.s32 $0x108;
	_ =	swait.ge @!p0 [sflag:s8], $0x0  }
0x24: {  	s3 =	sadd.s32 $0x88, s3;
	s6 =	simm.s32 @!p1 $0x1082;
	[sflag:s4] =	ssyncset.s32 $0xFFFFF086  }
0x25: {  	[simem:s6], [sflag:s4] =	dma.local [hbm:s3], $0xF7A  }
0x26: {  	[smem:$0x3F96] =	sst s1;
	(tag) =	ssettag s2;
	_ =	strace s9  }
0x27: {  	s1 =	sld [smem:$0x3FA6]  }
0x28: {  	s2 =	sld [smem:$0x3FA7]  }
0x29: {  	s4 =	sld [smem:$0x3FA9]  }
0x2a: {  	p0 =	seq.s32 s5, $0x0;
	s5 =	sld [smem:$0x3FAA]  }
0x2b: {  	s6 =	sld [smem:$0x3FAB]  }
0x2c: {  	s7 =	sld [smem:$0x3FAC]  }
0x2d: {  	s3 =	simm.s32 $0x108;
	s8 =	sld [smem:$0x3FAD]  }
0x2e: {  	s3 =	simm.s32 @!p0 $0x1082;
	s9 =	sld [smem:$0x3FAE]  }
0x2f: {  	lr =	sadd.s32 s0, s3;
	s0 =	sld [smem:$0x3FA5]  }
0x30: {  	s3 =	sld [smem:$0x3FA8]  }
0x31: {  	[smem:$0x3FB1] =	sst s10  }
0x32: {  	s10 =	sld [smem:$0x3FAF];
	_ =	sdelay $0x3  }
0x33: {  	p0 =	seq.s32 s10, $0x1;
	s10 =	sld [smem:$0x3FB1];
	_ =	sdelay $0x3  }
0x34: {  	[smem:$0x3FB1] =	sst s10  }
0x35: {  	s10 =	sld [smem:$0x3FB0];
	_ =	sdelay $0x3  }
0x36: {  	p1 =	seq.s32 s10, $0x1;
	s10 =	sld [smem:$0x3FB1];
	_ =	sdelay $0x3  }
0x37: {  	[smem:$0x3FB1] =	sst s10  }
0x38: {  	s10 =	sld [smem:$0x3FB2]  }
0x39: {  	_ = 	snop;
	(pc) =	sbr.ind lr, $3  }
0x3a: {  	_ = 	snop  }
0x3b: {  	_ = 	snop  }
0x3c: {  	p2 =	seq.s32 s10, $0x1;
	s10 =	sld [smem:$0x3FB1]  }
0x3d: {  	_ =	shalt  }
0x3e: {  	_ =	shalt  }
0x3f: {  	_ =	shalt  }
0x40: {  	_ =	shalt  }
0x41: {  	_ =	shalt  }
0x42: {  	_ =	shalt  }
0x43: {  	_ =	shalt  }
0x44: {  	_ =	shalt  }
0x45: {  	_ =	shalt  }
0x46: {  	_ =	shalt  }
0x47: {  	_ =	shalt  }
0x48: {  	_ =	shalt  }
0x49: {  	_ =	shalt  }
0x4a: {  	_ =	shalt  }
0x4b: {  	_ =	shalt  }
0x4c: {  	_ =	shalt  }
0x4d: {  	_ =	shalt  }
0x4e: {  	_ =	shalt  }
0x4f: {  	_ =	shalt  }
0x50: {  	_ =	shalt  }
0x51: {  	_ =	shalt  }
0x52: {  	_ =	shalt  }
0x53: {  	_ =	shalt  }
0x54: {  	_ =	shalt  }
0x55: {  	_ =	shalt  }
0x56: {  	_ =	shalt  }
0x57: {  	_ =	shalt  }
0x58: {  	_ =	shalt  }
0x59: {  	_ =	shalt  }
0x5a: {  	_ =	shalt  }
0x5b: {  	_ =	shalt  }
0x5c: {  	_ =	shalt  }
0x5d: {  	_ =	shalt  }
0x5e: {  	_ =	shalt  }
0x5f: {  	_ =	shalt  }
0x60: {  	_ =	shalt  }
0x61: {  	_ =	shalt  }
0x62: {  	_ =	shalt  }
0x63: {  	_ =	shalt  }
0x64: {  	_ =	shalt  }
0x65: {  	_ =	shalt  }
0x66: {  	_ =	shalt  }
0x67: {  	_ =	shalt  }
0x68: {  	_ =	shalt  }
0x69: {  	_ =	shalt  }
0x6a: {  	_ =	shalt  }
0x6b: {  	_ =	shalt  }
0x6c: {  	_ =	shalt  }
0x6d: {  	_ =	shalt  }
0x6e: {  	_ =	shalt  }
0x6f: {  	_ =	shalt  }
0x70: {  	_ =	shalt  }
0x71: {  	_ =	shalt  }
0x72: {  	_ =	shalt  }
0x73: {  	_ =	shalt  }
0x74: {  	_ =	shalt  }
0x75: {  	_ =	shalt  }
0x76: {  	_ =	shalt  }
0x77: {  	_ =	shalt  }
0x78: {  	_ =	shalt  }
0x79: {  	_ =	shalt  }
0x7a: {  	_ =	shalt  }
0x7b: {  	_ =	shalt  }
0x7c: {  	_ =	shalt  }
0x7d: {  	_ =	shalt  }
0x7e: {  	_ =	shalt  }
0x7f: {  	_ =	shalt  }
0x80: {  	_ =	shalt  }
0x81: {  	_ =	shalt  }
0x82: {  	_ =	shalt  }
0x83: {  	_ =	shalt  }
0x84: {  	_ =	shalt  }
0x85: {  	_ =	shalt  }
0x86: {  	_ =	shalt  }
0x87: {  	_ =	shalt  }
.Lfunc_end0:
.L_simem_size_0:
called_computation.2_lowered:
.L_overlay_start_0:
0x88: {  	s2 =	sld [smem:$0x3FD9]  }
0x89: {  	s3 =	sld [smem:$0x3FFE];
	_ =	sdelay $0x1  }
0x8a: {  	s1 =	srdreg.scid  }
0x8b: {  	s0 =	sand.u32 $0x1, s1  }
0x8c: {  	s14 =	sshll.u32 s0, $0xA;
	s2 =	sadd.s32 s3, s2  }
0x8d: {  	s2 =	sadd.s32 s2, s14  }
0x8e: {  	[smem:$0x3FBD] =	sst s2  }
0x8f: {  	_ = 	snop  }
0x90: {  	s2 =	sld [smem:$0x3FD0];
	_ =	sdelay $0x2  }
0x91: {  	s15 =	simm.s32 $0xA;
	s4 =	simm.s32 $0x10  }
0x92: {  	[smem:s4], [sflag:s15] =	dma.local [hbm:s2], $0x1  }
0x93: {  	_ =	swait.eq [sflag:s15], $0x1  }
0x94: {  	[sflag:s15] =	ssyncset.done $0x0  }
0x95: {  	[sflag:s15] =	ssyncadd.s32 $0xFFFFFFFF  }
0x96: {  	s16 =	sld [smem:$0x10];
	(tm) =	ssettm $0x1  }
0x97: {  	s17 =	sld [smem:$0x3FFB];
	_ =	sdelay $0x3  }
0x98: {  	_ =	strace s17  }
0x99: {  	s3 =	sld [smem:$0x3FFC];
	_ =	sdelay $0x3  }
0x9a: {  	_ =	strace s3  }
0x9b: {  	s3 =	sld [smem:$0x3FFD];
	_ =	sdelay $0x3  }
0x9c: {  	_ =	strace s3  }
0x9d: {  	_ =	strace $0x8FFFFFFF  }
0x9e: {  	s18 =	sld [smem:$0x3FDB];
	_ =	sdelay $0x1  }
0x9f: {  	s19 =	simm.s32 $_scs_section_size  }
0xa0: {  	s5 =	simm.s32 $_size__tile_overlayer_lowered;
	s6 =	simm.s32 $_tile_overlayer_lowered  }
0xa1: {  	s22 =	simm.s32 $0x1BFF;
	s21 =	sshll.u32 s6, $0x1;
	s3 =	sadd.s32 s19, s18  }
0xa2: {  	s7 =	simm.s32 $0x0;
	s20 =	sshll.u32 s5, $0x1;
	s5 =	sadd.s32 s21, s3  }
0xa3: {  	[timem:s7], [sflag:s22] =	dma.local [hbm:s5], s20  }
0xa4: {  	_ =	swait.ge [sflag:s22], s20  }
0xa5: {  	s4 =	ssub.s32 $0x0, s20;
	[sflag:s22] =	ssyncset.done $0x0  }
0xa6: {  	[sflag:s22] =	ssyncadd.s32 s4;
	_ =	sdelay $0x1  }
0xa7: {  	s23 =	simm.s32 $0x1B8B  }
0xa8: {  	_ =	swait.ge [sflag:s23], $0x1  }
0xa9: {  	[sflag:s23] =	ssyncset.done $0x0  }
0xaa: {  	s25 =	simm.s32 $0x1B8E;
	s24 =	sld [smem:$0x3FFE];
	[sflag:s23] =	ssyncadd.s32 $0xFFFFFFFF  }
0xab: {  	s26 =	simm.s32 $execute0_lowered;
	[smem:$0x3FD2] =	sst s25  }
0xac: {  	s5 =	sshll.u32 s26, $0x1;
	_ =	strace $0x8000004C;
	[dreg:$0x1] =	wrdreg $0xFFFFFFFF  }
0xad: {  	s28 =	simm.s32 $_size_execute0_lowered;
	s3 =	sadd.s32 s3, s5;
	[dreg:$0x0] =	wrdreg $0x0  }
0xae: {  	s5 =	sshll.u32 s28, $0x1;
	[dreg:$0x2] =	wrdreg s3  }
0xaf: {  	[dreg:$0x3] =	wrdreg s5  }
0xb0: {  	[dreg:$0x4] =	wrdreg $0xC0  }
0xb1: {  	_ =	task [dreg:s7], $0x5FFFF  }
0xb2: {  	[dreg:$0x1] =	wrdreg $0xFFFFFFFF  }
0xb3: {  	[dreg:$0x0] =	wrdreg $0x60  }
0xb4: {  	[dreg:$0x2] =	wrdreg s24  }
0xb5: {  	[dreg:$0x3] =	wrdreg s16  }
0xb6: {  	[dreg:$0x4] =	wrdreg $0xA4000  }
0xb7: {  	[dreg:$0x5] =	wrdreg $0x9  }
0xb8: {  	_ =	task.clear_ibuf [dreg:s7], $0x6FFFF;
	_ =	strace $0x9000004C  }
0xb9: {  	s29 =	simm.s32 $0x9;
	_ =	strace $0x8000004E  }
0xba: {  	_ =	swait.ge [sflag:s29], $0x1  }
0xbb: {  	[sflag:s29] =	ssyncadd.s32 $0xFFFFFFFF  }
0xbc: {  	_ =	strace $0x9000004E  }
0xbd: {  	_ =	sfence  }
0xbe: {  	s30 =	sld [smem:$0x0];
	_ =	sdelay $0x2  }
0xbf: {  	s31 =	sshll.u32 s1, $0xD;
	s1 =	sshrl.u32 s1, $0x2  }
0xc0: {  	s3 =	sand.u32 $0x4000, s31;
	s1 =	sadd.s32 s1, s30  }
0xc1: {  	s0 =	sor.u32 s3, s0;
	s1 =	sshll.u32 s1, $0x11  }
0xc2: {  	s0 =	sor.u32 s1, s0  }
0xc3: {  	s0 =	sadd.s32 $0x8F2B, s0  }
0xc4: {  	[sflag:s0] =	ssyncadd.remote.s32 $0x1  }
0xc5: {  	_ =	sfence.sel $0xFFFF  }
0xc6: {  	[dreg:$0x0] =	wrdreg $0xFFFFFFFF;
	(pc) =	sbr.abs _section_cstart, $3  }
0xc7: {  	[dreg:$0x1] =	wrdreg $0xFFFFFFFF  }
0xc8: {  	_ =	task.clear_ibuf [dreg:s7], $0x2FFFF;
	_ =	strace $0x9FFFFFFF  }
0xc9: {  	(tm) =	ssettm $0x7FFFFFFF  }
tec
execute0_lowered:
.L_overlay_start_1:
0x0: {  	(tag) =	ssettag $0x1  }
0x1: {  	s0 =	rddreg [dreg:$0x0]  }
0x2: {  	s12 =	rddreg [dreg:$0x1]  }
0x3: {  	s3 =	rddreg [dreg:$0x2]  }
0x4: {  	s2 =	stileid.u32;
	s1 =	srdreg.scid  }
0x5: {  	s4 =	simm.s32 $0x0;
	s28 =	simm.s32 $0x50;
	s29 =	simm.s32 $0x400  }
0x6: {  	s30 =	simm.s32 $0x200;
	s6 =	smul.u32 $0x14000, s2;
	s1 =	sand.u32 $0x1, s1  }
0x7: {  	[smem:$0x7FF] =	sst s4;
	s5 =	sadd.s32 $0xD600, s0;
	s10 =	smul.u32 $0x50000, s2  }
0x8: {  	s11 =	sshll.u32 s2, $0x1;
	s31 =	sshll.u32 s2, $0x6;
	s13 =	smul.u32 $0x4E20, s2  }
0x9: {  	s7 =	smul.u32 $0x140000, s1;
	_ =	strace $0x8000004D;
	s9 =	ssub.s32 $0x2, s1  }
0xa: {  	s11 =	sor.u32 s1, s11;
	s16 =	sor.u32 $0x1C11, s31;
	s1 =	smul.u32 $0x2710, s1  }
0xb: {  	s8 =	sshrl.u32 s6, $0x3;
	s25 =	sshrl.u32 s9, $0x1;
	s10 =	sshrl.u32 s10, $0x2  }
0xc: {  	s26 =	smul.u32 $0x2710, s11;
	s11 =	simm.s32 $0xD;
	[dreg:$0x7] =	wrdreg s16  }
0xd: {  	s7 =	sadd.s32 s6, s7;
	s6 =	sadd.s32 $0x3800, s0;
	s8 =	sadd.s32 s8, s0  }
0xe: {  	s9 =	ssub.s32 s9, s25;
	s10 =	sadd.s32 s10, s3;
	s1 =	sadd.s32 s1, s13  }
0xf: {  	s13 =	simm.s32 $0x300;
	s7 =	sshrl.u32 s7, $0x3;
	[dreg:$0x5] =	wrdreg s10  }
0x10: {  	s8 =	sadd.s32 $0x35600, s8;
	[dreg:$0x4] =	wrdreg s26;
	s10 =	sshrl.u32 s26, $0x3  }
0x11: {  	s20 =	sadd.s32 $0x190, s1;
	s21 =	smax.u32 s9, $0x1;
	s22 =	sadd.s32 $0x230, s1  }
0x12: {  	s24 =	sadd.s32 $0x1E0, s1;
	s26 =	sadd.s32 $0xF0, s1;
	s1 =	sadd.s32 $0x140, s1  }
0x13: {  	s9 =	simm.s32 $0x3;
	s0 =	sadd.s32 s7, s0;
	[dreg:$0x6] =	wrdreg s8  }
0x14: {  	s14 =	sadd.s32 s12, s10;
	s15 =	sadd.s32 $0xA, s10;
	s7 =	sadd.s32 s6, s10  }
0x15: {  	s23 =	sadd.s32 $0x1E, s10;
	[dreg:$0xf] =	wrdreg s21;
	s8 =	sshrl.u32 s22, $0x3  }
0x16: {  	s25 =	sshrl.u32 s24, $0x3;
	[dreg:$0x10] =	wrdreg s1;
	s24 =	sshrl.u32 s26, $0x3  }
0x17: {  	s1 =	simm.s32 $0x9;
	[dreg:$0x9] =	wrdreg s7;
	s17 =	sadd.s32 s12, s15  }
0x18: {  	s18 =	sadd.s32 s6, s15;
	[dreg:$0x8] =	wrdreg s14;
	s2 =	sadd.s32 $0x14, s14  }
0x19: {  	s19 =	sadd.s32 s12, s23;
	s0 =	sadd.s32 $0x85600, s0;
	[dreg:$0xa] =	wrdreg s17  }
0x1a: {  	s21 =	sadd.s32 s8, s12;
	s31 =	sadd.s32 s25, s12;
	[dreg:$0xb] =	wrdreg s18  }
.Ltmp0:
0x1b: {  	s8 =	simm.s32 $0x5;
	[dreg:$0xc] =	wrdreg s2;
	(pc) =	sbr.rel .LBB2_1-.Ltmp0, $4  }
0x1c: {  	s14 =	simm.s32 $0xB;
	s15 =	simm.s32 $0x7;
	[dreg:$0xd] =	wrdreg s19  }
0x1d: {  	s7 =	simm.s32 $0x0;
	[dreg:$0xe] =	wrdreg s0;
	s0 =	sshrl.u32 s20, $0x3  }
0x1e: {  	[dreg:$0x11] =	wrdreg s31;
	s2 =	simm.s32 $0x11;
	s17 =	simm.s32 $0x1  }
0x1f: {  	s20 =	sadd.s32 s0, s6;
	s25 =	sadd.s32 s0, s12;
	s12 =	simm.s32 $0x5400  }
.LBB2_8:
0x20: {  	s0 =	simm.s32 $0x10  }
0x21: {  	_ =	swait.ge [sflag:s0], $0x2800  }
0x22: {  	[sflag:s0] =	ssyncset.done $0x0  }
0x23: {  	[sflag:s0] =	ssyncadd.s32 $0xFFFFD800  }
0x24: {  	_ =	swait.ge [sflag:s11], $0x2800  }
0x25: {  	[sflag:s11] =	ssyncset.done $0x0  }
0x26: {  	[sflag:s11] =	ssyncadd.s32 $0xFFFFD800  }
0x27: {  	[bflag:$0x0] =	sbarrier.arrive $0xFFFF  }
0x28: {  	s16 =	rddreg [dreg:$0x7]  }
0x29: {  	s26 =	rddreg [dreg:$0xe]  }
0x2a: {  	s2 =	rddreg [dreg:$0x13]  }
0x2b: {  	[hbm:s26], [sflag:s16] =	dma.local [spmem:s2], $0x2800  }
0x2c: {  	s2 =	simm.s32 $0x11  }
0x2d: {  	_ =	swait.ge [sflag:s2], $0x2800  }
0x2e: {  	s7 =	rddreg [dreg:$0x12]  }
0x2f: {  	s31 =	rddreg [dreg:$0xf];
	s7 =	sadd.s32 $0x1, s7  }
0x30: {  	p0 =	sne.s32 s7, s31  }
.Ltmp1:
0x31: {  	_ = 	snop;
	(pc) =	sbr.rel @!p0 .LBB2_9-.Ltmp1, $3  }
0x32: {  	_ =	sdelay $0x1  }
0x33: {  	[sflag:s2] =	ssyncset.done $0x0  }
0x34: {  	[sflag:s2] =	ssyncadd.s32 $0xFFFFD800  }
.LBB2_1:
0x35: {  	[dreg:$0x12] =	wrdreg s7  }
0x36: {  	s0 =	rddreg [dreg:$0x5]  }
0x37: {  	s10 =	rddreg [dreg:$0x6];
	s0 =	sshrl.u32 s0, $0x3  }
0x38: {  	[dreg:$0x13] =	wrdreg s0  }
0x39: {  	[spmem:s0], [sflag:s16] =	dma.local [hbm:s10], $0x2800  }
0x3a: {  	_ =	swait.ge [sflag:s2], $0x2800  }
0x3b: {  	[sflag:s2] =	ssyncset.done $0x0  }
0x3c: {  	[sflag:s2] =	ssyncadd.s32 $0xFFFFD800  }
0x3d: {  	[bflag:$0x0] =	sbarrier.arrive $0xFFFF  }
0x3e: {  	s18 =	rddreg [dreg:$0x8]  }
0x3f: {  	[tilespmem:s4], [sflag:$0x11] =	stream.linear.gather [hbm4b:s18+s4], $0x50, $0x38;
	[tilespmem:$0x1E400] =	vst v63  }
0x40: {  	_ =	swait.ge [sflag:s2], $0x50  }
0x41: {  	[sflag:s2] =	ssyncset.done $0x0  }
0x42: {  	[sflag:s2] =	ssyncadd.s32 $0xFFFFFFB0  }
0x43: {  	[tilespmem:s29], [sflag:$0x9] =	stream.indirect.gather [hbm4b:s5+s28], $0x80, s4, s28, $0xb8;
	[tilespmem:$0x1E400] =	vst v63  }
0x44: {  	s19 =	rddreg [dreg:$0x9]  }
0x45: {  	[tilespmem:s30], [sflag:$0x5] =	stream.linear.gather [hbm4b:s19+s4], $0x50, $0x38;
	[tilespmem:$0x1E400] =	vst v63  }
0x46: {  	s26 =	simm.s32 $0x80;
	s22 =	rddreg [dreg:$0xa]  }
0x47: {  	[tilespmem:s26], [sflag:$0x11] =	stream.linear.gather [hbm4b:s22+s4], $0x50, $0x38;
	[tilespmem:$0x1E400] =	vst v63  }
0x48: {  	_ =	swait.ge [sflag:s2], $0x50  }
0x49: {  	[sflag:s2] =	ssyncset.done $0x0  }
0x4a: {  	[sflag:s2] =	ssyncadd.s32 $0xFFFFFFB0;
	s2 =	simm.s32 $0x2C00  }
0x4b: {  	[tilespmem:s2], [sflag:$0xA] =	stream.indirect.gather [hbm4b:s5+s28], $0x80, s26, s28, $0xb8;
	[tilespmem:$0x1E400] =	vst v63  }
0x4c: {  	s16 =	simm.s32 $0x280;
	s10 =	rddreg [dreg:$0xb]  }
0x4d: {  	[tilespmem:s16], [sflag:$0x6] =	stream.linear.gather [hbm4b:s10+s4], $0x50, $0x38;
	[tilespmem:$0x1E400] =	vst v63  }
.Ltmp2:
0x4e: {  	s19 =	simm.s32 $0x100;
	s18 =	rddreg [dreg:$0xc];
	(pc) =	sbr.rel .LBB2_2-.Ltmp2, $4  }
0x4f: {  	[tilespmem:s19], [sflag:$0x3] =	stream.linear.gather [hbm4b:s18+s4], $0x50, $0x38;
	[tilespmem:$0x1E400] =	vst v63  }
0x50: {  	s31 =	simm.s32 $0x2;
	s22 =	rddreg [dreg:$0xd];
	s26 =	simm.s32 $0x180  }
0x51: {  	[tilespmem:s26], [sflag:$0x4] =	stream.linear.gather [hbm4b:s22+s4], $0x50, $0x38;
	[tilespmem:$0x1E400] =	vst v63  }
0x52: {  	s10 =	simm.s32 $0x0;
	s18 =	rddreg [dreg:$0x10];
	s22 =	simm.s32 $0x0  }
.LBB2_7:
0x53: {  	s2 =	simm.s32 @!p2 $0xC  }
0x54: {  	_ =	swait.ge @!p2 [sflag:s2], $0x2800  }
0x55: {  	p1 =	por !p3, p2;
	[sflag:s2] =	ssyncset.done @!p2 $0x0  }
0x56: {  	[sflag:s2] =	ssyncadd.s32 @!p2 $0xFFFFD800;
	s2 =	simm.s32 @!p1 $0x8  }
0x57: {  	_ =	swait.ge @!p1 [sflag:s2], $0x50  }
0x58: {  	s7 =	simm.s32 @!p1 $0x380;
	[sflag:s2] =	ssyncset.done @!p1 $0x0  }
0x59: {  	s16 =	simm.s32 @!p1 $0x7C00;
	[sflag:s2] =	ssyncadd.s32 @!p1 $0xFFFFFFB0;
	s2 =	simm.s32 @!p1 $0x50  }
0x5a: {  	[spmem:s3] =	stream.indirect.scatter.add.f32 @!p1 [tilespmem:s16], [sflag:$0x10], $0x80, s7, s2, $0xb8;
	[tilespmem:$0x1E400] =	vst v63  }
0x5b: {  	s2 =	simm.s32 @!p1 $0xE  }
0x5c: {  	_ =	swait.ge @!p1 [sflag:s2], $0x2800  }
0x5d: {  	[sflag:s2] =	ssyncset.done @!p1 $0x0  }
0x5e: {  	s7 =	simm.s32 @!p0 $0x180;
	[sflag:s2] =	ssyncadd.s32 @!p1 $0xFFFFD800;
	s2 =	sadd.s32 @!p0 s10, s21  }
0x5f: {  	[tilespmem:s7], [sflag:$0x4] =	stream.linear.gather @!p0 [hbm4b:s2+s26], $0x50, $0x38;
	[tilespmem:$0x1E400] =	vst v63  }
0x60: {  	s2 =	simm.s32 @!p0 $0x8  }
0x61: {  	_ =	swait.ge @!p0 [sflag:s2], $0x50  }
0x62: {  	s16 =	simm.s32 @!p0 $0x7C00;
	[sflag:s2] =	ssyncset.done @!p0 $0x0  }
0x63: {  	s7 =	simm.s32 @!p0 $0x380;
	[sflag:s2] =	ssyncadd.s32 @!p0 $0xFFFFFFB0;
	s2 =	simm.s32 @!p0 $0x50  }
0x64: {  	[spmem:s3] =	stream.indirect.scatter.add.f32 @!p0 [tilespmem:s16], [sflag:$0x10], $0x80, s7, s2, $0xb8;
	[tilespmem:$0x1E400] =	vst v63  }
0x65: {  	s7 =	simm.s32 @!p0 $0xE  }
0x66: {  	_ =	swait.ge @!p0 [sflag:s7], $0x2800  }
0x67: {  	[sflag:s7] =	ssyncset.done @!p0 $0x0  }
0x68: {  	[sflag:s7] =	ssyncadd.s32 @!p0 $0xFFFFD800;
	s7 =	simm.s32 @!p0 $0x2  }
0x69: {  	_ =	swait.ge @!p0 [sflag:s7], $0x50  }
0x6a: {  	[sflag:s7] =	ssyncset.done @!p0 $0x0  }
0x6b: {  	[sflag:s7] =	ssyncadd.s32 @!p0 $0xFFFFFFB0;
	s7 =	simm.s32 @!p0 $0x2C00  }
0x6c: {  	[tilespmem:s7], [sflag:$0xA] =	stream.indirect.gather @!p0 [hbm4b:s5+s2], $0x80, s0, s2, $0xb8;
	[tilespmem:$0x1E400] =	vst v63  }
0x6d: {  	s0 =	sadd.s32 @!p0 s10, s20;
	s2 =	simm.s32 @!p0 $0x280;
	s10 =	sadd.s32 $0x28, s10  }
0x6e: {  	[tilespmem:s2], [sflag:$0x6] =	stream.linear.gather @!p0 [hbm4b:s0+s26], $0x50, $0x38;
	[tilespmem:$0x1E400] =	vst v63  }
0x6f: {  	p0 =	sne.s32 s10, $0x500  }
.Ltmp3:
0x70: {  	_ = 	snop;
	(pc) =	sbr.rel @!p0 .LBB2_8-.Ltmp3, $2  }
0x71: {  	_ =	sdelay $0x2  }
0x72: {  	s22 =	sadd.s32 $0x1, s22;
	s18 =	sadd.s32 $0x140, s18;
	s31 =	sadd.s32 $0x4, s31  }
.LBB2_2:
0x73: {  	_ =	swait.ge [sflag:s1], $0x2800  }
0x74: {  	[sflag:s1] =	ssyncset.done $0x0  }
0x75: {  	p1 =	seq.s32 s10, $0x4D8;
	[sflag:s1] =	ssyncadd.s32 $0xFFFFD800  }
0x76: {  	s0 =	sshrl.u32 @!p1 s18, $0x3;
	s2 =	rddreg [dreg:$0x1]  }
0x77: {  	p0 =	seq.s32 s10, $0x0;
	s26 =	simm.s32 @!p1 $0x0;
	s0 =	sadd.s32 @!p1 s2, s0  }
0x78: {  	[tilespmem:s26], [sflag:$0x1] =	stream.linear.gather @!p1 [hbm4b:s0+s26], $0x50, $0x38;
	[tilespmem:$0x1E400] =	vst v63  }
0x79: {  	p2 =	sgt.u32 @!p0 s31, $0x7C;
	_ =	swait.ge [sflag:s8], $0x50  }
0x7a: {  	p2 =	por p0, !p2;
	[sflag:s8] =	ssyncset.done $0x0  }
.Ltmp4:
0x7b: {  	s0 =	simm.s32 @!p0 $0xF;
	[sflag:s8] =	ssyncadd.s32 $0xFFFFFFB0;
	(pc) =	sbr.rel @!p2 .LBB2_4-.Ltmp4, $4  }
0x7c: {  	[spmem:s3] =	stream.indirect.scatter.add.f32 [tilespmem:s29], [sflag:$0xD], $0x80, s30, s28, $0xb8;
	[tilespmem:$0x1E400] =	vst v63  }
0x7d: {  	_ =	swait.ge @!p0 [sflag:s0], $0x2800  }
0x7e: {  	[sflag:s0] =	ssyncset.done @!p0 $0x0  }
0x7f: {  	p4 =	por @!p0 $0x0, $0x0;
	[sflag:s0] =	ssyncadd.s32 @!p0 $0xFFFFD800  }
0x80: {  	s0 =	smov.u32 s31;
	_ =	swait.ge [sflag:s9], $0x50  }
0x81: {  	s2 =	simm.s32 $0x100;
	s0 =	simm.s32 @p0 $0x2;
	[sflag:s9] =	ssyncset.done $0x0  }
0x82: {  	s26 =	rddreg [dreg:$0x4];
	[sflag:s9] =	ssyncadd.s32 $0xFFFFFFB0;
	s0 =	smul.u32 $0x50, s0  }
0x83: {  	[tilespmem:s12], [sflag:$0xB] =	stream.indirect.gather [hbm4b:s5+s28], $0x80, s2, s28, $0xb8;
	[tilespmem:$0x1E400] =	vst v63  }
0x84: {  	s0 =	sadd.s32 s26, s0  }
0x85: {  	s0 =	sshrl.u32 s0, $0x3  }
0x86: {  	p4 =	por $0x1, $0x1;
	s0 =	sadd.s32 s6, s0  }
0x87: {  	[tilespmem:s13], [sflag:$0x7] =	stream.linear.gather [hbm4b:s0+s4], $0x50, $0x38;
	[tilespmem:$0x1E400] =	vst v63  }
.LBB2_4:
0x88: {  	p2 =	sgt.u32 s22, $0x1E  }
0x89: {  	s0 =	simm.s32 @!p2 $0xA;
	p3 =	seq.s32 @!p2 s10, $0x4B0  }
0x8a: {  	_ =	swait.ge @!p2 [sflag:s0], $0x2800;
	p0 =	por p3, p2  }
0x8b: {  	[sflag:s0] =	ssyncset.done @!p2 $0x0;
	s19 =	sadd.s32 @!p0 s10, s25  }
0x8c: {  	s26 =	simm.s32 @!p0 $0x0;
	[sflag:s0] =	ssyncadd.s32 @!p2 $0xFFFFD800;
	s0 =	simm.s32 @!p0 $0x80  }
0x8d: {  	[tilespmem:s0], [sflag:$0x2] =	stream.linear.gather @!p0 [hbm4b:s19+s26], $0x50, $0x38;
	[tilespmem:$0x1E400] =	vst v63  }
0x8e: {  	s19 =	simm.s32 @!p2 $0x6  }
0x8f: {  	p5 =	seq.s32 @!p2 s10, $0x0;
	_ =	swait.ge @!p2 [sflag:s19], $0x50  }
0x90: {  	s2 =	simm.s32 @!p2 $0x280;
	s7 =	simm.s32 @!p2 $0x2C00;
	[sflag:s19] =	ssyncset.done @!p2 $0x0  }
0x91: {  	p6 =	por p5, p2;
	[sflag:s19] =	ssyncadd.s32 @!p2 $0xFFFFFFB0;
	s19 =	simm.s32 @!p2 $0x50  }
0x92: {  	[spmem:s3] =	stream.indirect.scatter.add.f32 @!p2 [tilespmem:s7], [sflag:$0xE], $0x80, s2, s19, $0xb8;
	[tilespmem:$0x1E400] =	vst v63  }
0x93: {  	s2 =	simm.s32 @!p6 $0x10  }
0x94: {  	_ =	swait.ge @!p6 [sflag:s2], $0x2800  }
0x95: {  	[sflag:s2] =	ssyncset.done @!p6 $0x0  }
0x96: {  	s16 =	smov.u32 s23;
	[sflag:s2] =	ssyncadd.s32 @!p6 $0xFFFFD800;
	s2 =	simm.s32 @!p2 $0x4  }
0x97: {  	p5 =	por !p5, p2;
	s7 =	sadd.s32 @!p6 s10, s24;
	_ =	swait.ge @!p2 [sflag:s2], $0x50  }
.Ltmp5:
0x98: {  	s16 =	smov.u32 @p5 s7;
	[sflag:s2] =	ssyncset.done @!p2 $0x0;
	(pc) =	sbr.rel @!p4 .LBB2_7-.Ltmp5, $4  }
0x99: {  	s7 =	simm.s32 @!p2 $0x7C00;
	[sflag:s2] =	ssyncadd.s32 @!p2 $0xFFFFFFB0;
	s2 =	simm.s32 @!p2 $0x180  }
0x9a: {  	[tilespmem:s7], [sflag:$0xC] =	stream.indirect.gather @!p2 [hbm4b:s5+s19], $0x80, s2, s19, $0xb8;
	[tilespmem:$0x1E400] =	vst v63  }
0x9b: {  	s2 =	sadd.s32 @!p2 s6, s16;
	s7 =	simm.s32 @!p2 $0x0;
	s16 =	simm.s32 @!p2 $0x380  }
0x9c: {  	[tilespmem:s16], [sflag:$0x8] =	stream.linear.gather @!p2 [hbm4b:s2+s7], $0x50, $0x38;
	[tilespmem:$0x1E400] =	vst v63  }
0x9d: {  	_ =	swait.ge [sflag:s14], $0x2800;
	p4 =	sgt.u32 s22, $0x1D  }
0x9e: {  	[sflag:s14] =	ssyncset.done $0x0;
	s2 =	rddreg [dreg:$0x11];
	s7 =	simm.s32 @!p4 $0x0  }
0x9f: {  	s16 =	simm.s32 @!p4 $0x100;
	[sflag:s14] =	ssyncadd.s32 $0xFFFFD800;
	s2 =	sadd.s32 @!p4 s10, s2  }
0xa0: {  	[tilespmem:s16], [sflag:$0x3] =	stream.linear.gather @!p4 [hbm4b:s2+s7], $0x50, $0x38;
	[tilespmem:$0x1E400] =	vst v63  }
0xa1: {  	_ =	swait.ge [sflag:s15], $0x50  }
0xa2: {  	[sflag:s15] =	ssyncset.done $0x0  }
.Ltmp6:
0xa3: {  	[sflag:s15] =	ssyncadd.s32 $0xFFFFFFB0;
	(pc) =	sbr.rel @p1 .LBB2_8-.Ltmp6, $4  }
0xa4: {  	[spmem:s3] =	stream.indirect.scatter.add.f32 [tilespmem:s12], [sflag:$0xF], $0x80, s13, s28, $0xb8;
	[tilespmem:$0x1E400] =	vst v63  }
0xa5: {  	_ =	swait.ge [sflag:s11], $0x2800  }
0xa6: {  	[sflag:s11] =	ssyncset.done $0x0  }
0xa7: {  	[sflag:s11] =	ssyncadd.s32 $0xFFFFD800  }
0xa8: {  	_ =	swait.ge [sflag:s17], $0x50  }
.Ltmp7:
0xa9: {  	[sflag:s17] =	ssyncset.done $0x0;
	(pc) =	sbr.rel .LBB2_7-.Ltmp7, $4  }
0xaa: {  	s2 =	sshrl.u32 s18, $0x3;
	[sflag:s17] =	ssyncadd.s32 $0xFFFFFFB0  }
0xab: {  	[tilespmem:s29], [sflag:$0x9] =	stream.indirect.gather [hbm4b:s5+s28], $0x80, s4, s28, $0xb8;
	[tilespmem:$0x1E400] =	vst v63  }
0xac: {  	s2 =	sadd.s32 s6, s2  }
0xad: {  	[tilespmem:s30], [sflag:$0x5] =	stream.linear.gather [hbm4b:s2+s4], $0x50, $0x38;
	[tilespmem:$0x1E400] =	vst v63  }
.LBB2_9:
0xae: {  	_ =	sfence.sel $0x180000  }
0xaf: {  	[bflag:$0x0] =	sbarrier.arrive $0xFFFF  }
0xb0: {  	_ =	strace $0x9000004D  }
0xb1: {  	s0 =	stileid.u32;
	[bflag:$0x2] =	sbarrier.arrive $0xFFFF  }
0xb2: {  	p0 =	sne.s32 s0, $0x0;
	s0 =	rddreg [dreg:$0x3]  }
0xb3: {  	s0 =	sadd.s32 @!p0 $0x100000, s0  }
0xb4: {  	[sflag:s0] =	ssyncadd.tile.s32 @!p0 $0x1;
	_ =	shalt  }
.Lfunc_end2:
_tile_overlayer_lowered:
.L_overlay_start_2:
0xb5: {  	(tag) =	ssettag $0x2  }
0xb6: {  	s0 =	rddreg [dreg:$0x0];
	s2 =	stileid.u32  }
0xb7: {  	s1 =	rddreg [dreg:$0x1];
	p0 =	sne.s32 s2, $0x0  }
0xb8: {  	s3 =	rddreg [dreg:$0x2];
	[bflag:$0x3] =	sbarrier.arrive $0xFFFF;
	s2 =	simm.s32 @!p0 $0x1C11  }
0xb9: {  	[timem:s3], [sflag:s2] =	dma.local @!p0 [hbm:s0], s1  }
0xba: {  	s0 =	simm.s32 @!p0 $0x11  }
0xbb: {  	_ =	swait.ge @!p0 [sflag:s0], s1  }
0xbc: {  	s1 =	ssub.s32 @!p0 $0x0, s1;
	[sflag:s0] =	ssyncset.done @!p0 $0x0  }
0xbd: {  	[sflag:s0] =	ssyncadd.s32 @!p0 s1  }
0xbe: {  	[bflag:$0x3] =	sbarrier.arrive $0xFFFF  }
0xbf: {  	_ =	shalt  }

// kernel: kernel.19.cloned.1.call-start
scs
__scs_entry_jumppad:
0x0: {  	(pc) =	sbr.rel $0x88, $3  }
0x1: {  	(tag) =	ssettag $0x0;
	lr =	simm.s32 $0x1  }
0x2: {  	[smem:$0x3F96] =	sst lr;
	_ =	strace $0xD0000000  }
0x3: {  	_ = 	snop  }
0x4: {  	_ = 	snop  }
0x5: {  	_ = 	snop  }
0x6: {  	_ = 	snop  }
0x7: {  	_ = 	snop  }
__scs_overlays_trampoline_lowered:
0x8: {  	[smem:$0x3FA5] =	sst s0  }
0x9: {  	[smem:$0x3FA6] =	sst s1  }
0xa: {  	[smem:$0x3FA7] =	sst s2  }
0xb: {  	[smem:$0x3FA8] =	sst s3  }
0xc: {  	[smem:$0x3FA9] =	sst s4  }
0xd: {  	[smem:$0x3FAA] =	sst s5  }
0xe: {  	[smem:$0x3FAB] =	sst s6  }
0xf: {  	[smem:$0x3FAC] =	sst s7  }
0x10: {  	[smem:$0x3FAD] =	sst s8  }
0x11: {  	[smem:$0x3FAE] =	sst s9;
	s0 =	simm.s32 @!p0 $0x0  }
0x12: {  	s1 =	sld [smem:$0x3F94];
	s0 =	simm.s32 @p0 $0x1  }
0x13: {  	[smem:$0x3FAF] =	sst s0;
	s0 =	simm.s32 @!p1 $0x0  }
0x14: {  	s2 =	sld [smem:$0x3F93];
	s0 =	simm.s32 @p1 $0x1  }
0x15: {  	[smem:$0x3FB0] =	sst s0;
	s0 =	simm.s32 @!p2 $0x0  }
0x16: {  	s3 =	sld [smem:$0x3FDB];
	s0 =	simm.s32 @p2 $0x1  }
0x17: {  	s4 =	simm.s32 $0x1BF5;
	[smem:$0x3FB2] =	sst s0  }
0x18: {  	s0 =	sld [smem:$0x3F95];
	_ =	swait.ge [sflag:s4], $0x0  }
0x19: {  	s7 =	sld [smem:$0x3F96]  }
0x1a: {  	s8 =	sadd.s32 $0xFFFFE003, lr  }
0x1b: {  	s9 =	sadd.s32 $0xFFFFFEF7, lr;
	s5 =	simm.s32 $0xFFFFFFFF;
	p2 =	slt.u32 s8, $0xFFFFF086  }
0x1c: {  	p1 =	slt.u32 s9, $0xF7A;
	s5 =	simm.s32 @!p2 $0x0  }
0x1d: {  	s5 =	simm.s32 @p1 $0x1;
	p0 =	seq.s32 s7, s2  }
0x1e: {  	s7 =	smul.u32 @!p0 $0xF7A, s2;
	p2 =	seq.s32 @!p0 s5, $0x0  }
0x1f: {  	s9 =	smul.u32 $0xF7A, s1;
	s8 =	simm.s32 @!p0 $0x1BF5;
	p2 =	por !p2, p0  }
0x20: {  	[sflag:s8] =	ssyncset.s32 @!p0 $0xFFFFF086;
	s6 =	sadd.s32 @!p0 s3, s7;
	s7 =	simm.s32 @!p0 $0x108  }
0x21: {  	s3 =	sadd.s32 s3, s9;
	s6 =	sadd.s32 @!p0 $0x88, s6;
	s7 =	simm.s32 @p2 $0x1082  }
0x22: {  	[simem:s7], [sflag:s8] =	dma.local @!p0 [hbm:s6], $0xF7A  }
0x23: {  	s9 =	sor.u32 $0xD0000000, s2;
	s6 =	simm.s32 $0x108;
	_ =	swait.ge @!p0 [sflag:s8], $0x0  }
0x24: {  	s3 =	sadd.s32 $0x88, s3;
	s6 =	simm.s32 @!p1 $0x1082;
	[sflag:s4] =	ssyncset.s32 $0xFFFFF086  }
0x25: {  	[simem:s6], [sflag:s4] =	dma.local [hbm:s3], $0xF7A  }
0x26: {  	[smem:$0x3F96] =	sst s1;
	(tag) =	ssettag s2;
	_ =	strace s9  }
0x27: {  	s1 =	sld [smem:$0x3FA6]  }
0x28: {  	s2 =	sld [smem:$0x3FA7]  }
0x29: {  	s4 =	sld [smem:$0x3FA9]  }
0x2a: {  	p0 =	seq.s32 s5, $0x0;
	s5 =	sld [smem:$0x3FAA]  }
0x2b: {  	s6 =	sld [smem:$0x3FAB]  }
0x2c: {  	s7 =	sld [smem:$0x3FAC]  }
0x2d: {  	s3 =	simm.s32 $0x108;
	s8 =	sld [smem:$0x3FAD]  }
0x2e: {  	s3 =	simm.s32 @!p0 $0x1082;
	s9 =	sld [smem:$0x3FAE]  }
0x2f: {  	lr =	sadd.s32 s0, s3;
	s0 =	sld [smem:$0x3FA5]  }
0x30: {  	s3 =	sld [smem:$0x3FA8]  }
0x31: {  	[smem:$0x3FB1] =	sst s10  }
0x32: {  	s10 =	sld [smem:$0x3FAF];
	_ =	sdelay $0x3  }
0x33: {  	p0 =	seq.s32 s10, $0x1;
	s10 =	sld [smem:$0x3FB1];
	_ =	sdelay $0x3  }
0x34: {  	[smem:$0x3FB1] =	sst s10  }
0x35: {  	s10 =	sld [smem:$0x3FB0];
	_ =	sdelay $0x3  }
0x36: {  	p1 =	seq.s32 s10, $0x1;
	s10 =	sld [smem:$0x3FB1];
	_ =	sdelay $0x3  }
0x37: {  	[smem:$0x3FB1] =	sst s10  }
0x38: {  	s10 =	sld [smem:$0x3FB2]  }
0x39: {  	_ = 	snop;
	(pc) =	sbr.ind lr, $3  }
0x3a: {  	_ = 	snop  }
0x3b: {  	_ = 	snop  }
0x3c: {  	p2 =	seq.s32 s10, $0x1;
	s10 =	sld [smem:$0x3FB1]  }
0x3d: {  	_ =	shalt  }
0x3e: {  	_ =	shalt  }
0x3f: {  	_ =	shalt  }
0x40: {  	_ =	shalt  }
0x41: {  	_ =	shalt  }
0x42: {  	_ =	shalt  }
0x43: {  	_ =	shalt  }
0x44: {  	_ =	shalt  }
0x45: {  	_ =	shalt  }
0x46: {  	_ =	shalt  }
0x47: {  	_ =	shalt  }
0x48: {  	_ =	shalt  }
0x49: {  	_ =	shalt  }
0x4a: {  	_ =	shalt  }
0x4b: {  	_ =	shalt  }
0x4c: {  	_ =	shalt  }
0x4d: {  	_ =	shalt  }
0x4e: {  	_ =	shalt  }
0x4f: {  	_ =	shalt  }
0x50: {  	_ =	shalt  }
0x51: {  	_ =	shalt  }
0x52: {  	_ =	shalt  }
0x53: {  	_ =	shalt  }
0x54: {  	_ =	shalt  }
0x55: {  	_ =	shalt  }
0x56: {  	_ =	shalt  }
0x57: {  	_ =	shalt  }
0x58: {  	_ =	shalt  }
0x59: {  	_ =	shalt  }
0x5a: {  	_ =	shalt  }
0x5b: {  	_ =	shalt  }
0x5c: {  	_ =	shalt  }
0x5d: {  	_ =	shalt  }
0x5e: {  	_ =	shalt  }
0x5f: {  	_ =	shalt  }
0x60: {  	_ =	shalt  }
0x61: {  	_ =	shalt  }
0x62: {  	_ =	shalt  }
0x63: {  	_ =	shalt  }
0x64: {  	_ =	shalt  }
0x65: {  	_ =	shalt  }
0x66: {  	_ =	shalt  }
0x67: {  	_ =	shalt  }
0x68: {  	_ =	shalt  }
0x69: {  	_ =	shalt  }
0x6a: {  	_ =	shalt  }
0x6b: {  	_ =	shalt  }
0x6c: {  	_ =	shalt  }
0x6d: {  	_ =	shalt  }
0x6e: {  	_ =	shalt  }
0x6f: {  	_ =	shalt  }
0x70: {  	_ =	shalt  }
0x71: {  	_ =	shalt  }
0x72: {  	_ =	shalt  }
0x73: {  	_ =	shalt  }
0x74: {  	_ =	shalt  }
0x75: {  	_ =	shalt  }
0x76: {  	_ =	shalt  }
0x77: {  	_ =	shalt  }
0x78: {  	_ =	shalt  }
0x79: {  	_ =	shalt  }
0x7a: {  	_ =	shalt  }
0x7b: {  	_ =	shalt  }
0x7c: {  	_ =	shalt  }
0x7d: {  	_ =	shalt  }
0x7e: {  	_ =	shalt  }
0x7f: {  	_ =	shalt  }
0x80: {  	_ =	shalt  }
0x81: {  	_ =	shalt  }
0x82: {  	_ =	shalt  }
0x83: {  	_ =	shalt  }
0x84: {  	_ =	shalt  }
0x85: {  	_ =	shalt  }
0x86: {  	_ =	shalt  }
0x87: {  	_ =	shalt  }
.Lfunc_end0:
.L_simem_size_0:
called_computation.3_lowered:
.L_overlay_start_0:
0x88: {  	s2 =	sld [smem:$0x3FD9]  }
0x89: {  	s3 =	sld [smem:$0x3FFE];
	_ =	sdelay $0x1  }
0x8a: {  	s1 =	srdreg.scid  }
0x8b: {  	s0 =	sand.u32 $0x1, s1  }
0x8c: {  	s14 =	sshll.u32 s0, $0xA;
	s2 =	sadd.s32 s3, s2  }
0x8d: {  	s2 =	sadd.s32 s2, s14  }
0x8e: {  	[smem:$0x3FBD] =	sst s2  }
0x8f: {  	_ = 	snop  }
0x90: {  	s2 =	sld [smem:$0x3FD0];
	_ =	sdelay $0x2  }
0x91: {  	s15 =	simm.s32 $0xA;
	s4 =	simm.s32 $0x10  }
0x92: {  	[smem:s4], [sflag:s15] =	dma.local [hbm:s2], $0x1  }
0x93: {  	_ =	swait.eq [sflag:s15], $0x1  }
0x94: {  	[sflag:s15] =	ssyncset.done $0x0  }
0x95: {  	[sflag:s15] =	ssyncadd.s32 $0xFFFFFFFF  }
0x96: {  	s16 =	sld [smem:$0x10];
	(tm) =	ssettm $0x1  }
0x97: {  	s17 =	sld [smem:$0x3FFB];
	_ =	sdelay $0x3  }
0x98: {  	_ =	strace s17  }
0x99: {  	s3 =	sld [smem:$0x3FFC];
	_ =	sdelay $0x3  }
0x9a: {  	_ =	strace s3  }
0x9b: {  	s3 =	sld [smem:$0x3FFD];
	_ =	sdelay $0x3  }
0x9c: {  	_ =	strace s3  }
0x9d: {  	_ =	strace $0x8FFFFFFF  }
0x9e: {  	s18 =	sld [smem:$0x3FDB];
	_ =	sdelay $0x1  }
0x9f: {  	s19 =	simm.s32 $_scs_section_size  }
0xa0: {  	s5 =	simm.s32 $_size__tile_overlayer_lowered;
	s6 =	simm.s32 $_tile_overlayer_lowered  }
0xa1: {  	s22 =	simm.s32 $0x1BFF;
	s21 =	sshll.u32 s6, $0x1;
	s3 =	sadd.s32 s19, s18  }
0xa2: {  	s7 =	simm.s32 $0x0;
	s20 =	sshll.u32 s5, $0x1;
	s5 =	sadd.s32 s21, s3  }
0xa3: {  	[timem:s7], [sflag:s22] =	dma.local [hbm:s5], s20  }
0xa4: {  	_ =	swait.ge [sflag:s22], s20  }
0xa5: {  	s4 =	ssub.s32 $0x0, s20;
	[sflag:s22] =	ssyncset.done $0x0  }
0xa6: {  	[sflag:s22] =	ssyncadd.s32 s4;
	_ =	sdelay $0x1  }
0xa7: {  	s23 =	simm.s32 $0x1B8B  }
0xa8: {  	_ =	swait.ge [sflag:s23], $0x1  }
0xa9: {  	[sflag:s23] =	ssyncset.done $0x0  }
0xaa: {  	s25 =	simm.s32 $0x1B8E;
	s24 =	sld [smem:$0x3FFE];
	[sflag:s23] =	ssyncadd.s32 $0xFFFFFFFF  }
0xab: {  	s26 =	simm.s32 $execute0_lowered;
	[smem:$0x3FD2] =	sst s25  }
0xac: {  	s5 =	sshll.u32 s26, $0x1;
	_ =	strace $0x8000004F;
	[dreg:$0x1] =	wrdreg $0xFFFFFFFF  }
0xad: {  	s28 =	simm.s32 $_size_execute0_lowered;
	s3 =	sadd.s32 s3, s5;
	[dreg:$0x0] =	wrdreg $0x0  }
0xae: {  	s5 =	sshll.u32 s28, $0x1;
	[dreg:$0x2] =	wrdreg s3  }
0xaf: {  	[dreg:$0x3] =	wrdreg s5  }
0xb0: {  	[dreg:$0x4] =	wrdreg $0xC0  }
0xb1: {  	_ =	task [dreg:s7], $0x5FFFF  }
0xb2: {  	[dreg:$0x1] =	wrdreg $0xFFFFFFFF  }
0xb3: {  	[dreg:$0x0] =	wrdreg $0x60  }
0xb4: {  	[dreg:$0x2] =	wrdreg s24  }
0xb5: {  	[dreg:$0x3] =	wrdreg s16  }
0xb6: {  	[dreg:$0x4] =	wrdreg $0xA4000  }
0xb7: {  	[dreg:$0x5] =	wrdreg $0x9  }
0xb8: {  	_ =	task.clear_ibuf [dreg:s7], $0x6FFFF;
	_ =	strace $0x9000004F  }
0xb9: {  	s29 =	simm.s32 $0x9;
	_ =	strace $0x80000051  }
0xba: {  	_ =	swait.ge [sflag:s29], $0x1  }
0xbb: {  	[sflag:s29] =	ssyncadd.s32 $0xFFFFFFFF  }
0xbc: {  	_ =	strace $0x90000051  }
0xbd: {  	_ =	sfence  }
0xbe: {  	s30 =	sld [smem:$0x0];
	_ =	sdelay $0x2  }
0xbf: {  	s31 =	sshll.u32 s1, $0xD;
	s1 =	sshrl.u32 s1, $0x2  }
0xc0: {  	s3 =	sand.u32 $0x4000, s31;
	s1 =	sadd.s32 s1, s30  }
0xc1: {  	s0 =	sor.u32 s3, s0;
	s1 =	sshll.u32 s1, $0x11  }
0xc2: {  	s0 =	sor.u32 s1, s0  }
0xc3: {  	s0 =	sadd.s32 $0x8F2B, s0  }
0xc4: {  	[sflag:s0] =	ssyncadd.remote.s32 $0x1  }
0xc5: {  	_ =	sfence.sel $0xFFFF  }
0xc6: {  	[dreg:$0x0] =	wrdreg $0xFFFFFFFF;
	(pc) =	sbr.abs _section_cstart, $3  }
0xc7: {  	[dreg:$0x1] =	wrdreg $0xFFFFFFFF  }
0xc8: {  	_ =	task.clear_ibuf [dreg:s7], $0x2FFFF;
	_ =	strace $0x9FFFFFFF  }
0xc9: {  	(tm) =	ssettm $0x7FFFFFFF  }
tec
execute0_lowered:
.L_overlay_start_1:
0x0: {  	(tag) =	ssettag $0x1  }
0x1: {  	s0 =	rddreg [dreg:$0x0]  }
0x2: {  	s12 =	rddreg [dreg:$0x1]  }
0x3: {  	s3 =	rddreg [dreg:$0x2]  }
0x4: {  	s2 =	stileid.u32;
	s1 =	srdreg.scid  }
0x5: {  	s4 =	simm.s32 $0x0;
	s28 =	simm.s32 $0x50;
	s29 =	simm.s32 $0x400  }
0x6: {  	s30 =	simm.s32 $0x200;
	s6 =	smul.u32 $0x14000, s2;
	s1 =	sand.u32 $0x1, s1  }
0x7: {  	[smem:$0x7FF] =	sst s4;
	s5 =	sadd.s32 $0xD600, s0;
	s10 =	smul.u32 $0x50000, s2  }
0x8: {  	s11 =	sshll.u32 s2, $0x1;
	s31 =	sshll.u32 s2, $0x6;
	s13 =	smul.u32 $0x4E20, s2  }
0x9: {  	s7 =	smul.u32 $0x140000, s1;
	_ =	strace $0x80000050;
	s9 =	ssub.s32 $0x2, s1  }
0xa: {  	s11 =	sor.u32 s1, s11;
	s16 =	sor.u32 $0x1C11, s31;
	s1 =	smul.u32 $0x2710, s1  }
0xb: {  	s8 =	sshrl.u32 s6, $0x3;
	s25 =	sshrl.u32 s9, $0x1;
	s10 =	sshrl.u32 s10, $0x2  }
0xc: {  	s26 =	smul.u32 $0x2710, s11;
	s11 =	simm.s32 $0xD;
	[dreg:$0x7] =	wrdreg s16  }
0xd: {  	s7 =	sadd.s32 s6, s7;
	s6 =	sadd.s32 $0x3800, s0;
	s8 =	sadd.s32 s8, s0  }
0xe: {  	s9 =	ssub.s32 s9, s25;
	s10 =	sadd.s32 s10, s3;
	s1 =	sadd.s32 s1, s13  }
0xf: {  	s13 =	simm.s32 $0x300;
	s7 =	sshrl.u32 s7, $0x3;
	[dreg:$0x5] =	wrdreg s10  }
0x10: {  	s8 =	sadd.s32 $0x35600, s8;
	[dreg:$0x4] =	wrdreg s26;
	s10 =	sshrl.u32 s26, $0x3  }
0x11: {  	s20 =	sadd.s32 $0x190, s1;
	s21 =	smax.u32 s9, $0x1;
	s22 =	sadd.s32 $0x230, s1  }
0x12: {  	s24 =	sadd.s32 $0x1E0, s1;
	s26 =	sadd.s32 $0xF0, s1;
	s1 =	sadd.s32 $0x140, s1  }
0x13: {  	s9 =	simm.s32 $0x3;
	s0 =	sadd.s32 s7, s0;
	[dreg:$0x6] =	wrdreg s8  }
0x14: {  	s14 =	sadd.s32 s12, s10;
	s15 =	sadd.s32 $0xA, s10;
	s7 =	sadd.s32 s6, s10  }
0x15: {  	s23 =	sadd.s32 $0x1E, s10;
	[dreg:$0xf] =	wrdreg s21;
	s8 =	sshrl.u32 s22, $0x3  }
0x16: {  	s25 =	sshrl.u32 s24, $0x3;
	[dreg:$0x10] =	wrdreg s1;
	s24 =	sshrl.u32 s26, $0x3  }
0x17: {  	s1 =	simm.s32 $0x9;
	[dreg:$0x9] =	wrdreg s7;
	s17 =	sadd.s32 s12, s15  }
0x18: {  	s18 =	sadd.s32 s6, s15;
	[dreg:$0x8] =	wrdreg s14;
	s2 =	sadd.s32 $0x14, s14  }
0x19: {  	s19 =	sadd.s32 s12, s23;
	s0 =	sadd.s32 $0xAD600, s0;
	[dreg:$0xa] =	wrdreg s17  }
0x1a: {  	s21 =	sadd.s32 s8, s12;
	s31 =	sadd.s32 s25, s12;
	[dreg:$0xb] =	wrdreg s18  }
.Ltmp0:
0x1b: {  	s8 =	simm.s32 $0x5;
	[dreg:$0xc] =	wrdreg s2;
	(pc) =	sbr.rel .LBB2_1-.Ltmp0, $4  }
0x1c: {  	s14 =	simm.s32 $0xB;
	s15 =	simm.s32 $0x7;
	[dreg:$0xd] =	wrdreg s19  }
0x1d: {  	s7 =	simm.s32 $0x0;
	[dreg:$0xe] =	wrdreg s0;
	s0 =	sshrl.u32 s20, $0x3  }
0x1e: {  	[dreg:$0x11] =	wrdreg s31;
	s2 =	simm.s32 $0x11;
	s17 =	simm.s32 $0x1  }
0x1f: {  	s20 =	sadd.s32 s0, s6;
	s25 =	sadd.s32 s0, s12;
	s12 =	simm.s32 $0x5400  }
.LBB2_8:
0x20: {  	s0 =	simm.s32 $0x10  }
0x21: {  	_ =	swait.ge [sflag:s0], $0x2800  }
0x22: {  	[sflag:s0] =	ssyncset.done $0x0  }
0x23: {  	[sflag:s0] =	ssyncadd.s32 $0xFFFFD800  }
0x24: {  	_ =	swait.ge [sflag:s11], $0x2800  }
0x25: {  	[sflag:s11] =	ssyncset.done $0x0  }
0x26: {  	[sflag:s11] =	ssyncadd.s32 $0xFFFFD800  }
0x27: {  	[bflag:$0x0] =	sbarrier.arrive $0xFFFF  }
0x28: {  	s16 =	rddreg [dreg:$0x7]  }
0x29: {  	s26 =	rddreg [dreg:$0xe]  }
0x2a: {  	s2 =	rddreg [dreg:$0x13]  }
0x2b: {  	[hbm:s26], [sflag:s16] =	dma.local [spmem:s2], $0x2800  }
0x2c: {  	s2 =	simm.s32 $0x11  }
0x2d: {  	_ =	swait.ge [sflag:s2], $0x2800  }
0x2e: {  	s7 =	rddreg [dreg:$0x12]  }
0x2f: {  	s31 =	rddreg [dreg:$0xf];
	s7 =	sadd.s32 $0x1, s7  }
0x30: {  	p0 =	sne.s32 s7, s31  }
.Ltmp1:
0x31: {  	_ = 	snop;
	(pc) =	sbr.rel @!p0 .LBB2_9-.Ltmp1, $3  }
0x32: {  	_ =	sdelay $0x1  }
0x33: {  	[sflag:s2] =	ssyncset.done $0x0  }
0x34: {  	[sflag:s2] =	ssyncadd.s32 $0xFFFFD800  }
.LBB2_1:
0x35: {  	[dreg:$0x12] =	wrdreg s7  }
0x36: {  	s0 =	rddreg [dreg:$0x5]  }
0x37: {  	s10 =	rddreg [dreg:$0x6];
	s0 =	sshrl.u32 s0, $0x3  }
0x38: {  	[dreg:$0x13] =	wrdreg s0  }
0x39: {  	[spmem:s0], [sflag:s16] =	dma.local [hbm:s10], $0x2800  }
0x3a: {  	_ =	swait.ge [sflag:s2], $0x2800  }
0x3b: {  	[sflag:s2] =	ssyncset.done $0x0  }
0x3c: {  	[sflag:s2] =	ssyncadd.s32 $0xFFFFD800  }
0x3d: {  	[bflag:$0x0] =	sbarrier.arrive $0xFFFF  }
0x3e: {  	s18 =	rddreg [dreg:$0x8]  }
0x3f: {  	[tilespmem:s4], [sflag:$0x11] =	stream.linear.gather [hbm4b:s18+s4], $0x50, $0x38;
	[tilespmem:$0x1E400] =	vst v63  }
0x40: {  	_ =	swait.ge [sflag:s2], $0x50  }
0x41: {  	[sflag:s2] =	ssyncset.done $0x0  }
0x42: {  	[sflag:s2] =	ssyncadd.s32 $0xFFFFFFB0  }
0x43: {  	[tilespmem:s29], [sflag:$0x9] =	stream.indirect.gather [hbm4b:s5+s28], $0x80, s4, s28, $0xb8;
	[tilespmem:$0x1E400] =	vst v63  }
0x44: {  	s19 =	rddreg [dreg:$0x9]  }
0x45: {  	[tilespmem:s30], [sflag:$0x5] =	stream.linear.gather [hbm4b:s19+s4], $0x50, $0x38;
	[tilespmem:$0x1E400] =	vst v63  }
0x46: {  	s26 =	simm.s32 $0x80;
	s22 =	rddreg [dreg:$0xa]  }
0x47: {  	[tilespmem:s26], [sflag:$0x11] =	stream.linear.gather [hbm4b:s22+s4], $0x50, $0x38;
	[tilespmem:$0x1E400] =	vst v63  }
0x48: {  	_ =	swait.ge [sflag:s2], $0x50  }
0x49: {  	[sflag:s2] =	ssyncset.done $0x0  }
0x4a: {  	[sflag:s2] =	ssyncadd.s32 $0xFFFFFFB0;
	s2 =	simm.s32 $0x2C00  }
0x4b: {  	[tilespmem:s2], [sflag:$0xA] =	stream.indirect.gather [hbm4b:s5+s28], $0x80, s26, s28, $0xb8;
	[tilespmem:$0x1E400] =	vst v63  }
0x4c: {  	s16 =	simm.s32 $0x280;
	s10 =	rddreg [dreg:$0xb]  }
0x4d: {  	[tilespmem:s16], [sflag:$0x6] =	stream.linear.gather [hbm4b:s10+s4], $0x50, $0x38;
	[tilespmem:$0x1E400] =	vst v63  }
.Ltmp2:
0x4e: {  	s19 =	simm.s32 $0x100;
	s18 =	rddreg [dreg:$0xc];
	(pc) =	sbr.rel .LBB2_2-.Ltmp2, $4  }
0x4f: {  	[tilespmem:s19], [sflag:$0x3] =	stream.linear.gather [hbm4b:s18+s4], $0x50, $0x38;
	[tilespmem:$0x1E400] =	vst v63  }
0x50: {  	s31 =	simm.s32 $0x2;
	s22 =	rddreg [dreg:$0xd];
	s26 =	simm.s32 $0x180  }
0x51: {  	[tilespmem:s26], [sflag:$0x4] =	stream.linear.gather [hbm4b:s22+s4], $0x50, $0x38;
	[tilespmem:$0x1E400] =	vst v63  }
0x52: {  	s10 =	simm.s32 $0x0;
	s18 =	rddreg [dreg:$0x10];
	s22 =	simm.s32 $0x0  }
.LBB2_7:
0x53: {  	s2 =	simm.s32 @!p2 $0xC  }
0x54: {  	_ =	swait.ge @!p2 [sflag:s2], $0x2800  }
0x55: {  	p1 =	por !p3, p2;
	[sflag:s2] =	ssyncset.done @!p2 $0x0  }
0x56: {  	[sflag:s2] =	ssyncadd.s32 @!p2 $0xFFFFD800;
	s2 =	simm.s32 @!p1 $0x8  }
0x57: {  	_ =	swait.ge @!p1 [sflag:s2], $0x50  }
0x58: {  	s7 =	simm.s32 @!p1 $0x380;
	[sflag:s2] =	ssyncset.done @!p1 $0x0  }
0x59: {  	s16 =	simm.s32 @!p1 $0x7C00;
	[sflag:s2] =	ssyncadd.s32 @!p1 $0xFFFFFFB0;
	s2 =	simm.s32 @!p1 $0x50  }
0x5a: {  	[spmem:s3] =	stream.indirect.scatter.add.f32 @!p1 [tilespmem:s16], [sflag:$0x10], $0x80, s7, s2, $0xb8;
	[tilespmem:$0x1E400] =	vst v63  }
0x5b: {  	s2 =	simm.s32 @!p1 $0xE  }
0x5c: {  	_ =	swait.ge @!p1 [sflag:s2], $0x2800  }
0x5d: {  	[sflag:s2] =	ssyncset.done @!p1 $0x0  }
0x5e: {  	s7 =	simm.s32 @!p0 $0x180;
	[sflag:s2] =	ssyncadd.s32 @!p1 $0xFFFFD800;
	s2 =	sadd.s32 @!p0 s10, s21  }
0x5f: {  	[tilespmem:s7], [sflag:$0x4] =	stream.linear.gather @!p0 [hbm4b:s2+s26], $0x50, $0x38;
	[tilespmem:$0x1E400] =	vst v63  }
0x60: {  	s2 =	simm.s32 @!p0 $0x8  }
0x61: {  	_ =	swait.ge @!p0 [sflag:s2], $0x50  }
0x62: {  	s16 =	simm.s32 @!p0 $0x7C00;
	[sflag:s2] =	ssyncset.done @!p0 $0x0  }
0x63: {  	s7 =	simm.s32 @!p0 $0x380;
	[sflag:s2] =	ssyncadd.s32 @!p0 $0xFFFFFFB0;
	s2 =	simm.s32 @!p0 $0x50  }
0x64: {  	[spmem:s3] =	stream.indirect.scatter.add.f32 @!p0 [tilespmem:s16], [sflag:$0x10], $0x80, s7, s2, $0xb8;
	[tilespmem:$0x1E400] =	vst v63  }
0x65: {  	s7 =	simm.s32 @!p0 $0xE  }
0x66: {  	_ =	swait.ge @!p0 [sflag:s7], $0x2800  }
0x67: {  	[sflag:s7] =	ssyncset.done @!p0 $0x0  }
0x68: {  	[sflag:s7] =	ssyncadd.s32 @!p0 $0xFFFFD800;
	s7 =	simm.s32 @!p0 $0x2  }
0x69: {  	_ =	swait.ge @!p0 [sflag:s7], $0x50  }
0x6a: {  	[sflag:s7] =	ssyncset.done @!p0 $0x0  }
0x6b: {  	[sflag:s7] =	ssyncadd.s32 @!p0 $0xFFFFFFB0;
	s7 =	simm.s32 @!p0 $0x2C00  }
0x6c: {  	[tilespmem:s7], [sflag:$0xA] =	stream.indirect.gather @!p0 [hbm4b:s5+s2], $0x80, s0, s2, $0xb8;
	[tilespmem:$0x1E400] =	vst v63  }
0x6d: {  	s0 =	sadd.s32 @!p0 s10, s20;
	s2 =	simm.s32 @!p0 $0x280;
	s10 =	sadd.s32 $0x28, s10  }
0x6e: {  	[tilespmem:s2], [sflag:$0x6] =	stream.linear.gather @!p0 [hbm4b:s0+s26], $0x50, $0x38;
	[tilespmem:$0x1E400] =	vst v63  }
0x6f: {  	p0 =	sne.s32 s10, $0x500  }
.Ltmp3:
0x70: {  	_ = 	snop;
	(pc) =	sbr.rel @!p0 .LBB2_8-.Ltmp3, $2  }
0x71: {  	_ =	sdelay $0x2  }
0x72: {  	s22 =	sadd.s32 $0x1, s22;
	s18 =	sadd.s32 $0x140, s18;
	s31 =	sadd.s32 $0x4, s31  }
.LBB2_2:
0x73: {  	_ =	swait.ge [sflag:s1], $0x2800  }
0x74: {  	[sflag:s1] =	ssyncset.done $0x0  }
0x75: {  	p1 =	seq.s32 s10, $0x4D8;
	[sflag:s1] =	ssyncadd.s32 $0xFFFFD800  }
0x76: {  	s0 =	sshrl.u32 @!p1 s18, $0x3;
	s2 =	rddreg [dreg:$0x1]  }
0x77: {  	p0 =	seq.s32 s10, $0x0;
	s26 =	simm.s32 @!p1 $0x0;
	s0 =	sadd.s32 @!p1 s2, s0  }
0x78: {  	[tilespmem:s26], [sflag:$0x1] =	stream.linear.gather @!p1 [hbm4b:s0+s26], $0x50, $0x38;
	[tilespmem:$0x1E400] =	vst v63  }
0x79: {  	p2 =	sgt.u32 @!p0 s31, $0x7C;
	_ =	swait.ge [sflag:s8], $0x50  }
0x7a: {  	p2 =	por p0, !p2;
	[sflag:s8] =	ssyncset.done $0x0  }
.Ltmp4:
0x7b: {  	s0 =	simm.s32 @!p0 $0xF;
	[sflag:s8] =	ssyncadd.s32 $0xFFFFFFB0;
	(pc) =	sbr.rel @!p2 .LBB2_4-.Ltmp4, $4  }
0x7c: {  	[spmem:s3] =	stream.indirect.scatter.add.f32 [tilespmem:s29], [sflag:$0xD], $0x80, s30, s28, $0xb8;
	[tilespmem:$0x1E400] =	vst v63  }
0x7d: {  	_ =	swait.ge @!p0 [sflag:s0], $0x2800  }
0x7e: {  	[sflag:s0] =	ssyncset.done @!p0 $0x0  }
0x7f: {  	p4 =	por @!p0 $0x0, $0x0;
	[sflag:s0] =	ssyncadd.s32 @!p0 $0xFFFFD800  }
0x80: {  	s0 =	smov.u32 s31;
	_ =	swait.ge [sflag:s9], $0x50  }
0x81: {  	s2 =	simm.s32 $0x100;
	s0 =	simm.s32 @p0 $0x2;
	[sflag:s9] =	ssyncset.done $0x0  }
0x82: {  	s26 =	rddreg [dreg:$0x4];
	[sflag:s9] =	ssyncadd.s32 $0xFFFFFFB0;
	s0 =	smul.u32 $0x50, s0  }
0x83: {  	[tilespmem:s12], [sflag:$0xB] =	stream.indirect.gather [hbm4b:s5+s28], $0x80, s2, s28, $0xb8;
	[tilespmem:$0x1E400] =	vst v63  }
0x84: {  	s0 =	sadd.s32 s26, s0  }
0x85: {  	s0 =	sshrl.u32 s0, $0x3  }
0x86: {  	p4 =	por $0x1, $0x1;
	s0 =	sadd.s32 s6, s0  }
0x87: {  	[tilespmem:s13], [sflag:$0x7] =	stream.linear.gather [hbm4b:s0+s4], $0x50, $0x38;
	[tilespmem:$0x1E400] =	vst v63  }
.LBB2_4:
0x88: {  	p2 =	sgt.u32 s22, $0x1E  }
0x89: {  	s0 =	simm.s32 @!p2 $0xA;
	p3 =	seq.s32 @!p2 s10, $0x4B0  }
0x8a: {  	_ =	swait.ge @!p2 [sflag:s0], $0x2800;
	p0 =	por p3, p2  }
0x8b: {  	[sflag:s0] =	ssyncset.done @!p2 $0x0;
	s19 =	sadd.s32 @!p0 s10, s25  }
0x8c: {  	s26 =	simm.s32 @!p0 $0x0;
	[sflag:s0] =	ssyncadd.s32 @!p2 $0xFFFFD800;
	s0 =	simm.s32 @!p0 $0x80  }
0x8d: {  	[tilespmem:s0], [sflag:$0x2] =	stream.linear.gather @!p0 [hbm4b:s19+s26], $0x50, $0x38;
	[tilespmem:$0x1E400] =	vst v63  }
0x8e: {  	s19 =	simm.s32 @!p2 $0x6  }
0x8f: {  	p5 =	seq.s32 @!p2 s10, $0x0;
	_ =	swait.ge @!p2 [sflag:s19], $0x50  }
0x90: {  	s2 =	simm.s32 @!p2 $0x280;
	s7 =	simm.s32 @!p2 $0x2C00;
	[sflag:s19] =	ssyncset.done @!p2 $0x0  }
0x91: {  	p6 =	por p5, p2;
	[sflag:s19] =	ssyncadd.s32 @!p2 $0xFFFFFFB0;
	s19 =	simm.s32 @!p2 $0x50  }
0x92: {  	[spmem:s3] =	stream.indirect.scatter.add.f32 @!p2 [tilespmem:s7], [sflag:$0xE], $0x80, s2, s19, $0xb8;
	[tilespmem:$0x1E400] =	vst v63  }
0x93: {  	s2 =	simm.s32 @!p6 $0x10  }
0x94: {  	_ =	swait.ge @!p6 [sflag:s2], $0x2800  }
0x95: {  	[sflag:s2] =	ssyncset.done @!p6 $0x0  }
0x96: {  	s16 =	smov.u32 s23;
	[sflag:s2] =	ssyncadd.s32 @!p6 $0xFFFFD800;
	s2 =	simm.s32 @!p2 $0x4  }
0x97: {  	p5 =	por !p5, p2;
	s7 =	sadd.s32 @!p6 s10, s24;
	_ =	swait.ge @!p2 [sflag:s2], $0x50  }
.Ltmp5:
0x98: {  	s16 =	smov.u32 @p5 s7;
	[sflag:s2] =	ssyncset.done @!p2 $0x0;
	(pc) =	sbr.rel @!p4 .LBB2_7-.Ltmp5, $4  }
0x99: {  	s7 =	simm.s32 @!p2 $0x7C00;
	[sflag:s2] =	ssyncadd.s32 @!p2 $0xFFFFFFB0;
	s2 =	simm.s32 @!p2 $0x180  }
0x9a: {  	[tilespmem:s7], [sflag:$0xC] =	stream.indirect.gather @!p2 [hbm4b:s5+s19], $0x80, s2, s19, $0xb8;
	[tilespmem:$0x1E400] =	vst v63  }
0x9b: {  	s2 =	sadd.s32 @!p2 s6, s16;
	s7 =	simm.s32 @!p2 $0x0;
	s16 =	simm.s32 @!p2 $0x380  }
0x9c: {  	[tilespmem:s16], [sflag:$0x8] =	stream.linear.gather @!p2 [hbm4b:s2+s7], $0x50, $0x38;
	[tilespmem:$0x1E400] =	vst v63  }
0x9d: {  	_ =	swait.ge [sflag:s14], $0x2800;
	p4 =	sgt.u32 s22, $0x1D  }
0x9e: {  	[sflag:s14] =	ssyncset.done $0x0;
	s2 =	rddreg [dreg:$0x11];
	s7 =	simm.s32 @!p4 $0x0  }
0x9f: {  	s16 =	simm.s32 @!p4 $0x100;
	[sflag:s14] =	ssyncadd.s32 $0xFFFFD800;
	s2 =	sadd.s32 @!p4 s10, s2  }
0xa0: {  	[tilespmem:s16], [sflag:$0x3] =	stream.linear.gather @!p4 [hbm4b:s2+s7], $0x50, $0x38;
	[tilespmem:$0x1E400] =	vst v63  }
0xa1: {  	_ =	swait.ge [sflag:s15], $0x50  }
0xa2: {  	[sflag:s15] =	ssyncset.done $0x0  }
.Ltmp6:
0xa3: {  	[sflag:s15] =	ssyncadd.s32 $0xFFFFFFB0;
	(pc) =	sbr.rel @p1 .LBB2_8-.Ltmp6, $4  }
0xa4: {  	[spmem:s3] =	stream.indirect.scatter.add.f32 [tilespmem:s12], [sflag:$0xF], $0x80, s13, s28, $0xb8;
	[tilespmem:$0x1E400] =	vst v63  }
0xa5: {  	_ =	swait.ge [sflag:s11], $0x2800  }
0xa6: {  	[sflag:s11] =	ssyncset.done $0x0  }
0xa7: {  	[sflag:s11] =	ssyncadd.s32 $0xFFFFD800  }
0xa8: {  	_ =	swait.ge [sflag:s17], $0x50  }
.Ltmp7:
0xa9: {  	[sflag:s17] =	ssyncset.done $0x0;
	(pc) =	sbr.rel .LBB2_7-.Ltmp7, $4  }
0xaa: {  	s2 =	sshrl.u32 s18, $0x3;
	[sflag:s17] =	ssyncadd.s32 $0xFFFFFFB0  }
0xab: {  	[tilespmem:s29], [sflag:$0x9] =	stream.indirect.gather [hbm4b:s5+s28], $0x80, s4, s28, $0xb8;
	[tilespmem:$0x1E400] =	vst v63  }
0xac: {  	s2 =	sadd.s32 s6, s2  }
0xad: {  	[tilespmem:s30], [sflag:$0x5] =	stream.linear.gather [hbm4b:s2+s4], $0x50, $0x38;
	[tilespmem:$0x1E400] =	vst v63  }
.LBB2_9:
0xae: {  	_ =	sfence.sel $0x180000  }
0xaf: {  	[bflag:$0x0] =	sbarrier.arrive $0xFFFF  }
0xb0: {  	_ =	strace $0x90000050  }
0xb1: {  	s0 =	stileid.u32;
	[bflag:$0x2] =	sbarrier.arrive $0xFFFF  }
0xb2: {  	p0 =	sne.s32 s0, $0x0;
	s0 =	rddreg [dreg:$0x3]  }
0xb3: {  	s0 =	sadd.s32 @!p0 $0x100000, s0  }
0xb4: {  	[sflag:s0] =	ssyncadd.tile.s32 @!p0 $0x1;
	_ =	shalt  }
.Lfunc_end2:
_tile_overlayer_lowered:
.L_overlay_start_2:
0xb5: {  	(tag) =	ssettag $0x2  }
0xb6: {  	s0 =	rddreg [dreg:$0x0];
	s2 =	stileid.u32  }
0xb7: {  	s1 =	rddreg [dreg:$0x1];
	p0 =	sne.s32 s2, $0x0  }
0xb8: {  	s3 =	rddreg [dreg:$0x2];
	[bflag:$0x3] =	sbarrier.arrive $0xFFFF;
	s2 =	simm.s32 @!p0 $0x1C11  }
0xb9: {  	[timem:s3], [sflag:s2] =	dma.local @!p0 [hbm:s0], s1  }
0xba: {  	s0 =	simm.s32 @!p0 $0x11  }
0xbb: {  	_ =	swait.ge @!p0 [sflag:s0], s1  }
0xbc: {  	s1 =	ssub.s32 @!p0 $0x0, s1;
	[sflag:s0] =	ssyncset.done @!p0 $0x0  }
0xbd: {  	[sflag:s0] =	ssyncadd.s32 @!p0 s1  }
0xbe: {  	[bflag:$0x3] =	sbarrier.arrive $0xFFFF  }
0xbf: {  	_ =	shalt  }

</sc_bundles>
